<compile_context>
chip_gen: v7x
topology: tpu7x:2x2x1
jax: 0.10.2.dev20260603
libtpu: 0.0.44.dev20260713+nightly
codegen_flags: <defaults>
</compile_context>

<pallas_src>
import jax
import jax.numpy as jnp
from jax import lax
from jax.experimental import pallas as pl
from jax.experimental.pallas import tpu as pltpu
from jax.experimental.pallas import tpu_sc as plsc

N_NODES = 10000
N_EDGES = 320000
N_PAIRS = 100000
D = 128

NC = 2
NS = 16
NW = NC * NS
NP = 10240
STRIPE = NP // NS

EB = 128
EP = 327680
EBA = 128
AGG_W = NW
ROWS_PER_W = EP // EBA // AGG_W
CH = 40
NCH = ROWS_PER_W // CH
ROWS_PER_T = EP // EB // NS

PP = 106496
P_PER_W = PP // NW
P_ITER = P_PER_W // EB
DP = 16

BLK = 1024
GRID = NP // BLK

_mesh = plsc.VectorSubcoreMesh(core_axis_name="c", subcore_axis_name="s")



def _deg_body(eidx_h, ones_h, zvec_h, out_h, idx_v, ones_v, deg_sh, semd):
    cid = lax.axis_index("c")
    sid = lax.axis_index("s")
    pltpu.sync_copy(ones_h, ones_v)
    pltpu.sync_copy(zvec_h, deg_sh.at[pl.ds(sid * STRIPE, STRIPE)])
    for m in range(2):
        pltpu.sync_copy(eidx_h.at[cid, 2 * sid + m],
                        idx_v.at[pl.ds(m * (ROWS_PER_T // 2), ROWS_PER_T // 2)])
    plsc.subcore_barrier()

    GRP = 16

    def group(g, _):
        def fire(i, _):
            pltpu.async_copy(ones_v, deg_sh.at[idx_v.at[g * GRP + i]], semd,
                             add=True)
            return 0

        lax.fori_loop(0, GRP, fire, 0)

        def drain(i, _):
            pltpu.make_async_copy(ones_v, deg_sh.at[idx_v.at[g * GRP + i]],
                                  semd).wait()
            return 0

        lax.fori_loop(0, GRP, drain, 0)
        return 0

    lax.fori_loop(0, ROWS_PER_T // GRP, group, 0)
    plsc.subcore_barrier()
    pltpu.sync_copy(deg_sh.at[pl.ds(sid * STRIPE, STRIPE)],
                    out_h.at[cid, pl.ds(sid * STRIPE, STRIPE)])


def _agg_body(tab_h, srcb_h, dstb_h, zblk_h, out_h,
              idx_s, idx_d, rows_v, rows1, acc_sh, sem, sem1):
    cid = lax.axis_index("c")
    sid = lax.axis_index("s")
    wid = cid * NS + sid
    pltpu.sync_copy(zblk_h, acc_sh.at[pl.ds(sid * STRIPE, STRIPE)])
    plsc.subcore_barrier()

    def chunk(c, _):
        pltpu.sync_copy(srcb_h.at[wid, pl.ds(c * CH, CH)], idx_s)
        pltpu.sync_copy(dstb_h.at[wid, pl.ds(c * CH, CH)], idx_d)
        pltpu.async_copy(tab_h.at[idx_s.at[0]], rows_v, sem)

        def step(jj, _):
            j = 2 * jj
            pltpu.async_copy(tab_h.at[idx_s.at[j + 1]], rows1, sem1)
            pltpu.make_async_copy(tab_h.at[idx_s.at[j]], rows_v, sem).wait()
            pltpu.sync_copy(rows_v, acc_sh.at[idx_d.at[j]], add=True)

            @pl.when(jj < CH // 2 - 1)
            def _():
                pltpu.async_copy(tab_h.at[idx_s.at[j + 2]], rows_v, sem)

            pltpu.make_async_copy(tab_h.at[idx_s.at[j + 1]], rows1, sem1).wait()
            pltpu.sync_copy(rows1, acc_sh.at[idx_d.at[j + 1]], add=True)
            return 0

        lax.fori_loop(0, CH // 2, step, 0)
        return 0

    lax.fori_loop(0, NCH, chunk, 0)
    plsc.subcore_barrier()
    pltpu.sync_copy(acc_sh.at[pl.ds(sid * STRIPE, STRIPE)],
                    out_h.at[cid, pl.ds(sid * STRIPE, STRIPE)])


def _pair_body(u_h, v_h, p0_h, p1_h, o_h,
               p0_v, p1_v, ur0, vr0, o0_v, ur1, vr1, o1_v,
               su0, sv0, su1, sv1):
    cid = lax.axis_index("c")
    sid = lax.axis_index("s")
    wid = cid * NS + sid
    pltpu.sync_copy(p0_h.at[wid], p0_v)
    pltpu.sync_copy(p1_h.at[wid], p1_v)

    def halfstep(j, ur, vr, ov, su, sv, nxt):
        pltpu.make_async_copy(u_h.at[p0_v.at[j]], ur, su).wait()
        pltpu.make_async_copy(v_h.at[p1_v.at[j]], vr, sv).wait()

        def add_row(k, _):
            ov[k, :] = ur[k, :] + vr[k, :]
            return 0

        lax.fori_loop(0, EB, add_row, 0)

        @pl.when(nxt < P_ITER)
        def _():
            pltpu.async_copy(u_h.at[p0_v.at[nxt]], ur, su)
            pltpu.async_copy(v_h.at[p1_v.at[nxt]], vr, sv)

        pltpu.sync_copy(ov, o_h.at[wid, pl.ds(j * EB, EB)])

    pltpu.async_copy(u_h.at[p0_v.at[0]], ur0, su0)
    pltpu.async_copy(v_h.at[p1_v.at[0]], vr0, sv0)
    pltpu.async_copy(u_h.at[p0_v.at[1]], ur1, su1)
    pltpu.async_copy(v_h.at[p1_v.at[1]], vr1, sv1)

    def step(jj, _):
        j = 2 * jj
        halfstep(j, ur0, vr0, o0_v, su0, sv0, j + 2)
        halfstep(j + 1, ur1, vr1, o1_v, su1, sv1, j + 3)
        return 0

    lax.fori_loop(0, P_ITER // 2, step, 0)


_deg_call = pl.kernel(
    _deg_body,
    out_type=jax.ShapeDtypeStruct((NC, NP), jnp.float32),
    mesh=_mesh,
    scratch_types=[
        pltpu.VMEM((ROWS_PER_T, EB), jnp.int32),
        pltpu.VMEM((EB,), jnp.float32),
        pltpu.VMEM_SHARED((NP,), jnp.float32),
        pltpu.SemaphoreType.DMA,
    ],
)

_agg_call = pl.kernel(
    _agg_body,
    out_type=jax.ShapeDtypeStruct((NC, NP, D), jnp.float32),
    mesh=_mesh,
    scratch_types=[
        pltpu.VMEM((CH, EBA), jnp.int32),
        pltpu.VMEM((CH, EBA), jnp.int32),
        pltpu.VMEM((EBA, D), jnp.float32),
        pltpu.VMEM((EBA, D), jnp.float32),
        pltpu.VMEM_SHARED((NP, D), jnp.float32),
        pltpu.SemaphoreType.DMA,
        pltpu.SemaphoreType.DMA,
    ],
)

_pair_call = pl.kernel(
    _pair_body,
    out_type=jax.ShapeDtypeStruct((NW, P_PER_W, DP), jnp.float32),
    mesh=_mesh,
    scratch_types=[
        pltpu.VMEM((P_ITER, EB), jnp.int32),
        pltpu.VMEM((P_ITER, EB), jnp.int32),
        pltpu.VMEM((EB, DP), jnp.float32),
        pltpu.VMEM((EB, DP), jnp.float32),
        pltpu.VMEM((EB, DP), jnp.float32),
        pltpu.VMEM((EB, DP), jnp.float32),
        pltpu.VMEM((EB, DP), jnp.float32),
        pltpu.VMEM((EB, DP), jnp.float32),
        pltpu.SemaphoreType.DMA,
        pltpu.SemaphoreType.DMA,
        pltpu.SemaphoreType.DMA,
        pltpu.SemaphoreType.DMA,
    ],
    compiler_params=pltpu.CompilerParams(use_tc_tiling_on_sc=False),
)



def _scale_body(x_ref, dT_ref, o_ref):
    a = lax.rsqrt(jnp.maximum(dT_ref[:, 0:1], 1.0))
    o_ref[...] = x_ref[...] * a


def _mm1_body(p_ref, dT_ref, W_ref, b_ref, o_ref):
    acc = p_ref[0] + p_ref[1]
    dT = dT_ref[...]
    bsc = lax.rsqrt(jnp.maximum(dT[:, 1:2], 1.0))
    asc = lax.rsqrt(jnp.maximum(dT[:, 0:1], 1.0))
    y = jnp.dot(acc * bsc, W_ref[...], preferred_element_type=jnp.float32)
    o_ref[...] = jnp.maximum(y + b_ref[...], 0.0) * asc


def _mm2_body(p_ref, dT_ref, W_ref, b_ref, wt_ref, wb_ref, bc_ref,
              z_ref, u_ref, v_ref):
    acc = p_ref[0] + p_ref[1]
    dT = dT_ref[...]
    bsc = lax.rsqrt(jnp.maximum(dT[:, 1:2], 1.0))
    y = jnp.dot(acc * bsc, W_ref[...], preferred_element_type=jnp.float32)
    z = jnp.maximum(y + b_ref[...], 0.0)
    z_ref[...] = z
    u_ref[...] = jnp.dot(z, wt_ref[...], preferred_element_type=jnp.float32) + bc_ref[...]
    v_ref[...] = jnp.dot(z, wb_ref[...], preferred_element_type=jnp.float32)


def _row_spec():
    return pl.BlockSpec((BLK, D), lambda i: (i, 0))


def _deg_spec():
    return pl.BlockSpec((BLK, 2), lambda i: (i, 0))


def _full(shape):
    return pl.BlockSpec(shape, lambda i: tuple(0 for _ in shape))


_scale_call = pl.pallas_call(
    _scale_body,
    grid=(GRID,),
    in_specs=[_row_spec(), _deg_spec()],
    out_specs=_row_spec(),
    out_shape=jax.ShapeDtypeStruct((NP, D), jnp.float32),
)

_mm1_call = pl.pallas_call(
    _mm1_body,
    grid=(GRID,),
    in_specs=[pl.BlockSpec((2, BLK, D), lambda i: (0, i, 0)), _deg_spec(),
              _full((D, D)), _full((1, D))],
    out_specs=_row_spec(),
    out_shape=jax.ShapeDtypeStruct((NP, D), jnp.float32),
)

_mm2_call = pl.pallas_call(
    _mm2_body,
    grid=(GRID,),
    in_specs=[pl.BlockSpec((2, BLK, D), lambda i: (0, i, 0)), _deg_spec(),
              _full((D, D)), _full((1, D)),
              _full((D, DP)), _full((D, DP)), _full((1, DP))],
    out_specs=[_row_spec(),
               pl.BlockSpec((BLK, DP), lambda i: (i, 0)),
               pl.BlockSpec((BLK, DP), lambda i: (i, 0))],
    out_shape=[jax.ShapeDtypeStruct((N_NODES, D), jnp.float32),
               jax.ShapeDtypeStruct((NP, DP), jnp.float32),
               jax.ShapeDtypeStruct((NP, DP), jnp.float32)],
)



def kernel(x, edge_index, pair_index, W1, b1, W2, b2, Wc, bc):
    f32 = jnp.float32
    x_pad = jnp.pad(x, ((0, NP - N_NODES), (0, 0)))

    pad_ids = N_NODES + jnp.arange(EP - N_EDGES, dtype=jnp.int32) % (NP - N_NODES)
    e = jnp.concatenate([edge_index, jnp.stack([pad_ids, pad_ids])], axis=1)
    eb = e.reshape(2, AGG_W, ROWS_PER_W, EBA)
    ebt = e.reshape(2, NS * 2, ROWS_PER_T // 2, EB)

    pad_pids = jnp.arange(PP - N_PAIRS, dtype=jnp.int32) % N_NODES
    p = jnp.concatenate([pair_index, jnp.stack([pad_pids, pad_pids])],
                        axis=1).reshape(2, NW, P_ITER, EB)

    ones_e = jnp.ones((EB,), f32)
    zvec = jnp.zeros((STRIPE,), f32)
    zblk = jnp.zeros((STRIPE, D), f32)

    deg = _deg_call(ebt, ones_e, zvec)
    degT = deg.T

    hs1 = _scale_call(x_pad, degT)
    p1 = _agg_call(hs1, eb[0], eb[1], zblk)
    h1 = _mm1_call(p1, degT, W1, b1.reshape(1, D))
    p2 = _agg_call(h1, eb[0], eb[1], zblk)
    wt = jnp.pad(Wc[:D], ((0, 0), (0, DP - 2)))
    wb = jnp.pad(Wc[D:], ((0, 0), (0, DP - 2)))
    bcp = jnp.pad(bc.reshape(1, 2), ((0, 0), (0, DP - 2)))
    z, u, v = _mm2_call(p2, degT, W2, b2.reshape(1, D), wt, wb, bcp)

    o = _pair_call(u, v, p[0], p[1])
    logits = o.reshape(PP, DP)[:N_PAIRS, :2]
    return (z, logits)

# --- scband reference (transcript-rebuilt; emitter-appended) ---
"""Pipeline reference for scband-hgcn-41695542509880 (READ-ONLY COPY).

The authoritative reference and input builder live on the scoring server;
editing this copy changes nothing except your own understanding.
"""

import jax, jax.numpy as jnp
import numpy as np

N_NODES = 10000
N_EDGES = 320000
N_PAIRS = 100000
D_IN = 128
D_HID = 128
D_OUT = 2


def setup_inputs(seed: int = 0) -> dict:
    key = jax.random.key(seed)
    ks = jax.random.split(key, 10)
    x = jax.random.normal(ks[0], (N_NODES, D_IN), dtype=jnp.float32)
    edge_index = jax.random.randint(ks[1], (2, N_EDGES), 0, N_NODES, dtype=jnp.int32)
    pair_index = jax.random.randint(ks[2], (2, N_PAIRS), 0, N_NODES, dtype=jnp.int32)
    s1 = 1.0 / np.sqrt(D_IN)
    s2 = 1.0 / np.sqrt(D_HID)
    sc = 1.0 / np.sqrt(2 * D_HID)
    W1 = jax.random.normal(ks[3], (D_IN, D_HID), dtype=jnp.float32) * s1
    b1 = jnp.zeros((D_HID,), dtype=jnp.float32)
    W2 = jax.random.normal(ks[4], (D_HID, D_HID), dtype=jnp.float32) * s2
    b2 = jnp.zeros((D_HID,), dtype=jnp.float32)
    Wc = jax.random.normal(ks[5], (2 * D_HID, D_OUT), dtype=jnp.float32) * sc
    bc = jnp.zeros((D_OUT,), dtype=jnp.float32)
    return {"x": x, "edge_index": edge_index, "pair_index": pair_index,
            "W1": W1, "b1": b1, "W2": W2, "b2": b2, "Wc": Wc, "bc": bc}


def _gcn_layer(h, src, dst, W, b, n_nodes):
    ones = jnp.ones(src.shape[0], dtype=h.dtype)
    deg_out = jnp.zeros((n_nodes,), dtype=h.dtype).at[src].add(ones)
    deg_in = jnp.zeros((n_nodes,), dtype=h.dtype).at[dst].add(ones)
    norm = jax.lax.rsqrt(jnp.clip(deg_out[src] * deg_in[dst], 1.0, None))
    msg = h[src] * norm[:, None]
    agg = jnp.zeros((n_nodes, h.shape[1]), dtype=h.dtype).at[dst].add(msg)
    return agg @ W + b


def reference(x, edge_index, pair_index, W1, b1, W2, b2, Wc, bc):
    n = x.shape[0]
    src, dst = edge_index[0], edge_index[1]
    # layer 1 (HeteroGraphConv over single relation, aggregate='mean' is identity) + relu
    h = jax.nn.relu(_gcn_layer(x, src, dst, W1, b1, n))
    # layer 2 + relu
    h = jax.nn.relu(_gcn_layer(h, src, dst, W2, b2, n))
    # link classification on candidate pairs
    hs = h[pair_index[0]]
    hd = h[pair_index[1]]
    h_pair = jnp.concatenate([hs, hd], axis=1)
    logits = h_pair @ Wc + bc
    z = h
    return (z, logits)

if __name__ == "__main__":
    import jax
    _d = setup_inputs()
    print(jax.jit(kernel)(*tuple(_d.values())))

</pallas_src>

<mosaic_0001>
#map = affine_map<(d0, d1) -> (0, 0)>
#map1 = affine_map<(d0, d1) -> (0, 0, 0)>
module attributes {stable_mosaic.version = 14 : i64} {
  func.func @_agg_body(%arg0: i32, %arg1: i32, %arg2: memref<10240x128xf32, #tpu.memory_space<hbm>>, %arg3: memref<32x80x128xi32, #tpu.memory_space<hbm>>, %arg4: memref<32x80x128xi32, #tpu.memory_space<hbm>>, %arg5: memref<640x128xf32, #tpu.memory_space<hbm>>, %arg6: memref<2x10240x128xf32, #tpu.memory_space<hbm>>, %arg7: memref<40x128xi32, #tpu.memory_space<vmem>>, %arg8: memref<40x128xi32, #tpu.memory_space<vmem>>, %arg9: memref<128x128xf32, #tpu.memory_space<vmem>>, %arg10: memref<128x128xf32, #tpu.memory_space<vmem>>, %arg11: memref<10240x128xf32, #tpu.memory_space<vmem_shared>>, %arg12: memref<!tpu.dma_semaphore, #tpu.memory_space<semaphore_mem>>, %arg13: memref<!tpu.dma_semaphore, #tpu.memory_space<semaphore_mem>>) attributes {dimension_semantics = [#tpu.dimension_semantics<core_parallel>, #tpu.dimension_semantics<subcore_parallel>], iteration_bounds = array<i64: 2, 16>, scalar_prefetch = 0 : i64, scratch_operands = 7 : i64, tpu.core_type = #tpu.core_type<sc_vector_subcore>, window_params = [{transform_indices = #map}, {transform_indices = #map1}, {transform_indices = #map1}, {transform_indices = #map}, {transform_indices = #map1}]} {
    %mul3A = arith.constant 16 : i32
    %mul3A_0 = arith.muli %arg0, %mul3A : i32
    %add3A = arith.addi %mul3A_0, %arg1 : i32
    %mul3A_1 = arith.constant 640 : i32
    %mul3A_2 = arith.muli %arg1, %mul3A_1 : i32
    "tpu.region"() ({
      %run_scoped3A = tpu.sem_alloc : memref<!tpu.dma_semaphore, #tpu.memory_space<semaphore_mem>>
      %dma_start3A = arith.constant 0 : i32
      %dma_start3A_14 = tpu.memref_slice %arg11[%mul3A_2, %dma_start3A] : memref<10240x128xf32, #tpu.memory_space<vmem_shared>> -> memref<640x128xf32, #tpu.memory_space<vmem_shared>>
      tpu.enqueue_dma source(%arg5 : memref<640x128xf32, #tpu.memory_space<hbm>>) target(%dma_start3A_14 : memref<640x128xf32, #tpu.memory_space<vmem_shared>>) target_semaphore(%run_scoped3A : memref<!tpu.dma_semaphore, #tpu.memory_space<semaphore_mem>>)
      %dma_wait3A = arith.constant 0 : i32
      %dma_wait3A_15 = tpu.memref_slice %arg11[%mul3A_2, %dma_wait3A] : memref<10240x128xf32, #tpu.memory_space<vmem_shared>> -> memref<640x128xf32, #tpu.memory_space<vmem_shared>>
      tpu.wait_dma2 semaphore(%run_scoped3A : memref<!tpu.dma_semaphore, #tpu.memory_space<semaphore_mem>>) src(%arg5 : memref<640x128xf32, #tpu.memory_space<hbm>>) dst(%dma_wait3A_15 : memref<640x128xf32, #tpu.memory_space<vmem_shared>>)
      tpu.yield
    }) : () -> ()
    %barrier3A = arith.constant 0 : index
    tpu.barrier barrier_id(%barrier3A)
    %scan3A = arith.constant 0 : i32
    %scan3A_3 = arith.constant 0 : i32
    %scan3A_4 = arith.constant 2 : i32
    %scan3A_5 = arith.addi %scan3A_3, %scan3A_4 : i32
    %scan3A_6 = arith.constant 1 : i32
    %scan3A_7 = scf.for %scan3A_14 = %scan3A_3 to %scan3A_5 step %scan3A_6 iter_args(%scan3A_15 = %scan3A) -> (i32)  : i32 {
      %mul3A_16 = arith.constant 40 : i32
      %mul3A_17 = arith.muli %scan3A_14, %mul3A_16 : i32
      "tpu.region"() ({
        %run_scoped3A = tpu.sem_alloc : memref<!tpu.dma_semaphore, #tpu.memory_space<semaphore_mem>>
        %dma_start3A_34 = arith.constant 0 : i32
        %dma_start3A_35 = tpu.memref_slice %arg3[%add3A, %mul3A_17, %dma_start3A_34] : memref<32x80x128xi32, #tpu.memory_space<hbm>> -> memref<1x40x128xi32, #tpu.memory_space<hbm>>
        %dma_start3A_36 = tpu.memref_squeeze %dma_start3A_35 : memref<1x40x128xi32, #tpu.memory_space<hbm>> -> memref<40x128xi32, #tpu.memory_space<hbm>>
        %dma_start3A_37 = arith.constant 0 : i32
        %dma_start3A_38 = tpu.memref_slice %arg3[%add3A, %mul3A_17, %dma_start3A_37] : memref<32x80x128xi32, #tpu.memory_space<hbm>> -> memref<1x40x128xi32, #tpu.memory_space<hbm>>
        %dma_start3A_39 = tpu.memref_squeeze %dma_start3A_38 : memref<1x40x128xi32, #tpu.memory_space<hbm>> -> memref<40x128xi32, #tpu.memory_space<hbm>>
        tpu.enqueue_dma source(%dma_start3A_39 : memref<40x128xi32, #tpu.memory_space<hbm>>) target(%arg7 : memref<40x128xi32, #tpu.memory_space<vmem>>) target_semaphore(%run_scoped3A : memref<!tpu.dma_semaphore, #tpu.memory_space<semaphore_mem>>)
        %dma_wait3A = arith.constant 0 : i32
        %dma_wait3A_40 = tpu.memref_slice %arg3[%add3A, %mul3A_17, %dma_wait3A] : memref<32x80x128xi32, #tpu.memory_space<hbm>> -> memref<1x40x128xi32, #tpu.memory_space<hbm>>
        %dma_wait3A_41 = tpu.memref_squeeze %dma_wait3A_40 : memref<1x40x128xi32, #tpu.memory_space<hbm>> -> memref<40x128xi32, #tpu.memory_space<hbm>>
        %dma_wait3A_42 = arith.constant 0 : i32
        %dma_wait3A_43 = tpu.memref_slice %arg3[%add3A, %mul3A_17, %dma_wait3A_42] : memref<32x80x128xi32, #tpu.memory_space<hbm>> -> memref<1x40x128xi32, #tpu.memory_space<hbm>>
        %dma_wait3A_44 = tpu.memref_squeeze %dma_wait3A_43 : memref<1x40x128xi32, #tpu.memory_space<hbm>> -> memref<40x128xi32, #tpu.memory_space<hbm>>
        tpu.wait_dma2 semaphore(%run_scoped3A : memref<!tpu.dma_semaphore, #tpu.memory_space<semaphore_mem>>) src(%dma_wait3A_44 : memref<40x128xi32, #tpu.memory_space<hbm>>) dst(%arg7 : memref<40x128xi32, #tpu.memory_space<vmem>>)
        tpu.yield
      }) : () -> ()
      %mul3A_18 = arith.constant 40 : i32
      %mul3A_19 = arith.muli %scan3A_14, %mul3A_18 : i32
      "tpu.region"() ({
        %run_scoped3A = tpu.sem_alloc : memref<!tpu.dma_semaphore, #tpu.memory_space<semaphore_mem>>
        %dma_start3A_34 = arith.constant 0 : i32
        %dma_start3A_35 = tpu.memref_slice %arg4[%add3A, %mul3A_19, %dma_start3A_34] : memref<32x80x128xi32, #tpu.memory_space<hbm>> -> memref<1x40x128xi32, #tpu.memory_space<hbm>>
        %dma_start3A_36 = tpu.memref_squeeze %dma_start3A_35 : memref<1x40x128xi32, #tpu.memory_space<hbm>> -> memref<40x128xi32, #tpu.memory_space<hbm>>
        %dma_start3A_37 = arith.constant 0 : i32
        %dma_start3A_38 = tpu.memref_slice %arg4[%add3A, %mul3A_19, %dma_start3A_37] : memref<32x80x128xi32, #tpu.memory_space<hbm>> -> memref<1x40x128xi32, #tpu.memory_space<hbm>>
        %dma_start3A_39 = tpu.memref_squeeze %dma_start3A_38 : memref<1x40x128xi32, #tpu.memory_space<hbm>> -> memref<40x128xi32, #tpu.memory_space<hbm>>
        tpu.enqueue_dma source(%dma_start3A_39 : memref<40x128xi32, #tpu.memory_space<hbm>>) target(%arg8 : memref<40x128xi32, #tpu.memory_space<vmem>>) target_semaphore(%run_scoped3A : memref<!tpu.dma_semaphore, #tpu.memory_space<semaphore_mem>>)
        %dma_wait3A = arith.constant 0 : i32
        %dma_wait3A_40 = tpu.memref_slice %arg4[%add3A, %mul3A_19, %dma_wait3A] : memref<32x80x128xi32, #tpu.memory_space<hbm>> -> memref<1x40x128xi32, #tpu.memory_space<hbm>>
        %dma_wait3A_41 = tpu.memref_squeeze %dma_wait3A_40 : memref<1x40x128xi32, #tpu.memory_space<hbm>> -> memref<40x128xi32, #tpu.memory_space<hbm>>
        %dma_wait3A_42 = arith.constant 0 : i32
        %dma_wait3A_43 = tpu.memref_slice %arg4[%add3A, %mul3A_19, %dma_wait3A_42] : memref<32x80x128xi32, #tpu.memory_space<hbm>> -> memref<1x40x128xi32, #tpu.memory_space<hbm>>
        %dma_wait3A_44 = tpu.memref_squeeze %dma_wait3A_43 : memref<1x40x128xi32, #tpu.memory_space<hbm>> -> memref<40x128xi32, #tpu.memory_space<hbm>>
        tpu.wait_dma2 semaphore(%run_scoped3A : memref<!tpu.dma_semaphore, #tpu.memory_space<semaphore_mem>>) src(%dma_wait3A_44 : memref<40x128xi32, #tpu.memory_space<hbm>>) dst(%arg8 : memref<40x128xi32, #tpu.memory_space<vmem>>)
        tpu.yield
      }) : () -> ()
      %dma_start3A = arith.constant 0 : i32
      %dma_start3A_20 = arith.constant 0 : i32
      %dma_start3A_21 = tpu.memref_slice %arg7[%dma_start3A, %dma_start3A_20] : memref<40x128xi32, #tpu.memory_space<vmem>> -> memref<1x128xi32, #tpu.memory_space<vmem>>
      %dma_start3A_22 = tpu.memref_squeeze %dma_start3A_21 : memref<1x128xi32, #tpu.memory_space<vmem>> -> memref<128xi32, #tpu.memory_space<vmem>>
      %dma_start3A_23 = arith.constant 0 : i32
      %dma_start3A_24 = arith.constant 0 : i32
      %dma_start3A_25 = tpu.memref_slice %arg2[%dma_start3A_23, %dma_start3A_24] : memref<10240x128xf32, #tpu.memory_space<hbm>> -> memref<10240x128xf32, #tpu.memory_space<hbm>>
      tpu.enqueue_indirect_dma source(%dma_start3A_25 : memref<10240x128xf32, #tpu.memory_space<hbm>>) target(%arg9 : memref<128x128xf32, #tpu.memory_space<vmem>>) offsets(%dma_start3A_22 : memref<128xi32, #tpu.memory_space<vmem>>) semaphore(%arg12 : memref<!tpu.dma_semaphore, #tpu.memory_space<semaphore_mem>>)
      %scan3A_26 = arith.constant 0 : i32
      %scan3A_27 = arith.constant 0 : i32
      %scan3A_28 = arith.constant 20 : i32
      %scan3A_29 = arith.addi %scan3A_27, %scan3A_28 : i32
      %scan3A_30 = arith.constant 1 : i32
      %scan3A_31 = scf.for %scan3A_34 = %scan3A_27 to %scan3A_29 step %scan3A_30 iter_args(%scan3A_35 = %scan3A_26) -> (i32)  : i32 {
        %mul3A_36 = arith.constant 2 : i32
        %mul3A_37 = arith.muli %mul3A_36, %scan3A_34 : i32
        %add3A_38 = arith.constant 1 : i32
        %add3A_39 = arith.addi %mul3A_37, %add3A_38 : i32
        %dma_start3A_40 = arith.constant 0 : i32
        %dma_start3A_41 = tpu.memref_slice %arg7[%add3A_39, %dma_start3A_40] : memref<40x128xi32, #tpu.memory_space<vmem>> -> memref<1x128xi32, #tpu.memory_space<vmem>>
        %dma_start3A_42 = tpu.memref_squeeze %dma_start3A_41 : memref<1x128xi32, #tpu.memory_space<vmem>> -> memref<128xi32, #tpu.memory_space<vmem>>
        %dma_start3A_43 = arith.constant 0 : i32
        %dma_start3A_44 = arith.constant 0 : i32
        %dma_start3A_45 = tpu.memref_slice %arg2[%dma_start3A_43, %dma_start3A_44] : memref<10240x128xf32, #tpu.memory_space<hbm>> -> memref<10240x128xf32, #tpu.memory_space<hbm>>
        tpu.enqueue_indirect_dma source(%dma_start3A_45 : memref<10240x128xf32, #tpu.memory_space<hbm>>) target(%arg10 : memref<128x128xf32, #tpu.memory_space<vmem>>) offsets(%dma_start3A_42 : memref<128xi32, #tpu.memory_space<vmem>>) semaphore(%arg13 : memref<!tpu.dma_semaphore, #tpu.memory_space<semaphore_mem>>)
        %dma_wait3A = arith.constant 0 : i32
        %dma_wait3A_46 = tpu.memref_slice %arg7[%mul3A_37, %dma_wait3A] : memref<40x128xi32, #tpu.memory_space<vmem>> -> memref<1x128xi32, #tpu.memory_space<vmem>>
        %dma_wait3A_47 = tpu.memref_squeeze %dma_wait3A_46 : memref<1x128xi32, #tpu.memory_space<vmem>> -> memref<128xi32, #tpu.memory_space<vmem>>
        %dma_wait3A_48 = arith.constant 0 : i32
        %dma_wait3A_49 = arith.constant 0 : i32
        %dma_wait3A_50 = tpu.memref_slice %arg2[%dma_wait3A_48, %dma_wait3A_49] : memref<10240x128xf32, #tpu.memory_space<hbm>> -> memref<10240x128xf32, #tpu.memory_space<hbm>>
        tpu.wait_indirect_dma semaphore(%arg12 : memref<!tpu.dma_semaphore, #tpu.memory_space<semaphore_mem>>) src(%dma_wait3A_50 : memref<10240x128xf32, #tpu.memory_space<hbm>>) dst(%arg9 : memref<128x128xf32, #tpu.memory_space<vmem>>)
        "tpu.region"() ({
          %run_scoped3A = tpu.sem_alloc : memref<!tpu.dma_semaphore, #tpu.memory_space<semaphore_mem>>
          %dma_start3A_64 = arith.constant 0 : i32
          %dma_start3A_65 = tpu.memref_slice %arg8[%mul3A_37, %dma_start3A_64] : memref<40x128xi32, #tpu.memory_space<vmem>> -> memref<1x128xi32, #tpu.memory_space<vmem>>
          %dma_start3A_66 = tpu.memref_squeeze %dma_start3A_65 : memref<1x128xi32, #tpu.memory_space<vmem>> -> memref<128xi32, #tpu.memory_space<vmem>>
          %dma_start3A_67 = arith.constant 0 : i32
          %dma_start3A_68 = arith.constant 0 : i32
          %dma_start3A_69 = tpu.memref_slice %arg11[%dma_start3A_67, %dma_start3A_68] : memref<10240x128xf32, #tpu.memory_space<vmem_shared>> -> memref<10240x128xf32, #tpu.memory_space<vmem_shared>>
          tpu.enqueue_indirect_dma source(%arg9 : memref<128x128xf32, #tpu.memory_space<vmem>>) target(%dma_start3A_69 : memref<10240x128xf32, #tpu.memory_space<vmem_shared>>) offsets(%dma_start3A_66 : memref<128xi32, #tpu.memory_space<vmem>>) semaphore(%run_scoped3A : memref<!tpu.dma_semaphore, #tpu.memory_space<semaphore_mem>>) {add = true}
          %dma_wait3A_70 = arith.constant 0 : i32
          %dma_wait3A_71 = tpu.memref_slice %arg8[%mul3A_37, %dma_wait3A_70] : memref<40x128xi32, #tpu.memory_space<vmem>> -> memref<1x128xi32, #tpu.memory_space<vmem>>
          %dma_wait3A_72 = tpu.memref_squeeze %dma_wait3A_71 : memref<1x128xi32, #tpu.memory_space<vmem>> -> memref<128xi32, #tpu.memory_space<vmem>>
          %dma_wait3A_73 = arith.constant 0 : i32
          %dma_wait3A_74 = arith.constant 0 : i32
          %dma_wait3A_75 = tpu.memref_slice %arg11[%dma_wait3A_73, %dma_wait3A_74] : memref<10240x128xf32, #tpu.memory_space<vmem_shared>> -> memref<10240x128xf32, #tpu.memory_space<vmem_shared>>
          tpu.wait_indirect_dma semaphore(%run_scoped3A : memref<!tpu.dma_semaphore, #tpu.memory_space<semaphore_mem>>) src(%arg9 : memref<128x128xf32, #tpu.memory_space<vmem>>) dst(%dma_wait3A_75 : memref<10240x128xf32, #tpu.memory_space<vmem_shared>>)
          tpu.yield
        }) : () -> ()
        %lt3A = arith.constant 19 : i32
        %lt3A_51 = arith.cmpi slt, %scan3A_34, %lt3A : i32
        %convert_element_type3A = arith.extui %lt3A_51 : i1 to i32
        %cond3A = arith.constant 0 : i32
        %cond3A_52 = arith.cmpi ne, %convert_element_type3A, %cond3A : i32
        scf.if %cond3A_52 {
          %add3A_64 = arith.constant 2 : i32
          %add3A_65 = arith.addi %mul3A_37, %add3A_64 : i32
          %dma_start3A_66 = arith.constant 0 : i32
          %dma_start3A_67 = tpu.memref_slice %arg7[%add3A_65, %dma_start3A_66] : memref<40x128xi32, #tpu.memory_space<vmem>> -> memref<1x128xi32, #tpu.memory_space<vmem>>
          %dma_start3A_68 = tpu.memref_squeeze %dma_start3A_67 : memref<1x128xi32, #tpu.memory_space<vmem>> -> memref<128xi32, #tpu.memory_space<vmem>>
          %dma_start3A_69 = arith.constant 0 : i32
          %dma_start3A_70 = arith.constant 0 : i32
          %dma_start3A_71 = tpu.memref_slice %arg2[%dma_start3A_69, %dma_start3A_70] : memref<10240x128xf32, #tpu.memory_space<hbm>> -> memref<10240x128xf32, #tpu.memory_space<hbm>>
          tpu.enqueue_indirect_dma source(%dma_start3A_71 : memref<10240x128xf32, #tpu.memory_space<hbm>>) target(%arg9 : memref<128x128xf32, #tpu.memory_space<vmem>>) offsets(%dma_start3A_68 : memref<128xi32, #tpu.memory_space<vmem>>) semaphore(%arg12 : memref<!tpu.dma_semaphore, #tpu.memory_space<semaphore_mem>>)
        } else {
        }
        %add3A_53 = arith.constant 1 : i32
        %add3A_54 = arith.addi %mul3A_37, %add3A_53 : i32
        %dma_wait3A_55 = arith.constant 0 : i32
        %dma_wait3A_56 = tpu.memref_slice %arg7[%add3A_54, %dma_wait3A_55] : memref<40x128xi32, #tpu.memory_space<vmem>> -> memref<1x128xi32, #tpu.memory_space<vmem>>
        %dma_wait3A_57 = tpu.memref_squeeze %dma_wait3A_56 : memref<1x128xi32, #tpu.memory_space<vmem>> -> memref<128xi32, #tpu.memory_space<vmem>>
        %dma_wait3A_58 = arith.constant 0 : i32
        %dma_wait3A_59 = arith.constant 0 : i32
        %dma_wait3A_60 = tpu.memref_slice %arg2[%dma_wait3A_58, %dma_wait3A_59] : memref<10240x128xf32, #tpu.memory_space<hbm>> -> memref<10240x128xf32, #tpu.memory_space<hbm>>
        tpu.wait_indirect_dma semaphore(%arg13 : memref<!tpu.dma_semaphore, #tpu.memory_space<semaphore_mem>>) src(%dma_wait3A_60 : memref<10240x128xf32, #tpu.memory_space<hbm>>) dst(%arg10 : memref<128x128xf32, #tpu.memory_space<vmem>>)
        %add3A_61 = arith.constant 1 : i32
        %add3A_62 = arith.addi %mul3A_37, %add3A_61 : i32
        "tpu.region"() ({
          %run_scoped3A = tpu.sem_alloc : memref<!tpu.dma_semaphore, #tpu.memory_space<semaphore_mem>>
          %dma_start3A_64 = arith.constant 0 : i32
          %dma_start3A_65 = tpu.memref_slice %arg8[%add3A_62, %dma_start3A_64] : memref<40x128xi32, #tpu.memory_space<vmem>> -> memref<1x128xi32, #tpu.memory_space<vmem>>
          %dma_start3A_66 = tpu.memref_squeeze %dma_start3A_65 : memref<1x128xi32, #tpu.memory_space<vmem>> -> memref<128xi32, #tpu.memory_space<vmem>>
          %dma_start3A_67 = arith.constant 0 : i32
          %dma_start3A_68 = arith.constant 0 : i32
          %dma_start3A_69 = tpu.memref_slice %arg11[%dma_start3A_67, %dma_start3A_68] : memref<10240x128xf32, #tpu.memory_space<vmem_shared>> -> memref<10240x128xf32, #tpu.memory_space<vmem_shared>>
          tpu.enqueue_indirect_dma source(%arg10 : memref<128x128xf32, #tpu.memory_space<vmem>>) target(%dma_start3A_69 : memref<10240x128xf32, #tpu.memory_space<vmem_shared>>) offsets(%dma_start3A_66 : memref<128xi32, #tpu.memory_space<vmem>>) semaphore(%run_scoped3A : memref<!tpu.dma_semaphore, #tpu.memory_space<semaphore_mem>>) {add = true}
          %dma_wait3A_70 = arith.constant 0 : i32
          %dma_wait3A_71 = tpu.memref_slice %arg8[%add3A_62, %dma_wait3A_70] : memref<40x128xi32, #tpu.memory_space<vmem>> -> memref<1x128xi32, #tpu.memory_space<vmem>>
          %dma_wait3A_72 = tpu.memref_squeeze %dma_wait3A_71 : memref<1x128xi32, #tpu.memory_space<vmem>> -> memref<128xi32, #tpu.memory_space<vmem>>
          %dma_wait3A_73 = arith.constant 0 : i32
          %dma_wait3A_74 = arith.constant 0 : i32
          %dma_wait3A_75 = tpu.memref_slice %arg11[%dma_wait3A_73, %dma_wait3A_74] : memref<10240x128xf32, #tpu.memory_space<vmem_shared>> -> memref<10240x128xf32, #tpu.memory_space<vmem_shared>>
          tpu.wait_indirect_dma semaphore(%run_scoped3A : memref<!tpu.dma_semaphore, #tpu.memory_space<semaphore_mem>>) src(%arg10 : memref<128x128xf32, #tpu.memory_space<vmem>>) dst(%dma_wait3A_75 : memref<10240x128xf32, #tpu.memory_space<vmem_shared>>)
          tpu.yield
        }) : () -> ()
        %scan3A_63 = arith.constant 0 : i32
        scf.yield %scan3A_63 : i32
      }
      %scan3A_32 = arith.constant 20 : i32
      %scan3A_33 = arith.constant 0 : i32
      scf.yield %scan3A_33 : i32
    }
    %scan3A_8 = arith.constant 2 : i32
    %barrier3A_9 = arith.constant 0 : index
    tpu.barrier barrier_id(%barrier3A_9)
    %mul3A_10 = arith.constant 640 : i32
    %mul3A_11 = arith.muli %arg1, %mul3A_10 : i32
    %mul3A_12 = arith.constant 640 : i32
    %mul3A_13 = arith.muli %arg1, %mul3A_12 : i32
    "tpu.region"() ({
      %run_scoped3A = tpu.sem_alloc : memref<!tpu.dma_semaphore, #tpu.memory_space<semaphore_mem>>
      %dma_start3A = arith.constant 0 : i32
      %dma_start3A_14 = tpu.memref_slice %arg6[%arg0, %mul3A_13, %dma_start3A] : memref<2x10240x128xf32, #tpu.memory_space<hbm>> -> memref<1x640x128xf32, #tpu.memory_space<hbm>>
      %dma_start3A_15 = tpu.memref_squeeze %dma_start3A_14 : memref<1x640x128xf32, #tpu.memory_space<hbm>> -> memref<640x128xf32, #tpu.memory_space<hbm>>
      %dma_start3A_16 = arith.constant 0 : i32
      %dma_start3A_17 = tpu.memref_slice %arg11[%mul3A_11, %dma_start3A_16] : memref<10240x128xf32, #tpu.memory_space<vmem_shared>> -> memref<640x128xf32, #tpu.memory_space<vmem_shared>>
      tpu.enqueue_dma source(%dma_start3A_17 : memref<640x128xf32, #tpu.memory_space<vmem_shared>>) target(%dma_start3A_15 : memref<640x128xf32, #tpu.memory_space<hbm>>) target_semaphore(%run_scoped3A : memref<!tpu.dma_semaphore, #tpu.memory_space<semaphore_mem>>)
      %dma_wait3A = arith.constant 0 : i32
      %dma_wait3A_18 = tpu.memref_slice %arg6[%arg0, %mul3A_13, %dma_wait3A] : memref<2x10240x128xf32, #tpu.memory_space<hbm>> -> memref<1x640x128xf32, #tpu.memory_space<hbm>>
      %dma_wait3A_19 = tpu.memref_squeeze %dma_wait3A_18 : memref<1x640x128xf32, #tpu.memory_space<hbm>> -> memref<640x128xf32, #tpu.memory_space<hbm>>
      %dma_wait3A_20 = arith.constant 0 : i32
      %dma_wait3A_21 = tpu.memref_slice %arg11[%mul3A_11, %dma_wait3A_20] : memref<10240x128xf32, #tpu.memory_space<vmem_shared>> -> memref<640x128xf32, #tpu.memory_space<vmem_shared>>
      tpu.wait_dma2 semaphore(%run_scoped3A : memref<!tpu.dma_semaphore, #tpu.memory_space<semaphore_mem>>) src(%dma_wait3A_21 : memref<640x128xf32, #tpu.memory_space<vmem_shared>>) dst(%dma_wait3A_19 : memref<640x128xf32, #tpu.memory_space<hbm>>)
      tpu.yield
    }) : () -> ()
    return
  }
}

#map = affine_map<(d0, d1) -> (0, 0)>
#map1 = affine_map<(d0, d1) -> (0, 0, 0)>
module attributes {stable_mosaic.version = 14 : i64} {
  func.func @_agg_body(%arg0: i32, %arg1: i32, %arg2: memref<10240x128xf32, #tpu.memory_space<hbm>>, %arg3: memref<32x80x128xi32, #tpu.memory_space<hbm>>, %arg4: memref<32x80x128xi32, #tpu.memory_space<hbm>>, %arg5: memref<640x128xf32, #tpu.memory_space<hbm>>, %arg6: memref<2x10240x128xf32, #tpu.memory_space<hbm>>, %arg7: memref<40x128xi32, #tpu.memory_space<vmem>>, %arg8: memref<40x128xi32, #tpu.memory_space<vmem>>, %arg9: memref<128x128xf32, #tpu.memory_space<vmem>>, %arg10: memref<128x128xf32, #tpu.memory_space<vmem>>, %arg11: memref<10240x128xf32, #tpu.memory_space<vmem_shared>>, %arg12: memref<!tpu.dma_semaphore, #tpu.memory_space<semaphore_mem>>, %arg13: memref<!tpu.dma_semaphore, #tpu.memory_space<semaphore_mem>>) attributes {dimension_semantics = [#tpu.dimension_semantics<core_parallel>, #tpu.dimension_semantics<subcore_parallel>], iteration_bounds = array<i64: 2, 16>, scalar_prefetch = 0 : i64, scratch_operands = 7 : i64, tpu.core_type = #tpu.core_type<sc_vector_subcore>, window_params = [{transform_indices = #map}, {transform_indices = #map1}, {transform_indices = #map1}, {transform_indices = #map}, {transform_indices = #map1}]} {
    %mul3A = arith.constant 16 : i32
    %mul3A_0 = arith.muli %arg0, %mul3A : i32
    %add3A = arith.addi %mul3A_0, %arg1 : i32
    %mul3A_1 = arith.constant 640 : i32
    %mul3A_2 = arith.muli %arg1, %mul3A_1 : i32
    "tpu.region"() ({
      %run_scoped3A = tpu.sem_alloc : memref<!tpu.dma_semaphore, #tpu.memory_space<semaphore_mem>>
      %dma_start3A = arith.constant 0 : i32
      %dma_start3A_14 = tpu.memref_slice %arg11[%mul3A_2, %dma_start3A] : memref<10240x128xf32, #tpu.memory_space<vmem_shared>> -> memref<640x128xf32, #tpu.memory_space<vmem_shared>>
      tpu.enqueue_dma source(%arg5 : memref<640x128xf32, #tpu.memory_space<hbm>>) target(%dma_start3A_14 : memref<640x128xf32, #tpu.memory_space<vmem_shared>>) target_semaphore(%run_scoped3A : memref<!tpu.dma_semaphore, #tpu.memory_space<semaphore_mem>>)
      %dma_wait3A = arith.constant 0 : i32
      %dma_wait3A_15 = tpu.memref_slice %arg11[%mul3A_2, %dma_wait3A] : memref<10240x128xf32, #tpu.memory_space<vmem_shared>> -> memref<640x128xf32, #tpu.memory_space<vmem_shared>>
      tpu.wait_dma2 semaphore(%run_scoped3A : memref<!tpu.dma_semaphore, #tpu.memory_space<semaphore_mem>>) src(%arg5 : memref<640x128xf32, #tpu.memory_space<hbm>>) dst(%dma_wait3A_15 : memref<640x128xf32, #tpu.memory_space<vmem_shared>>)
      tpu.yield
    }) : () -> ()
    %barrier3A = arith.constant 0 : index
    tpu.barrier barrier_id(%barrier3A)
    %scan3A = arith.constant 0 : i32
    %scan3A_3 = arith.constant 0 : i32
    %scan3A_4 = arith.constant 2 : i32
    %scan3A_5 = arith.addi %scan3A_3, %scan3A_4 : i32
    %scan3A_6 = arith.constant 1 : i32
    %scan3A_7 = scf.for %scan3A_14 = %scan3A_3 to %scan3A_5 step %scan3A_6 iter_args(%scan3A_15 = %scan3A) -> (i32)  : i32 {
      %mul3A_16 = arith.constant 40 : i32
      %mul3A_17 = arith.muli %scan3A_14, %mul3A_16 : i32
      "tpu.region"() ({
        %run_scoped3A = tpu.sem_alloc : memref<!tpu.dma_semaphore, #tpu.memory_space<semaphore_mem>>
        %dma_start3A_34 = arith.constant 0 : i32
        %dma_start3A_35 = tpu.memref_slice %arg3[%add3A, %mul3A_17, %dma_start3A_34] : memref<32x80x128xi32, #tpu.memory_space<hbm>> -> memref<1x40x128xi32, #tpu.memory_space<hbm>>
        %dma_start3A_36 = tpu.memref_squeeze %dma_start3A_35 : memref<1x40x128xi32, #tpu.memory_space<hbm>> -> memref<40x128xi32, #tpu.memory_space<hbm>>
        %dma_start3A_37 = arith.constant 0 : i32
        %dma_start3A_38 = tpu.memref_slice %arg3[%add3A, %mul3A_17, %dma_start3A_37] : memref<32x80x128xi32, #tpu.memory_space<hbm>> -> memref<1x40x128xi32, #tpu.memory_space<hbm>>
        %dma_start3A_39 = tpu.memref_squeeze %dma_start3A_38 : memref<1x40x128xi32, #tpu.memory_space<hbm>> -> memref<40x128xi32, #tpu.memory_space<hbm>>
        tpu.enqueue_dma source(%dma_start3A_39 : memref<40x128xi32, #tpu.memory_space<hbm>>) target(%arg7 : memref<40x128xi32, #tpu.memory_space<vmem>>) target_semaphore(%run_scoped3A : memref<!tpu.dma_semaphore, #tpu.memory_space<semaphore_mem>>)
        %dma_wait3A = arith.constant 0 : i32
        %dma_wait3A_40 = tpu.memref_slice %arg3[%add3A, %mul3A_17, %dma_wait3A] : memref<32x80x128xi32, #tpu.memory_space<hbm>> -> memref<1x40x128xi32, #tpu.memory_space<hbm>>
        %dma_wait3A_41 = tpu.memref_squeeze %dma_wait3A_40 : memref<1x40x128xi32, #tpu.memory_space<hbm>> -> memref<40x128xi32, #tpu.memory_space<hbm>>
        %dma_wait3A_42 = arith.constant 0 : i32
        %dma_wait3A_43 = tpu.memref_slice %arg3[%add3A, %mul3A_17, %dma_wait3A_42] : memref<32x80x128xi32, #tpu.memory_space<hbm>> -> memref<1x40x128xi32, #tpu.memory_space<hbm>>
        %dma_wait3A_44 = tpu.memref_squeeze %dma_wait3A_43 : memref<1x40x128xi32, #tpu.memory_space<hbm>> -> memref<40x128xi32, #tpu.memory_space<hbm>>
        tpu.wait_dma2 semaphore(%run_scoped3A : memref<!tpu.dma_semaphore, #tpu.memory_space<semaphore_mem>>) src(%dma_wait3A_44 : memref<40x128xi32, #tpu.memory_space<hbm>>) dst(%arg7 : memref<40x128xi32, #tpu.memory_space<vmem>>)
        tpu.yield
      }) : () -> ()
      %mul3A_18 = arith.constant 40 : i32
      %mul3A_19 = arith.muli %scan3A_14, %mul3A_18 : i32
      "tpu.region"() ({
        %run_scoped3A = tpu.sem_alloc : memref<!tpu.dma_semaphore, #tpu.memory_space<semaphore_mem>>
        %dma_start3A_34 = arith.constant 0 : i32
        %dma_start3A_35 = tpu.memref_slice %arg4[%add3A, %mul3A_19, %dma_start3A_34] : memref<32x80x128xi32, #tpu.memory_space<hbm>> -> memref<1x40x128xi32, #tpu.memory_space<hbm>>
        %dma_start3A_36 = tpu.memref_squeeze %dma_start3A_35 : memref<1x40x128xi32, #tpu.memory_space<hbm>> -> memref<40x128xi32, #tpu.memory_space<hbm>>
        %dma_start3A_37 = arith.constant 0 : i32
        %dma_start3A_38 = tpu.memref_slice %arg4[%add3A, %mul3A_19, %dma_start3A_37] : memref<32x80x128xi32, #tpu.memory_space<hbm>> -> memref<1x40x128xi32, #tpu.memory_space<hbm>>
        %dma_start3A_39 = tpu.memref_squeeze %dma_start3A_38 : memref<1x40x128xi32, #tpu.memory_space<hbm>> -> memref<40x128xi32, #tpu.memory_space<hbm>>
        tpu.enqueue_dma source(%dma_start3A_39 : memref<40x128xi32, #tpu.memory_space<hbm>>) target(%arg8 : memref<40x128xi32, #tpu.memory_space<vmem>>) target_semaphore(%run_scoped3A : memref<!tpu.dma_semaphore, #tpu.memory_space<semaphore_mem>>)
        %dma_wait3A = arith.constant 0 : i32
        %dma_wait3A_40 = tpu.memref_slice %arg4[%add3A, %mul3A_19, %dma_wait3A] : memref<32x80x128xi32, #tpu.memory_space<hbm>> -> memref<1x40x128xi32, #tpu.memory_space<hbm>>
        %dma_wait3A_41 = tpu.memref_squeeze %dma_wait3A_40 : memref<1x40x128xi32, #tpu.memory_space<hbm>> -> memref<40x128xi32, #tpu.memory_space<hbm>>
        %dma_wait3A_42 = arith.constant 0 : i32
        %dma_wait3A_43 = tpu.memref_slice %arg4[%add3A, %mul3A_19, %dma_wait3A_42] : memref<32x80x128xi32, #tpu.memory_space<hbm>> -> memref<1x40x128xi32, #tpu.memory_space<hbm>>
        %dma_wait3A_44 = tpu.memref_squeeze %dma_wait3A_43 : memref<1x40x128xi32, #tpu.memory_space<hbm>> -> memref<40x128xi32, #tpu.memory_space<hbm>>
        tpu.wait_dma2 semaphore(%run_scoped3A : memref<!tpu.dma_semaphore, #tpu.memory_space<semaphore_mem>>) src(%dma_wait3A_44 : memref<40x128xi32, #tpu.memory_space<hbm>>) dst(%arg8 : memref<40x128xi32, #tpu.memory_space<vmem>>)
        tpu.yield
      }) : () -> ()
      %dma_start3A = arith.constant 0 : i32
      %dma_start3A_20 = arith.constant 0 : i32
      %dma_start3A_21 = tpu.memref_slice %arg7[%dma_start3A, %dma_start3A_20] : memref<40x128xi32, #tpu.memory_space<vmem>> -> memref<1x128xi32, #tpu.memory_space<vmem>>
      %dma_start3A_22 = tpu.memref_squeeze %dma_start3A_21 : memref<1x128xi32, #tpu.memory_space<vmem>> -> memref<128xi32, #tpu.memory_space<vmem>>
      %dma_start3A_23 = arith.constant 0 : i32
      %dma_start3A_24 = arith.constant 0 : i32
      %dma_start3A_25 = tpu.memref_slice %arg2[%dma_start3A_23, %dma_start3A_24] : memref<10240x128xf32, #tpu.memory_space<hbm>> -> memref<10240x128xf32, #tpu.memory_space<hbm>>
      tpu.enqueue_indirect_dma source(%dma_start3A_25 : memref<10240x128xf32, #tpu.memory_space<hbm>>) target(%arg9 : memref<128x128xf32, #tpu.memory_space<vmem>>) offsets(%dma_start3A_22 : memref<128xi32, #tpu.memory_space<vmem>>) semaphore(%arg12 : memref<!tpu.dma_semaphore, #tpu.memory_space<semaphore_mem>>)
      %scan3A_26 = arith.constant 0 : i32
      %scan3A_27 = arith.constant 0 : i32
      %scan3A_28 = arith.constant 20 : i32
      %scan3A_29 = arith.addi %scan3A_27, %scan3A_28 : i32
      %scan3A_30 = arith.constant 1 : i32
      %scan3A_31 = scf.for %scan3A_34 = %scan3A_27 to %scan3A_29 step %scan3A_30 iter_args(%scan3A_35 = %scan3A_26) -> (i32)  : i32 {
        %mul3A_36 = arith.constant 2 : i32
        %mul3A_37 = arith.muli %mul3A_36, %scan3A_34 : i32
        %add3A_38 = arith.constant 1 : i32
        %add3A_39 = arith.addi %mul3A_37, %add3A_38 : i32
        %dma_start3A_40 = arith.constant 0 : i32
        %dma_start3A_41 = tpu.memref_slice %arg7[%add3A_39, %dma_start3A_40] : memref<40x128xi32, #tpu.memory_space<vmem>> -> memref<1x128xi32, #tpu.memory_space<vmem>>
        %dma_start3A_42 = tpu.memref_squeeze %dma_start3A_41 : memref<1x128xi32, #tpu.memory_space<vmem>> -> memref<128xi32, #tpu.memory_space<vmem>>
        %dma_start3A_43 = arith.constant 0 : i32
        %dma_start3A_44 = arith.constant 0 : i32
        %dma_start3A_45 = tpu.memref_slice %arg2[%dma_start3A_43, %dma_start3A_44] : memref<10240x128xf32, #tpu.memory_space<hbm>> -> memref<10240x128xf32, #tpu.memory_space<hbm>>
        tpu.enqueue_indirect_dma source(%dma_start3A_45 : memref<10240x128xf32, #tpu.memory_space<hbm>>) target(%arg10 : memref<128x128xf32, #tpu.memory_space<vmem>>) offsets(%dma_start3A_42 : memref<128xi32, #tpu.memory_space<vmem>>) semaphore(%arg13 : memref<!tpu.dma_semaphore, #tpu.memory_space<semaphore_mem>>)
        %dma_wait3A = arith.constant 0 : i32
        %dma_wait3A_46 = tpu.memref_slice %arg7[%mul3A_37, %dma_wait3A] : memref<40x128xi32, #tpu.memory_space<vmem>> -> memref<1x128xi32, #tpu.memory_space<vmem>>
        %dma_wait3A_47 = tpu.memref_squeeze %dma_wait3A_46 : memref<1x128xi32, #tpu.memory_space<vmem>> -> memref<128xi32, #tpu.memory_space<vmem>>
        %dma_wait3A_48 = arith.constant 0 : i32
        %dma_wait3A_49 = arith.constant 0 : i32
        %dma_wait3A_50 = tpu.memref_slice %arg2[%dma_wait3A_48, %dma_wait3A_49] : memref<10240x128xf32, #tpu.memory_space<hbm>> -> memref<10240x128xf32, #tpu.memory_space<hbm>>
        tpu.wait_indirect_dma semaphore(%arg12 : memref<!tpu.dma_semaphore, #tpu.memory_space<semaphore_mem>>) src(%dma_wait3A_50 : memref<10240x128xf32, #tpu.memory_space<hbm>>) dst(%arg9 : memref<128x128xf32, #tpu.memory_space<vmem>>)
        "tpu.region"() ({
          %run_scoped3A = tpu.sem_alloc : memref<!tpu.dma_semaphore, #tpu.memory_space<semaphore_mem>>
          %dma_start3A_64 = arith.constant 0 : i32
          %dma_start3A_65 = tpu.memref_slice %arg8[%mul3A_37, %dma_start3A_64] : memref<40x128xi32, #tpu.memory_space<vmem>> -> memref<1x128xi32, #tpu.memory_space<vmem>>
          %dma_start3A_66 = tpu.memref_squeeze %dma_start3A_65 : memref<1x128xi32, #tpu.memory_space<vmem>> -> memref<128xi32, #tpu.memory_space<vmem>>
          %dma_start3A_67 = arith.constant 0 : i32
          %dma_start3A_68 = arith.constant 0 : i32
          %dma_start3A_69 = tpu.memref_slice %arg11[%dma_start3A_67, %dma_start3A_68] : memref<10240x128xf32, #tpu.memory_space<vmem_shared>> -> memref<10240x128xf32, #tpu.memory_space<vmem_shared>>
          tpu.enqueue_indirect_dma source(%arg9 : memref<128x128xf32, #tpu.memory_space<vmem>>) target(%dma_start3A_69 : memref<10240x128xf32, #tpu.memory_space<vmem_shared>>) offsets(%dma_start3A_66 : memref<128xi32, #tpu.memory_space<vmem>>) semaphore(%run_scoped3A : memref<!tpu.dma_semaphore, #tpu.memory_space<semaphore_mem>>) {add = true}
          %dma_wait3A_70 = arith.constant 0 : i32
          %dma_wait3A_71 = tpu.memref_slice %arg8[%mul3A_37, %dma_wait3A_70] : memref<40x128xi32, #tpu.memory_space<vmem>> -> memref<1x128xi32, #tpu.memory_space<vmem>>
          %dma_wait3A_72 = tpu.memref_squeeze %dma_wait3A_71 : memref<1x128xi32, #tpu.memory_space<vmem>> -> memref<128xi32, #tpu.memory_space<vmem>>
          %dma_wait3A_73 = arith.constant 0 : i32
          %dma_wait3A_74 = arith.constant 0 : i32
          %dma_wait3A_75 = tpu.memref_slice %arg11[%dma_wait3A_73, %dma_wait3A_74] : memref<10240x128xf32, #tpu.memory_space<vmem_shared>> -> memref<10240x128xf32, #tpu.memory_space<vmem_shared>>
          tpu.wait_indirect_dma semaphore(%run_scoped3A : memref<!tpu.dma_semaphore, #tpu.memory_space<semaphore_mem>>) src(%arg9 : memref<128x128xf32, #tpu.memory_space<vmem>>) dst(%dma_wait3A_75 : memref<10240x128xf32, #tpu.memory_space<vmem_shared>>)
          tpu.yield
        }) : () -> ()
        %lt3A = arith.constant 19 : i32
        %lt3A_51 = arith.cmpi slt, %scan3A_34, %lt3A : i32
        %convert_element_type3A = arith.extui %lt3A_51 : i1 to i32
        %cond3A = arith.constant 0 : i32
        %cond3A_52 = arith.cmpi ne, %convert_element_type3A, %cond3A : i32
        scf.if %cond3A_52 {
          %add3A_64 = arith.constant 2 : i32
          %add3A_65 = arith.addi %mul3A_37, %add3A_64 : i32
          %dma_start3A_66 = arith.constant 0 : i32
          %dma_start3A_67 = tpu.memref_slice %arg7[%add3A_65, %dma_start3A_66] : memref<40x128xi32, #tpu.memory_space<vmem>> -> memref<1x128xi32, #tpu.memory_space<vmem>>
          %dma_start3A_68 = tpu.memref_squeeze %dma_start3A_67 : memref<1x128xi32, #tpu.memory_space<vmem>> -> memref<128xi32, #tpu.memory_space<vmem>>
          %dma_start3A_69 = arith.constant 0 : i32
          %dma_start3A_70 = arith.constant 0 : i32
          %dma_start3A_71 = tpu.memref_slice %arg2[%dma_start3A_69, %dma_start3A_70] : memref<10240x128xf32, #tpu.memory_space<hbm>> -> memref<10240x128xf32, #tpu.memory_space<hbm>>
          tpu.enqueue_indirect_dma source(%dma_start3A_71 : memref<10240x128xf32, #tpu.memory_space<hbm>>) target(%arg9 : memref<128x128xf32, #tpu.memory_space<vmem>>) offsets(%dma_start3A_68 : memref<128xi32, #tpu.memory_space<vmem>>) semaphore(%arg12 : memref<!tpu.dma_semaphore, #tpu.memory_space<semaphore_mem>>)
        } else {
        }
        %add3A_53 = arith.constant 1 : i32
        %add3A_54 = arith.addi %mul3A_37, %add3A_53 : i32
        %dma_wait3A_55 = arith.constant 0 : i32
        %dma_wait3A_56 = tpu.memref_slice %arg7[%add3A_54, %dma_wait3A_55] : memref<40x128xi32, #tpu.memory_space<vmem>> -> memref<1x128xi32, #tpu.memory_space<vmem>>
        %dma_wait3A_57 = tpu.memref_squeeze %dma_wait3A_56 : memref<1x128xi32, #tpu.memory_space<vmem>> -> memref<128xi32, #tpu.memory_space<vmem>>
        %dma_wait3A_58 = arith.constant 0 : i32
        %dma_wait3A_59 = arith.constant 0 : i32
        %dma_wait3A_60 = tpu.memref_slice %arg2[%dma_wait3A_58, %dma_wait3A_59] : memref<10240x128xf32, #tpu.memory_space<hbm>> -> memref<10240x128xf32, #tpu.memory_space<hbm>>
        tpu.wait_indirect_dma semaphore(%arg13 : memref<!tpu.dma_semaphore, #tpu.memory_space<semaphore_mem>>) src(%dma_wait3A_60 : memref<10240x128xf32, #tpu.memory_space<hbm>>) dst(%arg10 : memref<128x128xf32, #tpu.memory_space<vmem>>)
        %add3A_61 = arith.constant 1 : i32
        %add3A_62 = arith.addi %mul3A_37, %add3A_61 : i32
        "tpu.region"() ({
          %run_scoped3A = tpu.sem_alloc : memref<!tpu.dma_semaphore, #tpu.memory_space<semaphore_mem>>
          %dma_start3A_64 = arith.constant 0 : i32
          %dma_start3A_65 = tpu.memref_slice %arg8[%add3A_62, %dma_start3A_64] : memref<40x128xi32, #tpu.memory_space<vmem>> -> memref<1x128xi32, #tpu.memory_space<vmem>>
          %dma_start3A_66 = tpu.memref_squeeze %dma_start3A_65 : memref<1x128xi32, #tpu.memory_space<vmem>> -> memref<128xi32, #tpu.memory_space<vmem>>
          %dma_start3A_67 = arith.constant 0 : i32
          %dma_start3A_68 = arith.constant 0 : i32
          %dma_start3A_69 = tpu.memref_slice %arg11[%dma_start3A_67, %dma_start3A_68] : memref<10240x128xf32, #tpu.memory_space<vmem_shared>> -> memref<10240x128xf32, #tpu.memory_space<vmem_shared>>
          tpu.enqueue_indirect_dma source(%arg10 : memref<128x128xf32, #tpu.memory_space<vmem>>) target(%dma_start3A_69 : memref<10240x128xf32, #tpu.memory_space<vmem_shared>>) offsets(%dma_start3A_66 : memref<128xi32, #tpu.memory_space<vmem>>) semaphore(%run_scoped3A : memref<!tpu.dma_semaphore, #tpu.memory_space<semaphore_mem>>) {add = true}
          %dma_wait3A_70 = arith.constant 0 : i32
          %dma_wait3A_71 = tpu.memref_slice %arg8[%add3A_62, %dma_wait3A_70] : memref<40x128xi32, #tpu.memory_space<vmem>> -> memref<1x128xi32, #tpu.memory_space<vmem>>
          %dma_wait3A_72 = tpu.memref_squeeze %dma_wait3A_71 : memref<1x128xi32, #tpu.memory_space<vmem>> -> memref<128xi32, #tpu.memory_space<vmem>>
          %dma_wait3A_73 = arith.constant 0 : i32
          %dma_wait3A_74 = arith.constant 0 : i32
          %dma_wait3A_75 = tpu.memref_slice %arg11[%dma_wait3A_73, %dma_wait3A_74] : memref<10240x128xf32, #tpu.memory_space<vmem_shared>> -> memref<10240x128xf32, #tpu.memory_space<vmem_shared>>
          tpu.wait_indirect_dma semaphore(%run_scoped3A : memref<!tpu.dma_semaphore, #tpu.memory_space<semaphore_mem>>) src(%arg10 : memref<128x128xf32, #tpu.memory_space<vmem>>) dst(%dma_wait3A_75 : memref<10240x128xf32, #tpu.memory_space<vmem_shared>>)
          tpu.yield
        }) : () -> ()
        %scan3A_63 = arith.constant 0 : i32
        scf.yield %scan3A_63 : i32
      }
      %scan3A_32 = arith.constant 20 : i32
      %scan3A_33 = arith.constant 0 : i32
      scf.yield %scan3A_33 : i32
    }
    %scan3A_8 = arith.constant 2 : i32
    %barrier3A_9 = arith.constant 0 : index
    tpu.barrier barrier_id(%barrier3A_9)
    %mul3A_10 = arith.constant 640 : i32
    %mul3A_11 = arith.muli %arg1, %mul3A_10 : i32
    %mul3A_12 = arith.constant 640 : i32
    %mul3A_13 = arith.muli %arg1, %mul3A_12 : i32
    "tpu.region"() ({
      %run_scoped3A = tpu.sem_alloc : memref<!tpu.dma_semaphore, #tpu.memory_space<semaphore_mem>>
      %dma_start3A = arith.constant 0 : i32
      %dma_start3A_14 = tpu.memref_slice %arg6[%arg0, %mul3A_13, %dma_start3A] : memref<2x10240x128xf32, #tpu.memory_space<hbm>> -> memref<1x640x128xf32, #tpu.memory_space<hbm>>
      %dma_start3A_15 = tpu.memref_squeeze %dma_start3A_14 : memref<1x640x128xf32, #tpu.memory_space<hbm>> -> memref<640x128xf32, #tpu.memory_space<hbm>>
      %dma_start3A_16 = arith.constant 0 : i32
      %dma_start3A_17 = tpu.memref_slice %arg11[%mul3A_11, %dma_start3A_16] : memref<10240x128xf32, #tpu.memory_space<vmem_shared>> -> memref<640x128xf32, #tpu.memory_space<vmem_shared>>
      tpu.enqueue_dma source(%dma_start3A_17 : memref<640x128xf32, #tpu.memory_space<vmem_shared>>) target(%dma_start3A_15 : memref<640x128xf32, #tpu.memory_space<hbm>>) target_semaphore(%run_scoped3A : memref<!tpu.dma_semaphore, #tpu.memory_space<semaphore_mem>>)
      %dma_wait3A = arith.constant 0 : i32
      %dma_wait3A_18 = tpu.memref_slice %arg6[%arg0, %mul3A_13, %dma_wait3A] : memref<2x10240x128xf32, #tpu.memory_space<hbm>> -> memref<1x640x128xf32, #tpu.memory_space<hbm>>
      %dma_wait3A_19 = tpu.memref_squeeze %dma_wait3A_18 : memref<1x640x128xf32, #tpu.memory_space<hbm>> -> memref<640x128xf32, #tpu.memory_space<hbm>>
      %dma_wait3A_20 = arith.constant 0 : i32
      %dma_wait3A_21 = tpu.memref_slice %arg11[%mul3A_11, %dma_wait3A_20] : memref<10240x128xf32, #tpu.memory_space<vmem_shared>> -> memref<640x128xf32, #tpu.memory_space<vmem_shared>>
      tpu.wait_dma2 semaphore(%run_scoped3A : memref<!tpu.dma_semaphore, #tpu.memory_space<semaphore_mem>>) src(%dma_wait3A_21 : memref<640x128xf32, #tpu.memory_space<vmem_shared>>) dst(%dma_wait3A_19 : memref<640x128xf32, #tpu.memory_space<hbm>>)
      tpu.yield
    }) : () -> ()
    return
  }
}

#map = affine_map<(d0, d1) -> (0, 0, 0, 0)>
#map1 = affine_map<(d0, d1) -> (0)>
#map2 = affine_map<(d0, d1) -> (0, 0)>
module attributes {stable_mosaic.version = 14 : i64} {
  func.func @_deg_body(%arg0: i32, %arg1: i32, %arg2: memref<2x32x80x128xi32, #tpu.memory_space<hbm>>, %arg3: memref<128xf32, #tpu.memory_space<hbm>>, %arg4: memref<640xf32, #tpu.memory_space<hbm>>, %arg5: memref<2x10240xf32, #tpu.memory_space<hbm>>, %arg6: memref<160x128xi32, #tpu.memory_space<vmem>>, %arg7: memref<128xf32, #tpu.memory_space<vmem>>, %arg8: memref<10240xf32, #tpu.memory_space<vmem_shared>>, %arg9: memref<!tpu.dma_semaphore, #tpu.memory_space<semaphore_mem>>) attributes {dimension_semantics = [#tpu.dimension_semantics<core_parallel>, #tpu.dimension_semantics<subcore_parallel>], iteration_bounds = array<i64: 2, 16>, scalar_prefetch = 0 : i64, scratch_operands = 4 : i64, tpu.core_type = #tpu.core_type<sc_vector_subcore>, window_params = [{transform_indices = #map}, {transform_indices = #map1}, {transform_indices = #map1}, {transform_indices = #map2}]} {
    "tpu.region"() ({
      %run_scoped3A = tpu.sem_alloc : memref<!tpu.dma_semaphore, #tpu.memory_space<semaphore_mem>>
      tpu.enqueue_dma source(%arg3 : memref<128xf32, #tpu.memory_space<hbm>>) target(%arg7 : memref<128xf32, #tpu.memory_space<vmem>>) target_semaphore(%run_scoped3A : memref<!tpu.dma_semaphore, #tpu.memory_space<semaphore_mem>>)
      tpu.wait_dma2 semaphore(%run_scoped3A : memref<!tpu.dma_semaphore, #tpu.memory_space<semaphore_mem>>) src(%arg3 : memref<128xf32, #tpu.memory_space<hbm>>) dst(%arg7 : memref<128xf32, #tpu.memory_space<vmem>>)
      tpu.yield
    }) : () -> ()
    %mul3A = arith.constant 640 : i32
    %mul3A_0 = arith.muli %arg1, %mul3A : i32
    "tpu.region"() ({
      %run_scoped3A = tpu.sem_alloc : memref<!tpu.dma_semaphore, #tpu.memory_space<semaphore_mem>>
      %dma_start3A = tpu.memref_slice %arg8[%mul3A_0] : memref<10240xf32, #tpu.memory_space<vmem_shared>> -> memref<640xf32, #tpu.memory_space<vmem_shared>>
      tpu.enqueue_dma source(%arg4 : memref<640xf32, #tpu.memory_space<hbm>>) target(%dma_start3A : memref<640xf32, #tpu.memory_space<vmem_shared>>) target_semaphore(%run_scoped3A : memref<!tpu.dma_semaphore, #tpu.memory_space<semaphore_mem>>)
      %dma_wait3A = tpu.memref_slice %arg8[%mul3A_0] : memref<10240xf32, #tpu.memory_space<vmem_shared>> -> memref<640xf32, #tpu.memory_space<vmem_shared>>
      tpu.wait_dma2 semaphore(%run_scoped3A : memref<!tpu.dma_semaphore, #tpu.memory_space<semaphore_mem>>) src(%arg4 : memref<640xf32, #tpu.memory_space<hbm>>) dst(%dma_wait3A : memref<640xf32, #tpu.memory_space<vmem_shared>>)
      tpu.yield
    }) : () -> ()
    %mul3A_1 = arith.constant 2 : i32
    %mul3A_2 = arith.muli %mul3A_1, %arg1 : i32
    %add3A = arith.constant 0 : i32
    %add3A_3 = arith.addi %mul3A_2, %add3A : i32
    "tpu.region"() ({
      %run_scoped3A = tpu.sem_alloc : memref<!tpu.dma_semaphore, #tpu.memory_space<semaphore_mem>>
      %dma_start3A = arith.constant 0 : i32
      %dma_start3A_19 = arith.constant 0 : i32
      %dma_start3A_20 = tpu.memref_slice %arg6[%dma_start3A, %dma_start3A_19] : memref<160x128xi32, #tpu.memory_space<vmem>> -> memref<80x128xi32, #tpu.memory_space<vmem>>
      %dma_start3A_21 = arith.constant 0 : i32
      %dma_start3A_22 = arith.constant 0 : i32
      %dma_start3A_23 = tpu.memref_slice %arg2[%arg0, %add3A_3, %dma_start3A_21, %dma_start3A_22] : memref<2x32x80x128xi32, #tpu.memory_space<hbm>> -> memref<1x1x80x128xi32, #tpu.memory_space<hbm>>
      %dma_start3A_24 = tpu.memref_squeeze %dma_start3A_23 : memref<1x1x80x128xi32, #tpu.memory_space<hbm>> -> memref<80x128xi32, #tpu.memory_space<hbm>>
      %dma_start3A_25 = arith.constant 0 : i32
      %dma_start3A_26 = arith.constant 0 : i32
      %dma_start3A_27 = tpu.memref_slice %arg6[%dma_start3A_25, %dma_start3A_26] : memref<160x128xi32, #tpu.memory_space<vmem>> -> memref<80x128xi32, #tpu.memory_space<vmem>>
      %dma_start3A_28 = arith.constant 0 : i32
      %dma_start3A_29 = arith.constant 0 : i32
      %dma_start3A_30 = tpu.memref_slice %arg2[%arg0, %add3A_3, %dma_start3A_28, %dma_start3A_29] : memref<2x32x80x128xi32, #tpu.memory_space<hbm>> -> memref<1x1x80x128xi32, #tpu.memory_space<hbm>>
      %dma_start3A_31 = tpu.memref_squeeze %dma_start3A_30 : memref<1x1x80x128xi32, #tpu.memory_space<hbm>> -> memref<80x128xi32, #tpu.memory_space<hbm>>
      tpu.enqueue_dma source(%dma_start3A_31 : memref<80x128xi32, #tpu.memory_space<hbm>>) target(%dma_start3A_27 : memref<80x128xi32, #tpu.memory_space<vmem>>) target_semaphore(%run_scoped3A : memref<!tpu.dma_semaphore, #tpu.memory_space<semaphore_mem>>)
      %dma_wait3A = arith.constant 0 : i32
      %dma_wait3A_32 = arith.constant 0 : i32
      %dma_wait3A_33 = tpu.memref_slice %arg6[%dma_wait3A, %dma_wait3A_32] : memref<160x128xi32, #tpu.memory_space<vmem>> -> memref<80x128xi32, #tpu.memory_space<vmem>>
      %dma_wait3A_34 = arith.constant 0 : i32
      %dma_wait3A_35 = arith.constant 0 : i32
      %dma_wait3A_36 = tpu.memref_slice %arg2[%arg0, %add3A_3, %dma_wait3A_34, %dma_wait3A_35] : memref<2x32x80x128xi32, #tpu.memory_space<hbm>> -> memref<1x1x80x128xi32, #tpu.memory_space<hbm>>
      %dma_wait3A_37 = tpu.memref_squeeze %dma_wait3A_36 : memref<1x1x80x128xi32, #tpu.memory_space<hbm>> -> memref<80x128xi32, #tpu.memory_space<hbm>>
      %dma_wait3A_38 = arith.constant 0 : i32
      %dma_wait3A_39 = arith.constant 0 : i32
      %dma_wait3A_40 = tpu.memref_slice %arg6[%dma_wait3A_38, %dma_wait3A_39] : memref<160x128xi32, #tpu.memory_space<vmem>> -> memref<80x128xi32, #tpu.memory_space<vmem>>
      %dma_wait3A_41 = arith.constant 0 : i32
      %dma_wait3A_42 = arith.constant 0 : i32
      %dma_wait3A_43 = tpu.memref_slice %arg2[%arg0, %add3A_3, %dma_wait3A_41, %dma_wait3A_42] : memref<2x32x80x128xi32, #tpu.memory_space<hbm>> -> memref<1x1x80x128xi32, #tpu.memory_space<hbm>>
      %dma_wait3A_44 = tpu.memref_squeeze %dma_wait3A_43 : memref<1x1x80x128xi32, #tpu.memory_space<hbm>> -> memref<80x128xi32, #tpu.memory_space<hbm>>
      tpu.wait_dma2 semaphore(%run_scoped3A : memref<!tpu.dma_semaphore, #tpu.memory_space<semaphore_mem>>) src(%dma_wait3A_44 : memref<80x128xi32, #tpu.memory_space<hbm>>) dst(%dma_wait3A_40 : memref<80x128xi32, #tpu.memory_space<vmem>>)
      tpu.yield
    }) : () -> ()
    %mul3A_4 = arith.constant 2 : i32
    %mul3A_5 = arith.muli %mul3A_4, %arg1 : i32
    %add3A_6 = arith.constant 1 : i32
    %add3A_7 = arith.addi %mul3A_5, %add3A_6 : i32
    "tpu.region"() ({
      %run_scoped3A = tpu.sem_alloc : memref<!tpu.dma_semaphore, #tpu.memory_space<semaphore_mem>>
      %dma_start3A = arith.constant 80 : i32
      %dma_start3A_19 = arith.constant 0 : i32
      %dma_start3A_20 = tpu.memref_slice %arg6[%dma_start3A, %dma_start3A_19] : memref<160x128xi32, #tpu.memory_space<vmem>> -> memref<80x128xi32, #tpu.memory_space<vmem>>
      %dma_start3A_21 = arith.constant 0 : i32
      %dma_start3A_22 = arith.constant 0 : i32
      %dma_start3A_23 = tpu.memref_slice %arg2[%arg0, %add3A_7, %dma_start3A_21, %dma_start3A_22] : memref<2x32x80x128xi32, #tpu.memory_space<hbm>> -> memref<1x1x80x128xi32, #tpu.memory_space<hbm>>
      %dma_start3A_24 = tpu.memref_squeeze %dma_start3A_23 : memref<1x1x80x128xi32, #tpu.memory_space<hbm>> -> memref<80x128xi32, #tpu.memory_space<hbm>>
      %dma_start3A_25 = arith.constant 80 : i32
      %dma_start3A_26 = arith.constant 0 : i32
      %dma_start3A_27 = tpu.memref_slice %arg6[%dma_start3A_25, %dma_start3A_26] : memref<160x128xi32, #tpu.memory_space<vmem>> -> memref<80x128xi32, #tpu.memory_space<vmem>>
      %dma_start3A_28 = arith.constant 0 : i32
      %dma_start3A_29 = arith.constant 0 : i32
      %dma_start3A_30 = tpu.memref_slice %arg2[%arg0, %add3A_7, %dma_start3A_28, %dma_start3A_29] : memref<2x32x80x128xi32, #tpu.memory_space<hbm>> -> memref<1x1x80x128xi32, #tpu.memory_space<hbm>>
      %dma_start3A_31 = tpu.memref_squeeze %dma_start3A_30 : memref<1x1x80x128xi32, #tpu.memory_space<hbm>> -> memref<80x128xi32, #tpu.memory_space<hbm>>
      tpu.enqueue_dma source(%dma_start3A_31 : memref<80x128xi32, #tpu.memory_space<hbm>>) target(%dma_start3A_27 : memref<80x128xi32, #tpu.memory_space<vmem>>) target_semaphore(%run_scoped3A : memref<!tpu.dma_semaphore, #tpu.memory_space<semaphore_mem>>)
      %dma_wait3A = arith.constant 80 : i32
      %dma_wait3A_32 = arith.constant 0 : i32
      %dma_wait3A_33 = tpu.memref_slice %arg6[%dma_wait3A, %dma_wait3A_32] : memref<160x128xi32, #tpu.memory_space<vmem>> -> memref<80x128xi32, #tpu.memory_space<vmem>>
      %dma_wait3A_34 = arith.constant 0 : i32
      %dma_wait3A_35 = arith.constant 0 : i32
      %dma_wait3A_36 = tpu.memref_slice %arg2[%arg0, %add3A_7, %dma_wait3A_34, %dma_wait3A_35] : memref<2x32x80x128xi32, #tpu.memory_space<hbm>> -> memref<1x1x80x128xi32, #tpu.memory_space<hbm>>
      %dma_wait3A_37 = tpu.memref_squeeze %dma_wait3A_36 : memref<1x1x80x128xi32, #tpu.memory_space<hbm>> -> memref<80x128xi32, #tpu.memory_space<hbm>>
      %dma_wait3A_38 = arith.constant 80 : i32
      %dma_wait3A_39 = arith.constant 0 : i32
      %dma_wait3A_40 = tpu.memref_slice %arg6[%dma_wait3A_38, %dma_wait3A_39] : memref<160x128xi32, #tpu.memory_space<vmem>> -> memref<80x128xi32, #tpu.memory_space<vmem>>
      %dma_wait3A_41 = arith.constant 0 : i32
      %dma_wait3A_42 = arith.constant 0 : i32
      %dma_wait3A_43 = tpu.memref_slice %arg2[%arg0, %add3A_7, %dma_wait3A_41, %dma_wait3A_42] : memref<2x32x80x128xi32, #tpu.memory_space<hbm>> -> memref<1x1x80x128xi32, #tpu.memory_space<hbm>>
      %dma_wait3A_44 = tpu.memref_squeeze %dma_wait3A_43 : memref<1x1x80x128xi32, #tpu.memory_space<hbm>> -> memref<80x128xi32, #tpu.memory_space<hbm>>
      tpu.wait_dma2 semaphore(%run_scoped3A : memref<!tpu.dma_semaphore, #tpu.memory_space<semaphore_mem>>) src(%dma_wait3A_44 : memref<80x128xi32, #tpu.memory_space<hbm>>) dst(%dma_wait3A_40 : memref<80x128xi32, #tpu.memory_space<vmem>>)
      tpu.yield
    }) : () -> ()
    %barrier3A = arith.constant 0 : index
    tpu.barrier barrier_id(%barrier3A)
    %scan3A = arith.constant 0 : i32
    %scan3A_8 = arith.constant 0 : i32
    %scan3A_9 = arith.constant 10 : i32
    %scan3A_10 = arith.addi %scan3A_8, %scan3A_9 : i32
    %scan3A_11 = arith.constant 1 : i32
    %scan3A_12 = scf.for %scan3A_19 = %scan3A_8 to %scan3A_10 step %scan3A_11 iter_args(%scan3A_20 = %scan3A) -> (i32)  : i32 {
      %scan3A_21 = arith.constant 0 : i32
      %scan3A_22 = arith.constant 0 : i32
      %scan3A_23 = arith.constant 16 : i32
      %scan3A_24 = arith.addi %scan3A_22, %scan3A_23 : i32
      %scan3A_25 = arith.constant 1 : i32
      %scan3A_26 = scf.for %scan3A_36 = %scan3A_22 to %scan3A_24 step %scan3A_25 iter_args(%scan3A_37 = %scan3A_21) -> (i32)  : i32 {
        %mul3A_38 = arith.constant 16 : i32
        %mul3A_39 = arith.muli %scan3A_19, %mul3A_38 : i32
        %add3A_40 = arith.addi %mul3A_39, %scan3A_36 : i32
        %dma_start3A = arith.constant 0 : i32
        %dma_start3A_41 = tpu.memref_slice %arg6[%add3A_40, %dma_start3A] : memref<160x128xi32, #tpu.memory_space<vmem>> -> memref<1x128xi32, #tpu.memory_space<vmem>>
        %dma_start3A_42 = tpu.memref_squeeze %dma_start3A_41 : memref<1x128xi32, #tpu.memory_space<vmem>> -> memref<128xi32, #tpu.memory_space<vmem>>
        %dma_start3A_43 = arith.constant 0 : i32
        %dma_start3A_44 = tpu.memref_slice %arg8[%dma_start3A_43] : memref<10240xf32, #tpu.memory_space<vmem_shared>> -> memref<10240xf32, #tpu.memory_space<vmem_shared>>
        tpu.enqueue_indirect_dma source(%arg7 : memref<128xf32, #tpu.memory_space<vmem>>) target(%dma_start3A_44 : memref<10240xf32, #tpu.memory_space<vmem_shared>>) offsets(%dma_start3A_42 : memref<128xi32, #tpu.memory_space<vmem>>) semaphore(%arg9 : memref<!tpu.dma_semaphore, #tpu.memory_space<semaphore_mem>>) {add = true}
        %scan3A_45 = arith.constant 0 : i32
        scf.yield %scan3A_45 : i32
      }
      %scan3A_27 = arith.constant 16 : i32
      %scan3A_28 = arith.constant 0 : i32
      %scan3A_29 = arith.constant 0 : i32
      %scan3A_30 = arith.constant 16 : i32
      %scan3A_31 = arith.addi %scan3A_29, %scan3A_30 : i32
      %scan3A_32 = arith.constant 1 : i32
      %scan3A_33 = scf.for %scan3A_36 = %scan3A_29 to %scan3A_31 step %scan3A_32 iter_args(%scan3A_37 = %scan3A_28) -> (i32)  : i32 {
        %mul3A_38 = arith.constant 16 : i32
        %mul3A_39 = arith.muli %scan3A_19, %mul3A_38 : i32
        %add3A_40 = arith.addi %mul3A_39, %scan3A_36 : i32
        %dma_wait3A = arith.constant 0 : i32
        %dma_wait3A_41 = tpu.memref_slice %arg6[%add3A_40, %dma_wait3A] : memref<160x128xi32, #tpu.memory_space<vmem>> -> memref<1x128xi32, #tpu.memory_space<vmem>>
        %dma_wait3A_42 = tpu.memref_squeeze %dma_wait3A_41 : memref<1x128xi32, #tpu.memory_space<vmem>> -> memref<128xi32, #tpu.memory_space<vmem>>
        %dma_wait3A_43 = arith.constant 0 : i32
        %dma_wait3A_44 = tpu.memref_slice %arg8[%dma_wait3A_43] : memref<10240xf32, #tpu.memory_space<vmem_shared>> -> memref<10240xf32, #tpu.memory_space<vmem_shared>>
        tpu.wait_indirect_dma semaphore(%arg9 : memref<!tpu.dma_semaphore, #tpu.memory_space<semaphore_mem>>) src(%arg7 : memref<128xf32, #tpu.memory_space<vmem>>) dst(%dma_wait3A_44 : memref<10240xf32, #tpu.memory_space<vmem_shared>>)
        %scan3A_45 = arith.constant 0 : i32
        scf.yield %scan3A_45 : i32
      }
      %scan3A_34 = arith.constant 16 : i32
      %scan3A_35 = arith.constant 0 : i32
      scf.yield %scan3A_35 : i32
    }
    %scan3A_13 = arith.constant 10 : i32
    %barrier3A_14 = arith.constant 0 : index
    tpu.barrier barrier_id(%barrier3A_14)
    %mul3A_15 = arith.constant 640 : i32
    %mul3A_16 = arith.muli %arg1, %mul3A_15 : i32
    %mul3A_17 = arith.constant 640 : i32
    %mul3A_18 = arith.muli %arg1, %mul3A_17 : i32
    "tpu.region"() ({
      %run_scoped3A = tpu.sem_alloc : memref<!tpu.dma_semaphore, #tpu.memory_space<semaphore_mem>>
      %dma_start3A = tpu.memref_slice %arg5[%arg0, %mul3A_18] : memref<2x10240xf32, #tpu.memory_space<hbm>> -> memref<1x640xf32, #tpu.memory_space<hbm>>
      %dma_start3A_19 = tpu.memref_squeeze %dma_start3A : memref<1x640xf32, #tpu.memory_space<hbm>> -> memref<640xf32, #tpu.memory_space<hbm>>
      %dma_start3A_20 = tpu.memref_slice %arg8[%mul3A_16] : memref<10240xf32, #tpu.memory_space<vmem_shared>> -> memref<640xf32, #tpu.memory_space<vmem_shared>>
      tpu.enqueue_dma source(%dma_start3A_20 : memref<640xf32, #tpu.memory_space<vmem_shared>>) target(%dma_start3A_19 : memref<640xf32, #tpu.memory_space<hbm>>) target_semaphore(%run_scoped3A : memref<!tpu.dma_semaphore, #tpu.memory_space<semaphore_mem>>)
      %dma_wait3A = tpu.memref_slice %arg5[%arg0, %mul3A_18] : memref<2x10240xf32, #tpu.memory_space<hbm>> -> memref<1x640xf32, #tpu.memory_space<hbm>>
      %dma_wait3A_21 = tpu.memref_squeeze %dma_wait3A : memref<1x640xf32, #tpu.memory_space<hbm>> -> memref<640xf32, #tpu.memory_space<hbm>>
      %dma_wait3A_22 = tpu.memref_slice %arg8[%mul3A_16] : memref<10240xf32, #tpu.memory_space<vmem_shared>> -> memref<640xf32, #tpu.memory_space<vmem_shared>>
      tpu.wait_dma2 semaphore(%run_scoped3A : memref<!tpu.dma_semaphore, #tpu.memory_space<semaphore_mem>>) src(%dma_wait3A_22 : memref<640xf32, #tpu.memory_space<vmem_shared>>) dst(%dma_wait3A_21 : memref<640xf32, #tpu.memory_space<hbm>>)
      tpu.yield
    }) : () -> ()
    return
  }
}

#map = affine_map<(d0, d1) -> (0, 0)>
#map1 = affine_map<(d0, d1) -> (0, 0, 0)>
module attributes {stable_mosaic.version = 14 : i64} {
  func.func @_pair_body(%arg0: i32, %arg1: i32, %arg2: memref<10240x16xf32, #tpu.memory_space<hbm>>, %arg3: memref<10240x16xf32, #tpu.memory_space<hbm>>, %arg4: memref<32x26x128xi32, #tpu.memory_space<hbm>>, %arg5: memref<32x26x128xi32, #tpu.memory_space<hbm>>, %arg6: memref<32x3328x16xf32, #tpu.memory_space<hbm>>, %arg7: memref<26x128xi32, #tpu.memory_space<vmem>>, %arg8: memref<26x128xi32, #tpu.memory_space<vmem>>, %arg9: memref<128x16xf32, #tpu.memory_space<vmem>>, %arg10: memref<128x16xf32, #tpu.memory_space<vmem>>, %arg11: memref<128x16xf32, #tpu.memory_space<vmem>>, %arg12: memref<128x16xf32, #tpu.memory_space<vmem>>, %arg13: memref<128x16xf32, #tpu.memory_space<vmem>>, %arg14: memref<128x16xf32, #tpu.memory_space<vmem>>, %arg15: memref<!tpu.dma_semaphore, #tpu.memory_space<semaphore_mem>>, %arg16: memref<!tpu.dma_semaphore, #tpu.memory_space<semaphore_mem>>, %arg17: memref<!tpu.dma_semaphore, #tpu.memory_space<semaphore_mem>>, %arg18: memref<!tpu.dma_semaphore, #tpu.memory_space<semaphore_mem>>) attributes {dimension_semantics = [#tpu.dimension_semantics<core_parallel>, #tpu.dimension_semantics<subcore_parallel>], iteration_bounds = array<i64: 2, 16>, scalar_prefetch = 0 : i64, scratch_operands = 12 : i64, tpu.core_type = #tpu.core_type<sc_vector_subcore>, window_params = [{transform_indices = #map}, {transform_indices = #map}, {transform_indices = #map1}, {transform_indices = #map1}, {transform_indices = #map1}]} {
    %mul3A = arith.constant 16 : i32
    %mul3A_0 = arith.muli %arg0, %mul3A : i32
    %add3A = arith.addi %mul3A_0, %arg1 : i32
    "tpu.region"() ({
      %run_scoped3A = tpu.sem_alloc : memref<!tpu.dma_semaphore, #tpu.memory_space<semaphore_mem>>
      %dma_start3A_34 = arith.constant 0 : i32
      %dma_start3A_35 = arith.constant 0 : i32
      %dma_start3A_36 = tpu.memref_slice %arg4[%add3A, %dma_start3A_34, %dma_start3A_35] : memref<32x26x128xi32, #tpu.memory_space<hbm>> -> memref<1x26x128xi32, #tpu.memory_space<hbm>>
      %dma_start3A_37 = tpu.memref_squeeze %dma_start3A_36 : memref<1x26x128xi32, #tpu.memory_space<hbm>> -> memref<26x128xi32, #tpu.memory_space<hbm>>
      %dma_start3A_38 = arith.constant 0 : i32
      %dma_start3A_39 = arith.constant 0 : i32
      %dma_start3A_40 = tpu.memref_slice %arg4[%add3A, %dma_start3A_38, %dma_start3A_39] : memref<32x26x128xi32, #tpu.memory_space<hbm>> -> memref<1x26x128xi32, #tpu.memory_space<hbm>>
      %dma_start3A_41 = tpu.memref_squeeze %dma_start3A_40 : memref<1x26x128xi32, #tpu.memory_space<hbm>> -> memref<26x128xi32, #tpu.memory_space<hbm>>
      tpu.enqueue_dma source(%dma_start3A_41 : memref<26x128xi32, #tpu.memory_space<hbm>>) target(%arg7 : memref<26x128xi32, #tpu.memory_space<vmem>>) target_semaphore(%run_scoped3A : memref<!tpu.dma_semaphore, #tpu.memory_space<semaphore_mem>>)
      %dma_wait3A = arith.constant 0 : i32
      %dma_wait3A_42 = arith.constant 0 : i32
      %dma_wait3A_43 = tpu.memref_slice %arg4[%add3A, %dma_wait3A, %dma_wait3A_42] : memref<32x26x128xi32, #tpu.memory_space<hbm>> -> memref<1x26x128xi32, #tpu.memory_space<hbm>>
      %dma_wait3A_44 = tpu.memref_squeeze %dma_wait3A_43 : memref<1x26x128xi32, #tpu.memory_space<hbm>> -> memref<26x128xi32, #tpu.memory_space<hbm>>
      %dma_wait3A_45 = arith.constant 0 : i32
      %dma_wait3A_46 = arith.constant 0 : i32
      %dma_wait3A_47 = tpu.memref_slice %arg4[%add3A, %dma_wait3A_45, %dma_wait3A_46] : memref<32x26x128xi32, #tpu.memory_space<hbm>> -> memref<1x26x128xi32, #tpu.memory_space<hbm>>
      %dma_wait3A_48 = tpu.memref_squeeze %dma_wait3A_47 : memref<1x26x128xi32, #tpu.memory_space<hbm>> -> memref<26x128xi32, #tpu.memory_space<hbm>>
      tpu.wait_dma2 semaphore(%run_scoped3A : memref<!tpu.dma_semaphore, #tpu.memory_space<semaphore_mem>>) src(%dma_wait3A_48 : memref<26x128xi32, #tpu.memory_space<hbm>>) dst(%arg7 : memref<26x128xi32, #tpu.memory_space<vmem>>)
      tpu.yield
    }) : () -> ()
    "tpu.region"() ({
      %run_scoped3A = tpu.sem_alloc : memref<!tpu.dma_semaphore, #tpu.memory_space<semaphore_mem>>
      %dma_start3A_34 = arith.constant 0 : i32
      %dma_start3A_35 = arith.constant 0 : i32
      %dma_start3A_36 = tpu.memref_slice %arg5[%add3A, %dma_start3A_34, %dma_start3A_35] : memref<32x26x128xi32, #tpu.memory_space<hbm>> -> memref<1x26x128xi32, #tpu.memory_space<hbm>>
      %dma_start3A_37 = tpu.memref_squeeze %dma_start3A_36 : memref<1x26x128xi32, #tpu.memory_space<hbm>> -> memref<26x128xi32, #tpu.memory_space<hbm>>
      %dma_start3A_38 = arith.constant 0 : i32
      %dma_start3A_39 = arith.constant 0 : i32
      %dma_start3A_40 = tpu.memref_slice %arg5[%add3A, %dma_start3A_38, %dma_start3A_39] : memref<32x26x128xi32, #tpu.memory_space<hbm>> -> memref<1x26x128xi32, #tpu.memory_space<hbm>>
      %dma_start3A_41 = tpu.memref_squeeze %dma_start3A_40 : memref<1x26x128xi32, #tpu.memory_space<hbm>> -> memref<26x128xi32, #tpu.memory_space<hbm>>
      tpu.enqueue_dma source(%dma_start3A_41 : memref<26x128xi32, #tpu.memory_space<hbm>>) target(%arg8 : memref<26x128xi32, #tpu.memory_space<vmem>>) target_semaphore(%run_scoped3A : memref<!tpu.dma_semaphore, #tpu.memory_space<semaphore_mem>>)
      %dma_wait3A = arith.constant 0 : i32
      %dma_wait3A_42 = arith.constant 0 : i32
      %dma_wait3A_43 = tpu.memref_slice %arg5[%add3A, %dma_wait3A, %dma_wait3A_42] : memref<32x26x128xi32, #tpu.memory_space<hbm>> -> memref<1x26x128xi32, #tpu.memory_space<hbm>>
      %dma_wait3A_44 = tpu.memref_squeeze %dma_wait3A_43 : memref<1x26x128xi32, #tpu.memory_space<hbm>> -> memref<26x128xi32, #tpu.memory_space<hbm>>
      %dma_wait3A_45 = arith.constant 0 : i32
      %dma_wait3A_46 = arith.constant 0 : i32
      %dma_wait3A_47 = tpu.memref_slice %arg5[%add3A, %dma_wait3A_45, %dma_wait3A_46] : memref<32x26x128xi32, #tpu.memory_space<hbm>> -> memref<1x26x128xi32, #tpu.memory_space<hbm>>
      %dma_wait3A_48 = tpu.memref_squeeze %dma_wait3A_47 : memref<1x26x128xi32, #tpu.memory_space<hbm>> -> memref<26x128xi32, #tpu.memory_space<hbm>>
      tpu.wait_dma2 semaphore(%run_scoped3A : memref<!tpu.dma_semaphore, #tpu.memory_space<semaphore_mem>>) src(%dma_wait3A_48 : memref<26x128xi32, #tpu.memory_space<hbm>>) dst(%arg8 : memref<26x128xi32, #tpu.memory_space<vmem>>)
      tpu.yield
    }) : () -> ()
    %dma_start3A = arith.constant 0 : i32
    %dma_start3A_1 = arith.constant 0 : i32
    %dma_start3A_2 = tpu.memref_slice %arg7[%dma_start3A, %dma_start3A_1] : memref<26x128xi32, #tpu.memory_space<vmem>> -> memref<1x128xi32, #tpu.memory_space<vmem>>
    %dma_start3A_3 = tpu.memref_squeeze %dma_start3A_2 : memref<1x128xi32, #tpu.memory_space<vmem>> -> memref<128xi32, #tpu.memory_space<vmem>>
    %dma_start3A_4 = arith.constant 0 : i32
    %dma_start3A_5 = arith.constant 0 : i32
    %dma_start3A_6 = tpu.memref_slice %arg2[%dma_start3A_4, %dma_start3A_5] : memref<10240x16xf32, #tpu.memory_space<hbm>> -> memref<10240x16xf32, #tpu.memory_space<hbm>>
    tpu.enqueue_indirect_dma source(%dma_start3A_6 : memref<10240x16xf32, #tpu.memory_space<hbm>>) target(%arg9 : memref<128x16xf32, #tpu.memory_space<vmem>>) offsets(%dma_start3A_3 : memref<128xi32, #tpu.memory_space<vmem>>) semaphore(%arg15 : memref<!tpu.dma_semaphore, #tpu.memory_space<semaphore_mem>>)
    %dma_start3A_7 = arith.constant 0 : i32
    %dma_start3A_8 = arith.constant 0 : i32
    %dma_start3A_9 = tpu.memref_slice %arg8[%dma_start3A_7, %dma_start3A_8] : memref<26x128xi32, #tpu.memory_space<vmem>> -> memref<1x128xi32, #tpu.memory_space<vmem>>
    %dma_start3A_10 = tpu.memref_squeeze %dma_start3A_9 : memref<1x128xi32, #tpu.memory_space<vmem>> -> memref<128xi32, #tpu.memory_space<vmem>>
    %dma_start3A_11 = arith.constant 0 : i32
    %dma_start3A_12 = arith.constant 0 : i32
    %dma_start3A_13 = tpu.memref_slice %arg3[%dma_start3A_11, %dma_start3A_12] : memref<10240x16xf32, #tpu.memory_space<hbm>> -> memref<10240x16xf32, #tpu.memory_space<hbm>>
    tpu.enqueue_indirect_dma source(%dma_start3A_13 : memref<10240x16xf32, #tpu.memory_space<hbm>>) target(%arg10 : memref<128x16xf32, #tpu.memory_space<vmem>>) offsets(%dma_start3A_10 : memref<128xi32, #tpu.memory_space<vmem>>) semaphore(%arg16 : memref<!tpu.dma_semaphore, #tpu.memory_space<semaphore_mem>>)
    %dma_start3A_14 = arith.constant 1 : i32
    %dma_start3A_15 = arith.constant 0 : i32
    %dma_start3A_16 = tpu.memref_slice %arg7[%dma_start3A_14, %dma_start3A_15] : memref<26x128xi32, #tpu.memory_space<vmem>> -> memref<1x128xi32, #tpu.memory_space<vmem>>
    %dma_start3A_17 = tpu.memref_squeeze %dma_start3A_16 : memref<1x128xi32, #tpu.memory_space<vmem>> -> memref<128xi32, #tpu.memory_space<vmem>>
    %dma_start3A_18 = arith.constant 0 : i32
    %dma_start3A_19 = arith.constant 0 : i32
    %dma_start3A_20 = tpu.memref_slice %arg2[%dma_start3A_18, %dma_start3A_19] : memref<10240x16xf32, #tpu.memory_space<hbm>> -> memref<10240x16xf32, #tpu.memory_space<hbm>>
    tpu.enqueue_indirect_dma source(%dma_start3A_20 : memref<10240x16xf32, #tpu.memory_space<hbm>>) target(%arg12 : memref<128x16xf32, #tpu.memory_space<vmem>>) offsets(%dma_start3A_17 : memref<128xi32, #tpu.memory_space<vmem>>) semaphore(%arg17 : memref<!tpu.dma_semaphore, #tpu.memory_space<semaphore_mem>>)
    %dma_start3A_21 = arith.constant 1 : i32
    %dma_start3A_22 = arith.constant 0 : i32
    %dma_start3A_23 = tpu.memref_slice %arg8[%dma_start3A_21, %dma_start3A_22] : memref<26x128xi32, #tpu.memory_space<vmem>> -> memref<1x128xi32, #tpu.memory_space<vmem>>
    %dma_start3A_24 = tpu.memref_squeeze %dma_start3A_23 : memref<1x128xi32, #tpu.memory_space<vmem>> -> memref<128xi32, #tpu.memory_space<vmem>>
    %dma_start3A_25 = arith.constant 0 : i32
    %dma_start3A_26 = arith.constant 0 : i32
    %dma_start3A_27 = tpu.memref_slice %arg3[%dma_start3A_25, %dma_start3A_26] : memref<10240x16xf32, #tpu.memory_space<hbm>> -> memref<10240x16xf32, #tpu.memory_space<hbm>>
    tpu.enqueue_indirect_dma source(%dma_start3A_27 : memref<10240x16xf32, #tpu.memory_space<hbm>>) target(%arg13 : memref<128x16xf32, #tpu.memory_space<vmem>>) offsets(%dma_start3A_24 : memref<128xi32, #tpu.memory_space<vmem>>) semaphore(%arg18 : memref<!tpu.dma_semaphore, #tpu.memory_space<semaphore_mem>>)
    %scan3A = arith.constant 0 : i32
    %scan3A_28 = arith.constant 0 : i32
    %scan3A_29 = arith.constant 13 : i32
    %scan3A_30 = arith.addi %scan3A_28, %scan3A_29 : i32
    %scan3A_31 = arith.constant 1 : i32
    %scan3A_32 = scf.for %scan3A_34 = %scan3A_28 to %scan3A_30 step %scan3A_31 iter_args(%scan3A_35 = %scan3A) -> (i32)  : i32 {
      %mul3A_36 = arith.constant 2 : i32
      %mul3A_37 = arith.muli %mul3A_36, %scan3A_34 : i32
      %add3A_38 = arith.constant 2 : i32
      %add3A_39 = arith.addi %mul3A_37, %add3A_38 : i32
      %dma_wait3A = arith.constant 0 : i32
      %dma_wait3A_40 = tpu.memref_slice %arg7[%mul3A_37, %dma_wait3A] : memref<26x128xi32, #tpu.memory_space<vmem>> -> memref<1x128xi32, #tpu.memory_space<vmem>>
      %dma_wait3A_41 = tpu.memref_squeeze %dma_wait3A_40 : memref<1x128xi32, #tpu.memory_space<vmem>> -> memref<128xi32, #tpu.memory_space<vmem>>
      %dma_wait3A_42 = arith.constant 0 : i32
      %dma_wait3A_43 = arith.constant 0 : i32
      %dma_wait3A_44 = tpu.memref_slice %arg2[%dma_wait3A_42, %dma_wait3A_43] : memref<10240x16xf32, #tpu.memory_space<hbm>> -> memref<10240x16xf32, #tpu.memory_space<hbm>>
      tpu.wait_indirect_dma semaphore(%arg15 : memref<!tpu.dma_semaphore, #tpu.memory_space<semaphore_mem>>) src(%dma_wait3A_44 : memref<10240x16xf32, #tpu.memory_space<hbm>>) dst(%arg9 : memref<128x16xf32, #tpu.memory_space<vmem>>)
      %dma_wait3A_45 = arith.constant 0 : i32
      %dma_wait3A_46 = tpu.memref_slice %arg8[%mul3A_37, %dma_wait3A_45] : memref<26x128xi32, #tpu.memory_space<vmem>> -> memref<1x128xi32, #tpu.memory_space<vmem>>
      %dma_wait3A_47 = tpu.memref_squeeze %dma_wait3A_46 : memref<1x128xi32, #tpu.memory_space<vmem>> -> memref<128xi32, #tpu.memory_space<vmem>>
      %dma_wait3A_48 = arith.constant 0 : i32
      %dma_wait3A_49 = arith.constant 0 : i32
      %dma_wait3A_50 = tpu.memref_slice %arg3[%dma_wait3A_48, %dma_wait3A_49] : memref<10240x16xf32, #tpu.memory_space<hbm>> -> memref<10240x16xf32, #tpu.memory_space<hbm>>
      tpu.wait_indirect_dma semaphore(%arg16 : memref<!tpu.dma_semaphore, #tpu.memory_space<semaphore_mem>>) src(%dma_wait3A_50 : memref<10240x16xf32, #tpu.memory_space<hbm>>) dst(%arg10 : memref<128x16xf32, #tpu.memory_space<vmem>>)
      %scan3A_51 = arith.constant 0 : i32
      %scan3A_52 = arith.constant 0 : i32
      %scan3A_53 = arith.constant 128 : i32
      %scan3A_54 = arith.addi %scan3A_52, %scan3A_53 : i32
      %scan3A_55 = arith.constant 1 : i32
      %scan3A_56 = scf.for %scan3A_93 = %scan3A_52 to %scan3A_54 step %scan3A_55 iter_args(%scan3A_94 = %scan3A_51) -> (i32)  : i32 {
        %get3A = arith.index_cast %scan3A_93 : i32 to index
        %get3A_95 = arith.constant 0 : index
        %get3A_96 = tpu.vector_load %arg9[%get3A, %get3A_95] {strides = array<i32>} : memref<128x16xf32, #tpu.memory_space<vmem>>, vector<1x16xf32>,
        %get3A_97 = vector.shape_cast %get3A_96 : vector<1x16xf32> to vector<16xf32>
        %get3A_98 = arith.index_cast %scan3A_93 : i32 to index
        %get3A_99 = arith.constant 0 : index
        %get3A_100 = tpu.vector_load %arg10[%get3A_98, %get3A_99] {strides = array<i32>} : memref<128x16xf32, #tpu.memory_space<vmem>>, vector<1x16xf32>,
        %get3A_101 = vector.shape_cast %get3A_100 : vector<1x16xf32> to vector<16xf32>
        %add3A_102 = arith.addf %get3A_97, %get3A_101 : vector<16xf32>
        %swap3A = arith.index_cast %scan3A_93 : i32 to index
        %swap3A_103 = arith.constant 0 : index
        %swap3A_104 = tpu.vector_load %arg11[%swap3A, %swap3A_103] {strides = array<i32>} : memref<128x16xf32, #tpu.memory_space<vmem>>, vector<1x16xf32>,
        %swap3A_105 = vector.shape_cast %swap3A_104 : vector<1x16xf32> to vector<16xf32>
        %swap3A_106 = vector.shape_cast %add3A_102 : vector<16xf32> to vector<1x16xf32>
        tpu.vector_store %arg11[%swap3A, %swap3A_103], %swap3A_106 {strides = array<i32>} : memref<128x16xf32, #tpu.memory_space<vmem>>, vector<1x16xf32>,
        %scan3A_107 = arith.constant 0 : i32
        scf.yield %scan3A_107 : i32
      }
      %scan3A_57 = arith.constant 128 : i32
      %lt3A = arith.constant 26 : i32
      %lt3A_58 = arith.cmpi slt, %add3A_39, %lt3A : i32
      %convert_element_type3A = arith.extui %lt3A_58 : i1 to i32
      %cond3A = arith.constant 0 : i32
      %cond3A_59 = arith.cmpi ne, %convert_element_type3A, %cond3A : i32
      scf.if %cond3A_59 {
        %dma_start3A_93 = arith.constant 0 : i32
        %dma_start3A_94 = tpu.memref_slice %arg7[%add3A_39, %dma_start3A_93] : memref<26x128xi32, #tpu.memory_space<vmem>> -> memref<1x128xi32, #tpu.memory_space<vmem>>
        %dma_start3A_95 = tpu.memref_squeeze %dma_start3A_94 : memref<1x128xi32, #tpu.memory_space<vmem>> -> memref<128xi32, #tpu.memory_space<vmem>>
        %dma_start3A_96 = arith.constant 0 : i32
        %dma_start3A_97 = arith.constant 0 : i32
        %dma_start3A_98 = tpu.memref_slice %arg2[%dma_start3A_96, %dma_start3A_97] : memref<10240x16xf32, #tpu.memory_space<hbm>> -> memref<10240x16xf32, #tpu.memory_space<hbm>>
        tpu.enqueue_indirect_dma source(%dma_start3A_98 : memref<10240x16xf32, #tpu.memory_space<hbm>>) target(%arg9 : memref<128x16xf32, #tpu.memory_space<vmem>>) offsets(%dma_start3A_95 : memref<128xi32, #tpu.memory_space<vmem>>) semaphore(%arg15 : memref<!tpu.dma_semaphore, #tpu.memory_space<semaphore_mem>>)
        %dma_start3A_99 = arith.constant 0 : i32
        %dma_start3A_100 = tpu.memref_slice %arg8[%add3A_39, %dma_start3A_99] : memref<26x128xi32, #tpu.memory_space<vmem>> -> memref<1x128xi32, #tpu.memory_space<vmem>>
        %dma_start3A_101 = tpu.memref_squeeze %dma_start3A_100 : memref<1x128xi32, #tpu.memory_space<vmem>> -> memref<128xi32, #tpu.memory_space<vmem>>
        %dma_start3A_102 = arith.constant 0 : i32
        %dma_start3A_103 = arith.constant 0 : i32
        %dma_start3A_104 = tpu.memref_slice %arg3[%dma_start3A_102, %dma_start3A_103] : memref<10240x16xf32, #tpu.memory_space<hbm>> -> memref<10240x16xf32, #tpu.memory_space<hbm>>
        tpu.enqueue_indirect_dma source(%dma_start3A_104 : memref<10240x16xf32, #tpu.memory_space<hbm>>) target(%arg10 : memref<128x16xf32, #tpu.memory_space<vmem>>) offsets(%dma_start3A_101 : memref<128xi32, #tpu.memory_space<vmem>>) semaphore(%arg16 : memref<!tpu.dma_semaphore, #tpu.memory_space<semaphore_mem>>)
      } else {
      }
      %mul3A_60 = arith.constant 128 : i32
      %mul3A_61 = arith.muli %mul3A_37, %mul3A_60 : i32
      "tpu.region"() ({
        %run_scoped3A = tpu.sem_alloc : memref<!tpu.dma_semaphore, #tpu.memory_space<semaphore_mem>>
        %dma_start3A_93 = arith.constant 0 : i32
        %dma_start3A_94 = tpu.memref_slice %arg6[%add3A, %mul3A_61, %dma_start3A_93] : memref<32x3328x16xf32, #tpu.memory_space<hbm>> -> memref<1x128x16xf32, #tpu.memory_space<hbm>>
        %dma_start3A_95 = tpu.memref_squeeze %dma_start3A_94 : memref<1x128x16xf32, #tpu.memory_space<hbm>> -> memref<128x16xf32, #tpu.memory_space<hbm>>
        %dma_start3A_96 = arith.constant 0 : i32
        %dma_start3A_97 = tpu.memref_slice %arg6[%add3A, %mul3A_61, %dma_start3A_96] : memref<32x3328x16xf32, #tpu.memory_space<hbm>> -> memref<1x128x16xf32, #tpu.memory_space<hbm>>
        %dma_start3A_98 = tpu.memref_squeeze %dma_start3A_97 : memref<1x128x16xf32, #tpu.memory_space<hbm>> -> memref<128x16xf32, #tpu.memory_space<hbm>>
        tpu.enqueue_dma source(%arg11 : memref<128x16xf32, #tpu.memory_space<vmem>>) target(%dma_start3A_98 : memref<128x16xf32, #tpu.memory_space<hbm>>) target_semaphore(%run_scoped3A : memref<!tpu.dma_semaphore, #tpu.memory_space<semaphore_mem>>)
        %dma_wait3A_99 = arith.constant 0 : i32
        %dma_wait3A_100 = tpu.memref_slice %arg6[%add3A, %mul3A_61, %dma_wait3A_99] : memref<32x3328x16xf32, #tpu.memory_space<hbm>> -> memref<1x128x16xf32, #tpu.memory_space<hbm>>
        %dma_wait3A_101 = tpu.memref_squeeze %dma_wait3A_100 : memref<1x128x16xf32, #tpu.memory_space<hbm>> -> memref<128x16xf32, #tpu.memory_space<hbm>>
        %dma_wait3A_102 = arith.constant 0 : i32
        %dma_wait3A_103 = tpu.memref_slice %arg6[%add3A, %mul3A_61, %dma_wait3A_102] : memref<32x3328x16xf32, #tpu.memory_space<hbm>> -> memref<1x128x16xf32, #tpu.memory_space<hbm>>
        %dma_wait3A_104 = tpu.memref_squeeze %dma_wait3A_103 : memref<1x128x16xf32, #tpu.memory_space<hbm>> -> memref<128x16xf32, #tpu.memory_space<hbm>>
        tpu.wait_dma2 semaphore(%run_scoped3A : memref<!tpu.dma_semaphore, #tpu.memory_space<semaphore_mem>>) src(%arg11 : memref<128x16xf32, #tpu.memory_space<vmem>>) dst(%dma_wait3A_104 : memref<128x16xf32, #tpu.memory_space<hbm>>)
        tpu.yield
      }) : () -> ()
      %add3A_62 = arith.constant 1 : i32
      %add3A_63 = arith.addi %mul3A_37, %add3A_62 : i32
      %add3A_64 = arith.constant 3 : i32
      %add3A_65 = arith.addi %mul3A_37, %add3A_64 : i32
      %dma_wait3A_66 = arith.constant 0 : i32
      %dma_wait3A_67 = tpu.memref_slice %arg7[%add3A_63, %dma_wait3A_66] : memref<26x128xi32, #tpu.memory_space<vmem>> -> memref<1x128xi32, #tpu.memory_space<vmem>>
      %dma_wait3A_68 = tpu.memref_squeeze %dma_wait3A_67 : memref<1x128xi32, #tpu.memory_space<vmem>> -> memref<128xi32, #tpu.memory_space<vmem>>
      %dma_wait3A_69 = arith.constant 0 : i32
      %dma_wait3A_70 = arith.constant 0 : i32
      %dma_wait3A_71 = tpu.memref_slice %arg2[%dma_wait3A_69, %dma_wait3A_70] : memref<10240x16xf32, #tpu.memory_space<hbm>> -> memref<10240x16xf32, #tpu.memory_space<hbm>>
      tpu.wait_indirect_dma semaphore(%arg17 : memref<!tpu.dma_semaphore, #tpu.memory_space<semaphore_mem>>) src(%dma_wait3A_71 : memref<10240x16xf32, #tpu.memory_space<hbm>>) dst(%arg12 : memref<128x16xf32, #tpu.memory_space<vmem>>)
      %dma_wait3A_72 = arith.constant 0 : i32
      %dma_wait3A_73 = tpu.memref_slice %arg8[%add3A_63, %dma_wait3A_72] : memref<26x128xi32, #tpu.memory_space<vmem>> -> memref<1x128xi32, #tpu.memory_space<vmem>>
      %dma_wait3A_74 = tpu.memref_squeeze %dma_wait3A_73 : memref<1x128xi32, #tpu.memory_space<vmem>> -> memref<128xi32, #tpu.memory_space<vmem>>
      %dma_wait3A_75 = arith.constant 0 : i32
      %dma_wait3A_76 = arith.constant 0 : i32
      %dma_wait3A_77 = tpu.memref_slice %arg3[%dma_wait3A_75, %dma_wait3A_76] : memref<10240x16xf32, #tpu.memory_space<hbm>> -> memref<10240x16xf32, #tpu.memory_space<hbm>>
      tpu.wait_indirect_dma semaphore(%arg18 : memref<!tpu.dma_semaphore, #tpu.memory_space<semaphore_mem>>) src(%dma_wait3A_77 : memref<10240x16xf32, #tpu.memory_space<hbm>>) dst(%arg13 : memref<128x16xf32, #tpu.memory_space<vmem>>)
      %scan3A_78 = arith.constant 0 : i32
      %scan3A_79 = arith.constant 0 : i32
      %scan3A_80 = arith.constant 128 : i32
      %scan3A_81 = arith.addi %scan3A_79, %scan3A_80 : i32
      %scan3A_82 = arith.constant 1 : i32
      %scan3A_83 = scf.for %scan3A_93 = %scan3A_79 to %scan3A_81 step %scan3A_82 iter_args(%scan3A_94 = %scan3A_78) -> (i32)  : i32 {
        %get3A = arith.index_cast %scan3A_93 : i32 to index
        %get3A_95 = arith.constant 0 : index
        %get3A_96 = tpu.vector_load %arg12[%get3A, %get3A_95] {strides = array<i32>} : memref<128x16xf32, #tpu.memory_space<vmem>>, vector<1x16xf32>,
        %get3A_97 = vector.shape_cast %get3A_96 : vector<1x16xf32> to vector<16xf32>
        %get3A_98 = arith.index_cast %scan3A_93 : i32 to index
        %get3A_99 = arith.constant 0 : index
        %get3A_100 = tpu.vector_load %arg13[%get3A_98, %get3A_99] {strides = array<i32>} : memref<128x16xf32, #tpu.memory_space<vmem>>, vector<1x16xf32>,
        %get3A_101 = vector.shape_cast %get3A_100 : vector<1x16xf32> to vector<16xf32>
        %add3A_102 = arith.addf %get3A_97, %get3A_101 : vector<16xf32>
        %swap3A = arith.index_cast %scan3A_93 : i32 to index
        %swap3A_103 = arith.constant 0 : index
        %swap3A_104 = tpu.vector_load %arg14[%swap3A, %swap3A_103] {strides = array<i32>} : memref<128x16xf32, #tpu.memory_space<vmem>>, vector<1x16xf32>,
        %swap3A_105 = vector.shape_cast %swap3A_104 : vector<1x16xf32> to vector<16xf32>
        %swap3A_106 = vector.shape_cast %add3A_102 : vector<16xf32> to vector<1x16xf32>
        tpu.vector_store %arg14[%swap3A, %swap3A_103], %swap3A_106 {strides = array<i32>} : memref<128x16xf32, #tpu.memory_space<vmem>>, vector<1x16xf32>,
        %scan3A_107 = arith.constant 0 : i32
        scf.yield %scan3A_107 : i32
      }
      %scan3A_84 = arith.constant 128 : i32
      %lt3A_85 = arith.constant 26 : i32
      %lt3A_86 = arith.cmpi slt, %add3A_65, %lt3A_85 : i32
      %convert_element_type3A_87 = arith.extui %lt3A_86 : i1 to i32
      %cond3A_88 = arith.constant 0 : i32
      %cond3A_89 = arith.cmpi ne, %convert_element_type3A_87, %cond3A_88 : i32
      scf.if %cond3A_89 {
        %dma_start3A_93 = arith.constant 0 : i32
        %dma_start3A_94 = tpu.memref_slice %arg7[%add3A_65, %dma_start3A_93] : memref<26x128xi32, #tpu.memory_space<vmem>> -> memref<1x128xi32, #tpu.memory_space<vmem>>
        %dma_start3A_95 = tpu.memref_squeeze %dma_start3A_94 : memref<1x128xi32, #tpu.memory_space<vmem>> -> memref<128xi32, #tpu.memory_space<vmem>>
        %dma_start3A_96 = arith.constant 0 : i32
        %dma_start3A_97 = arith.constant 0 : i32
        %dma_start3A_98 = tpu.memref_slice %arg2[%dma_start3A_96, %dma_start3A_97] : memref<10240x16xf32, #tpu.memory_space<hbm>> -> memref<10240x16xf32, #tpu.memory_space<hbm>>
        tpu.enqueue_indirect_dma source(%dma_start3A_98 : memref<10240x16xf32, #tpu.memory_space<hbm>>) target(%arg12 : memref<128x16xf32, #tpu.memory_space<vmem>>) offsets(%dma_start3A_95 : memref<128xi32, #tpu.memory_space<vmem>>) semaphore(%arg17 : memref<!tpu.dma_semaphore, #tpu.memory_space<semaphore_mem>>)
        %dma_start3A_99 = arith.constant 0 : i32
        %dma_start3A_100 = tpu.memref_slice %arg8[%add3A_65, %dma_start3A_99] : memref<26x128xi32, #tpu.memory_space<vmem>> -> memref<1x128xi32, #tpu.memory_space<vmem>>
        %dma_start3A_101 = tpu.memref_squeeze %dma_start3A_100 : memref<1x128xi32, #tpu.memory_space<vmem>> -> memref<128xi32, #tpu.memory_space<vmem>>
        %dma_start3A_102 = arith.constant 0 : i32
        %dma_start3A_103 = arith.constant 0 : i32
        %dma_start3A_104 = tpu.memref_slice %arg3[%dma_start3A_102, %dma_start3A_103] : memref<10240x16xf32, #tpu.memory_space<hbm>> -> memref<10240x16xf32, #tpu.memory_space<hbm>>
        tpu.enqueue_indirect_dma source(%dma_start3A_104 : memref<10240x16xf32, #tpu.memory_space<hbm>>) target(%arg13 : memref<128x16xf32, #tpu.memory_space<vmem>>) offsets(%dma_start3A_101 : memref<128xi32, #tpu.memory_space<vmem>>) semaphore(%arg18 : memref<!tpu.dma_semaphore, #tpu.memory_space<semaphore_mem>>)
      } else {
      }
      %mul3A_90 = arith.constant 128 : i32
      %mul3A_91 = arith.muli %add3A_63, %mul3A_90 : i32
      "tpu.region"() ({
        %run_scoped3A = tpu.sem_alloc : memref<!tpu.dma_semaphore, #tpu.memory_space<semaphore_mem>>
        %dma_start3A_93 = arith.constant 0 : i32
        %dma_start3A_94 = tpu.memref_slice %arg6[%add3A, %mul3A_91, %dma_start3A_93] : memref<32x3328x16xf32, #tpu.memory_space<hbm>> -> memref<1x128x16xf32, #tpu.memory_space<hbm>>
        %dma_start3A_95 = tpu.memref_squeeze %dma_start3A_94 : memref<1x128x16xf32, #tpu.memory_space<hbm>> -> memref<128x16xf32, #tpu.memory_space<hbm>>
        %dma_start3A_96 = arith.constant 0 : i32
        %dma_start3A_97 = tpu.memref_slice %arg6[%add3A, %mul3A_91, %dma_start3A_96] : memref<32x3328x16xf32, #tpu.memory_space<hbm>> -> memref<1x128x16xf32, #tpu.memory_space<hbm>>
        %dma_start3A_98 = tpu.memref_squeeze %dma_start3A_97 : memref<1x128x16xf32, #tpu.memory_space<hbm>> -> memref<128x16xf32, #tpu.memory_space<hbm>>
        tpu.enqueue_dma source(%arg14 : memref<128x16xf32, #tpu.memory_space<vmem>>) target(%dma_start3A_98 : memref<128x16xf32, #tpu.memory_space<hbm>>) target_semaphore(%run_scoped3A : memref<!tpu.dma_semaphore, #tpu.memory_space<semaphore_mem>>)
        %dma_wait3A_99 = arith.constant 0 : i32
        %dma_wait3A_100 = tpu.memref_slice %arg6[%add3A, %mul3A_91, %dma_wait3A_99] : memref<32x3328x16xf32, #tpu.memory_space<hbm>> -> memref<1x128x16xf32, #tpu.memory_space<hbm>>
        %dma_wait3A_101 = tpu.memref_squeeze %dma_wait3A_100 : memref<1x128x16xf32, #tpu.memory_space<hbm>> -> memref<128x16xf32, #tpu.memory_space<hbm>>
        %dma_wait3A_102 = arith.constant 0 : i32
        %dma_wait3A_103 = tpu.memref_slice %arg6[%add3A, %mul3A_91, %dma_wait3A_102] : memref<32x3328x16xf32, #tpu.memory_space<hbm>> -> memref<1x128x16xf32, #tpu.memory_space<hbm>>
        %dma_wait3A_104 = tpu.memref_squeeze %dma_wait3A_103 : memref<1x128x16xf32, #tpu.memory_space<hbm>> -> memref<128x16xf32, #tpu.memory_space<hbm>>
        tpu.wait_dma2 semaphore(%run_scoped3A : memref<!tpu.dma_semaphore, #tpu.memory_space<semaphore_mem>>) src(%arg14 : memref<128x16xf32, #tpu.memory_space<vmem>>) dst(%dma_wait3A_104 : memref<128x16xf32, #tpu.memory_space<hbm>>)
        tpu.yield
      }) : () -> ()
      %scan3A_92 = arith.constant 0 : i32
      scf.yield %scan3A_92 : i32
    }
    %scan3A_33 = arith.constant 13 : i32
    return
  }
}

module attributes {stable_mosaic.version = 14 : i64} {
  func.func @_scale_body(%arg0: i32, %arg1: memref<1024x128xf32, #tpu.memory_space<vmem>>, %arg2: memref<1024x2xf32, #tpu.memory_space<vmem>>, %arg3: memref<1024x128xf32, #tpu.memory_space<vmem>>) attributes {dimension_semantics = [#tpu.dimension_semantics<arbitrary>], iteration_bounds = array<i64: 10>, scalar_prefetch = 0 : i64, scratch_operands = 0 : i64, tpu.core_type = #tpu.core_type<tc>, window_params = [{transform_indices = @transform_0, window_bounds = array<i64: 1024, 128>}, {transform_indices = @transform_1, window_bounds = array<i64: 1024, 2>}, {transform_indices = @transform_2, window_bounds = array<i64: 1024, 128>}]} {
    %get3A = arith.constant 0 : index
    %get3A_0 = arith.constant 0 : index
    %get3A_1 = vector.load %arg2[%get3A, %get3A_0] : memref<1024x2xf32, #tpu.memory_space<vmem>>, vector<1024x1xf32>
    %max3A = arith.constant 1.000000e+00 : f32
    %max3A_2 = vector.broadcast %max3A : f32 to vector<1024x1xf32>
    %max3A_3 = arith.maximumf %get3A_1, %max3A_2 : vector<1024x1xf32>
    %rsqrt3A = math.rsqrt %max3A_3 : vector<1024x1xf32>
    %get3A_4 = arith.constant 0 : index
    %get3A_5 = arith.constant 0 : index
    %get3A_6 = vector.load %arg1[%get3A_4, %get3A_5] : memref<1024x128xf32, #tpu.memory_space<vmem>>, vector<1024x128xf32>
    %mul3A = vector.broadcast %rsqrt3A : vector<1024x1xf32> to vector<1024x128xf32>
    %mul3A_7 = arith.mulf %get3A_6, %mul3A : vector<1024x128xf32>
    %swap3A = arith.constant 0 : index
    %swap3A_8 = arith.constant 0 : index
    %swap3A_9 = vector.load %arg3[%swap3A, %swap3A_8] : memref<1024x128xf32, #tpu.memory_space<vmem>>, vector<1024x128xf32>
    tpu.vector_store %arg3[%swap3A, %swap3A_8], %mul3A_7 {strides = array<i32>} : memref<1024x128xf32, #tpu.memory_space<vmem>>, vector<1024x128xf32>,
    return
  }
  func.func @transform_0(%arg0: i32) -> (i32, i32) {
    %c0_i32 = arith.constant 0 : i32
    %c0_i32_0 = arith.constant 0 : i32
    return %arg0, %c0_i32 : i32, i32
  }
  func.func @transform_1(%arg0: i32) -> (i32, i32) {
    %c0_i32 = arith.constant 0 : i32
    %c0_i32_0 = arith.constant 0 : i32
    return %arg0, %c0_i32 : i32, i32
  }
  func.func @transform_2(%arg0: i32) -> (i32, i32) {
    %c0_i32 = arith.constant 0 : i32
    %c0_i32_0 = arith.constant 0 : i32
    return %arg0, %c0_i32 : i32, i32
  }
}

module attributes {stable_mosaic.version = 14 : i64} {
  func.func @_mm1_body(%arg0: i32, %arg1: memref<2x1024x128xf32, #tpu.memory_space<vmem>>, %arg2: memref<1024x2xf32, #tpu.memory_space<vmem>>, %arg3: memref<128x128xf32, #tpu.memory_space<vmem>>, %arg4: memref<1x128xf32, #tpu.memory_space<vmem>>, %arg5: memref<1024x128xf32, #tpu.memory_space<vmem>>) attributes {dimension_semantics = [#tpu.dimension_semantics<arbitrary>], iteration_bounds = array<i64: 10>, scalar_prefetch = 0 : i64, scratch_operands = 0 : i64, tpu.core_type = #tpu.core_type<tc>, window_params = [{transform_indices = @transform_0, window_bounds = array<i64: 2, 1024, 128>}, {transform_indices = @transform_1, window_bounds = array<i64: 1024, 2>}, {pipeline_mode = #tpu.pipeline_mode<synchronous>, transform_indices = @transform_2, window_bounds = array<i64: 128, 128>}, {pipeline_mode = #tpu.pipeline_mode<synchronous>, transform_indices = @transform_3, window_bounds = array<i64: 1, 128>}, {transform_indices = @transform_4, window_bounds = array<i64: 1024, 128>}]} {
    %get3A = arith.constant 0 : index
    %get3A_0 = arith.constant 0 : index
    %get3A_1 = arith.constant 0 : index
    %get3A_2 = vector.load %arg1[%get3A, %get3A_0, %get3A_1] : memref<2x1024x128xf32, #tpu.memory_space<vmem>>, vector<1x1024x128xf32>
    %get3A_3 = vector.shape_cast %get3A_2 : vector<1x1024x128xf32> to vector<1024x128xf32>
    %get3A_4 = arith.constant 1 : index
    %get3A_5 = arith.constant 0 : index
    %get3A_6 = arith.constant 0 : index
    %get3A_7 = vector.load %arg1[%get3A_4, %get3A_5, %get3A_6] : memref<2x1024x128xf32, #tpu.memory_space<vmem>>, vector<1x1024x128xf32>
    %get3A_8 = vector.shape_cast %get3A_7 : vector<1x1024x128xf32> to vector<1024x128xf32>
    %add3A = arith.addf %get3A_3, %get3A_8 : vector<1024x128xf32>
    %get3A_9 = arith.constant 0 : index
    %get3A_10 = arith.constant 0 : index
    %get3A_11 = vector.load %arg2[%get3A_9, %get3A_10] : memref<1024x2xf32, #tpu.memory_space<vmem>>, vector<1024x2xf32>
    %slice3A = vector.extract_strided_slice %get3A_11 {offsets = [0, 1], sizes = [1024, 1], strides = [1, 1]} : vector<1024x2xf32> to vector<1024x1xf32>
    %max3A = arith.constant 1.000000e+00 : f32
    %max3A_12 = vector.broadcast %max3A : f32 to vector<1024x1xf32>
    %max3A_13 = arith.maximumf %slice3A, %max3A_12 : vector<1024x1xf32>
    %rsqrt3A = math.rsqrt %max3A_13 : vector<1024x1xf32>
    %slice3A_14 = vector.extract_strided_slice %get3A_11 {offsets = [0, 0], sizes = [1024, 1], strides = [1, 1]} : vector<1024x2xf32> to vector<1024x1xf32>
    %max3A_15 = arith.constant 1.000000e+00 : f32
    %max3A_16 = vector.broadcast %max3A_15 : f32 to vector<1024x1xf32>
    %max3A_17 = arith.maximumf %slice3A_14, %max3A_16 : vector<1024x1xf32>
    %rsqrt3A_18 = math.rsqrt %max3A_17 : vector<1024x1xf32>
    %mul3A = vector.broadcast %rsqrt3A : vector<1024x1xf32> to vector<1024x128xf32>
    %mul3A_19 = arith.mulf %add3A, %mul3A : vector<1024x128xf32>
    %get3A_20 = arith.constant 0 : index
    %get3A_21 = arith.constant 0 : index
    %get3A_22 = vector.load %arg3[%get3A_20, %get3A_21] : memref<128x128xf32, #tpu.memory_space<vmem>>, vector<128x128xf32>
    %dot_general3A = arith.constant dense<0.000000e+00> : vector<1024x128xf32>
    %dot_general3A_23 = tpu.matmul %mul3A_19, %get3A_22, %dot_general3A {dimension_numbers = #tpu.dot_dimension_numbers<[1], [0], [0], [1], [0, 0, 1, 1], [], []>, transpose_lhs_hint = false} : vector<1024x128xf32>, vector<128x128xf32>, vector<1024x128xf32> -> vector<1024x128xf32>
    %get3A_24 = arith.constant 0 : index
    %get3A_25 = arith.constant 0 : index
    %get3A_26 = vector.load %arg4[%get3A_24, %get3A_25] : memref<1x128xf32, #tpu.memory_space<vmem>>, vector<1x128xf32>
    %add3A_27 = vector.broadcast %get3A_26 : vector<1x128xf32> to vector<1024x128xf32>
    %add3A_28 = arith.addf %dot_general3A_23, %add3A_27 : vector<1024x128xf32>
    %max3A_29 = arith.constant 0.000000e+00 : f32
    %max3A_30 = vector.broadcast %max3A_29 : f32 to vector<1024x128xf32>
    %max3A_31 = arith.maximumf %add3A_28, %max3A_30 : vector<1024x128xf32>
    %mul3A_32 = vector.broadcast %rsqrt3A_18 : vector<1024x1xf32> to vector<1024x128xf32>
    %mul3A_33 = arith.mulf %max3A_31, %mul3A_32 : vector<1024x128xf32>
    %swap3A = arith.constant 0 : index
    %swap3A_34 = arith.constant 0 : index
    %swap3A_35 = vector.load %arg5[%swap3A, %swap3A_34] : memref<1024x128xf32, #tpu.memory_space<vmem>>, vector<1024x128xf32>
    tpu.vector_store %arg5[%swap3A, %swap3A_34], %mul3A_33 {strides = array<i32>} : memref<1024x128xf32, #tpu.memory_space<vmem>>, vector<1024x128xf32>,
    return
  }
  func.func @transform_0(%arg0: i32) -> (i32, i32, i32) {
    %c0_i32 = arith.constant 0 : i32
    %c0_i32_0 = arith.constant 0 : i32
    %c0_i32_1 = arith.constant 0 : i32
    return %c0_i32, %arg0, %c0_i32_0 : i32, i32, i32
  }
  func.func @transform_1(%arg0: i32) -> (i32, i32) {
    %c0_i32 = arith.constant 0 : i32
    %c0_i32_0 = arith.constant 0 : i32
    return %arg0, %c0_i32 : i32, i32
  }
  func.func @transform_2(%arg0: i32) -> (i32, i32) {
    %c0_i32 = arith.constant 0 : i32
    %c0_i32_0 = arith.constant 0 : i32
    %c0_i32_1 = arith.constant 0 : i32
    return %c0_i32, %c0_i32_0 : i32, i32
  }
  func.func @transform_3(%arg0: i32) -> (i32, i32) {
    %c0_i32 = arith.constant 0 : i32
    %c0_i32_0 = arith.constant 0 : i32
    %c0_i32_1 = arith.constant 0 : i32
    return %c0_i32, %c0_i32_0 : i32, i32
  }
  func.func @transform_4(%arg0: i32) -> (i32, i32) {
    %c0_i32 = arith.constant 0 : i32
    %c0_i32_0 = arith.constant 0 : i32
    return %arg0, %c0_i32 : i32, i32
  }
}

module attributes {stable_mosaic.version = 14 : i64} {
  func.func @_mm2_body(%arg0: i32, %arg1: memref<2x1024x128xf32, #tpu.memory_space<vmem>>, %arg2: memref<1024x2xf32, #tpu.memory_space<vmem>>, %arg3: memref<128x128xf32, #tpu.memory_space<vmem>>, %arg4: memref<1x128xf32, #tpu.memory_space<vmem>>, %arg5: memref<128x16xf32, #tpu.memory_space<vmem>>, %arg6: memref<128x16xf32, #tpu.memory_space<vmem>>, %arg7: memref<1x16xf32, #tpu.memory_space<vmem>>, %arg8: memref<1024x128xf32, #tpu.memory_space<vmem>>, %arg9: memref<1024x16xf32, #tpu.memory_space<vmem>>, %arg10: memref<1024x16xf32, #tpu.memory_space<vmem>>) attributes {dimension_semantics = [#tpu.dimension_semantics<arbitrary>], iteration_bounds = array<i64: 10>, scalar_prefetch = 0 : i64, scratch_operands = 0 : i64, tpu.core_type = #tpu.core_type<tc>, window_params = [{transform_indices = @transform_0, window_bounds = array<i64: 2, 1024, 128>}, {transform_indices = @transform_1, window_bounds = array<i64: 1024, 2>}, {pipeline_mode = #tpu.pipeline_mode<synchronous>, transform_indices = @transform_2, window_bounds = array<i64: 128, 128>}, {pipeline_mode = #tpu.pipeline_mode<synchronous>, transform_indices = @transform_3, window_bounds = array<i64: 1, 128>}, {pipeline_mode = #tpu.pipeline_mode<synchronous>, transform_indices = @transform_4, window_bounds = array<i64: 128, 16>}, {pipeline_mode = #tpu.pipeline_mode<synchronous>, transform_indices = @transform_5, window_bounds = array<i64: 128, 16>}, {pipeline_mode = #tpu.pipeline_mode<synchronous>, transform_indices = @transform_6, window_bounds = array<i64: 1, 16>}, {transform_indices = @transform_7, window_bounds = array<i64: 1024, 128>}, {transform_indices = @transform_8, window_bounds = array<i64: 1024, 16>}, {transform_indices = @transform_9, window_bounds = array<i64: 1024, 16>}]} {
    %get3A = arith.constant 0 : index
    %get3A_0 = arith.constant 0 : index
    %get3A_1 = arith.constant 0 : index
    %get3A_2 = vector.load %arg1[%get3A, %get3A_0, %get3A_1] : memref<2x1024x128xf32, #tpu.memory_space<vmem>>, vector<1x1024x128xf32>
    %get3A_3 = vector.shape_cast %get3A_2 : vector<1x1024x128xf32> to vector<1024x128xf32>
    %get3A_4 = arith.constant 1 : index
    %get3A_5 = arith.constant 0 : index
    %get3A_6 = arith.constant 0 : index
    %get3A_7 = vector.load %arg1[%get3A_4, %get3A_5, %get3A_6] : memref<2x1024x128xf32, #tpu.memory_space<vmem>>, vector<1x1024x128xf32>
    %get3A_8 = vector.shape_cast %get3A_7 : vector<1x1024x128xf32> to vector<1024x128xf32>
    %add3A = arith.addf %get3A_3, %get3A_8 : vector<1024x128xf32>
    %get3A_9 = arith.constant 0 : index
    %get3A_10 = arith.constant 0 : index
    %get3A_11 = vector.load %arg2[%get3A_9, %get3A_10] : memref<1024x2xf32, #tpu.memory_space<vmem>>, vector<1024x2xf32>
    %slice3A = vector.extract_strided_slice %get3A_11 {offsets = [0, 1], sizes = [1024, 1], strides = [1, 1]} : vector<1024x2xf32> to vector<1024x1xf32>
    %max3A = arith.constant 1.000000e+00 : f32
    %max3A_12 = vector.broadcast %max3A : f32 to vector<1024x1xf32>
    %max3A_13 = arith.maximumf %slice3A, %max3A_12 : vector<1024x1xf32>
    %rsqrt3A = math.rsqrt %max3A_13 : vector<1024x1xf32>
    %mul3A = vector.broadcast %rsqrt3A : vector<1024x1xf32> to vector<1024x128xf32>
    %mul3A_14 = arith.mulf %add3A, %mul3A : vector<1024x128xf32>
    %get3A_15 = arith.constant 0 : index
    %get3A_16 = arith.constant 0 : index
    %get3A_17 = vector.load %arg3[%get3A_15, %get3A_16] : memref<128x128xf32, #tpu.memory_space<vmem>>, vector<128x128xf32>
    %dot_general3A = arith.constant dense<0.000000e+00> : vector<1024x128xf32>
    %dot_general3A_18 = tpu.matmul %mul3A_14, %get3A_17, %dot_general3A {dimension_numbers = #tpu.dot_dimension_numbers<[1], [0], [0], [1], [0, 0, 1, 1], [], []>, transpose_lhs_hint = false} : vector<1024x128xf32>, vector<128x128xf32>, vector<1024x128xf32> -> vector<1024x128xf32>
    %get3A_19 = arith.constant 0 : index
    %get3A_20 = arith.constant 0 : index
    %get3A_21 = vector.load %arg4[%get3A_19, %get3A_20] : memref<1x128xf32, #tpu.memory_space<vmem>>, vector<1x128xf32>
    %add3A_22 = vector.broadcast %get3A_21 : vector<1x128xf32> to vector<1024x128xf32>
    %add3A_23 = arith.addf %dot_general3A_18, %add3A_22 : vector<1024x128xf32>
    %max3A_24 = arith.constant 0.000000e+00 : f32
    %max3A_25 = vector.broadcast %max3A_24 : f32 to vector<1024x128xf32>
    %max3A_26 = arith.maximumf %add3A_23, %max3A_25 : vector<1024x128xf32>
    %swap3A = arith.constant 0 : index
    %swap3A_27 = arith.constant 0 : index
    %swap3A_28 = vector.load %arg8[%swap3A, %swap3A_27] : memref<1024x128xf32, #tpu.memory_space<vmem>>, vector<1024x128xf32>
    tpu.vector_store %arg8[%swap3A, %swap3A_27], %max3A_26 {strides = array<i32>} : memref<1024x128xf32, #tpu.memory_space<vmem>>, vector<1024x128xf32>,
    %get3A_29 = arith.constant 0 : index
    %get3A_30 = arith.constant 0 : index
    %get3A_31 = vector.load %arg5[%get3A_29, %get3A_30] : memref<128x16xf32, #tpu.memory_space<vmem>>, vector<128x16xf32>
    %dot_general3A_32 = arith.constant dense<0.000000e+00> : vector<1024x16xf32>
    %dot_general3A_33 = tpu.matmul %max3A_26, %get3A_31, %dot_general3A_32 {dimension_numbers = #tpu.dot_dimension_numbers<[1], [0], [0], [1], [0, 0, 1, 1], [], []>, transpose_lhs_hint = false} : vector<1024x128xf32>, vector<128x16xf32>, vector<1024x16xf32> -> vector<1024x16xf32>
    %get3A_34 = arith.constant 0 : index
    %get3A_35 = arith.constant 0 : index
    %get3A_36 = vector.load %arg7[%get3A_34, %get3A_35] : memref<1x16xf32, #tpu.memory_space<vmem>>, vector<1x16xf32>
    %add3A_37 = vector.broadcast %get3A_36 : vector<1x16xf32> to vector<1024x16xf32>
    %add3A_38 = arith.addf %dot_general3A_33, %add3A_37 : vector<1024x16xf32>
    %swap3A_39 = arith.constant 0 : index
    %swap3A_40 = arith.constant 0 : index
    %swap3A_41 = vector.load %arg9[%swap3A_39, %swap3A_40] : memref<1024x16xf32, #tpu.memory_space<vmem>>, vector<1024x16xf32>
    tpu.vector_store %arg9[%swap3A_39, %swap3A_40], %add3A_38 {strides = array<i32>} : memref<1024x16xf32, #tpu.memory_space<vmem>>, vector<1024x16xf32>,
    %get3A_42 = arith.constant 0 : index
    %get3A_43 = arith.constant 0 : index
    %get3A_44 = vector.load %arg6[%get3A_42, %get3A_43] : memref<128x16xf32, #tpu.memory_space<vmem>>, vector<128x16xf32>
    %dot_general3A_45 = arith.constant dense<0.000000e+00> : vector<1024x16xf32>
    %dot_general3A_46 = tpu.matmul %max3A_26, %get3A_44, %dot_general3A_45 {dimension_numbers = #tpu.dot_dimension_numbers<[1], [0], [0], [1], [0, 0, 1, 1], [], []>, transpose_lhs_hint = false} : vector<1024x128xf32>, vector<128x16xf32>, vector<1024x16xf32> -> vector<1024x16xf32>
    %swap3A_47 = arith.constant 0 : index
    %swap3A_48 = arith.constant 0 : index
    %swap3A_49 = vector.load %arg10[%swap3A_47, %swap3A_48] : memref<1024x16xf32, #tpu.memory_space<vmem>>, vector<1024x16xf32>
    tpu.vector_store %arg10[%swap3A_47, %swap3A_48], %dot_general3A_46 {strides = array<i32>} : memref<1024x16xf32, #tpu.memory_space<vmem>>, vector<1024x16xf32>,
    return
  }
  func.func @transform_0(%arg0: i32) -> (i32, i32, i32) {
    %c0_i32 = arith.constant 0 : i32
    %c0_i32_0 = arith.constant 0 : i32
    %c0_i32_1 = arith.constant 0 : i32
    return %c0_i32, %arg0, %c0_i32_0 : i32, i32, i32
  }
  func.func @transform_1(%arg0: i32) -> (i32, i32) {
    %c0_i32 = arith.constant 0 : i32
    %c0_i32_0 = arith.constant 0 : i32
    return %arg0, %c0_i32 : i32, i32
  }
  func.func @transform_2(%arg0: i32) -> (i32, i32) {
    %c0_i32 = arith.constant 0 : i32
    %c0_i32_0 = arith.constant 0 : i32
    %c0_i32_1 = arith.constant 0 : i32
    return %c0_i32, %c0_i32_0 : i32, i32
  }
  func.func @transform_3(%arg0: i32) -> (i32, i32) {
    %c0_i32 = arith.constant 0 : i32
    %c0_i32_0 = arith.constant 0 : i32
    %c0_i32_1 = arith.constant 0 : i32
    return %c0_i32, %c0_i32_0 : i32, i32
  }
  func.func @transform_4(%arg0: i32) -> (i32, i32) {
    %c0_i32 = arith.constant 0 : i32
    %c0_i32_0 = arith.constant 0 : i32
    %c0_i32_1 = arith.constant 0 : i32
    return %c0_i32, %c0_i32_0 : i32, i32
  }
  func.func @transform_5(%arg0: i32) -> (i32, i32) {
    %c0_i32 = arith.constant 0 : i32
    %c0_i32_0 = arith.constant 0 : i32
    %c0_i32_1 = arith.constant 0 : i32
    return %c0_i32, %c0_i32_0 : i32, i32
  }
  func.func @transform_6(%arg0: i32) -> (i32, i32) {
    %c0_i32 = arith.constant 0 : i32
    %c0_i32_0 = arith.constant 0 : i32
    %c0_i32_1 = arith.constant 0 : i32
    return %c0_i32, %c0_i32_0 : i32, i32
  }
  func.func @transform_7(%arg0: i32) -> (i32, i32) {
    %c0_i32 = arith.constant 0 : i32
    %c0_i32_0 = arith.constant 0 : i32
    return %arg0, %c0_i32 : i32, i32
  }
  func.func @transform_8(%arg0: i32) -> (i32, i32) {
    %c0_i32 = arith.constant 0 : i32
    %c0_i32_0 = arith.constant 0 : i32
    return %arg0, %c0_i32 : i32, i32
  }
  func.func @transform_9(%arg0: i32) -> (i32, i32) {
    %c0_i32 = arith.constant 0 : i32
    %c0_i32_0 = arith.constant 0 : i32
    return %arg0, %c0_i32 : i32, i32
  }
}

</mosaic_0001>

<sc_bundles>
// kernel: kernel.12.cloned.1.call-start
scs
__scs_entry_jumppad:
0x0: {  	(pc) =	sbr.rel $0x88, $3  }
0x1: {  	(tag) =	ssettag $0x0;
	lr =	simm.s32 $0x1  }
0x2: {  	[smem:$0x3F98] =	sst lr;
	_ =	strace $0xD0000000  }
0x3: {  	_ = 	snop  }
0x4: {  	_ = 	snop  }
0x5: {  	_ = 	snop  }
0x6: {  	_ = 	snop  }
0x7: {  	_ = 	snop  }
__scs_overlays_trampoline_lowered:
0x8: {  	[smem:$0x3FA7] =	sst s0  }
0x9: {  	[smem:$0x3FA8] =	sst s1  }
0xa: {  	[smem:$0x3FA9] =	sst s2  }
0xb: {  	[smem:$0x3FAA] =	sst s3  }
0xc: {  	[smem:$0x3FAB] =	sst s4  }
0xd: {  	[smem:$0x3FAC] =	sst s5  }
0xe: {  	[smem:$0x3FAD] =	sst s6  }
0xf: {  	[smem:$0x3FAE] =	sst s7  }
0x10: {  	[smem:$0x3FAF] =	sst s8  }
0x11: {  	[smem:$0x3FB0] =	sst s9;
	s0 =	simm.s32 @!p0 $0x0  }
0x12: {  	s1 =	sld [smem:$0x3F96];
	s0 =	simm.s32 @p0 $0x1  }
0x13: {  	[smem:$0x3FB1] =	sst s0;
	s0 =	simm.s32 @!p1 $0x0  }
0x14: {  	s2 =	sld [smem:$0x3F95];
	s0 =	simm.s32 @p1 $0x1  }
0x15: {  	[smem:$0x3FB2] =	sst s0;
	s0 =	simm.s32 @!p2 $0x0  }
0x16: {  	s3 =	sld [smem:$0x3FDB];
	s0 =	simm.s32 @p2 $0x1  }
0x17: {  	s4 =	simm.s32 $0x1BF5;
	[smem:$0x3FB4] =	sst s0  }
0x18: {  	s0 =	sld [smem:$0x3F97];
	_ =	swait.ge [sflag:s4], $0x0  }
0x19: {  	s7 =	sld [smem:$0x3F98]  }
0x1a: {  	s8 =	sadd.s32 $0xFFFFE003, lr  }
0x1b: {  	s9 =	sadd.s32 $0xFFFFFEF7, lr;
	s5 =	simm.s32 $0xFFFFFFFF;
	p2 =	slt.u32 s8, $0xFFFFF086  }
0x1c: {  	p1 =	slt.u32 s9, $0xF7A;
	s5 =	simm.s32 @!p2 $0x0  }
0x1d: {  	s5 =	simm.s32 @p1 $0x1;
	p0 =	seq.s32 s7, s2  }
0x1e: {  	s7 =	smul.u32 @!p0 $0xF7A, s2;
	p2 =	seq.s32 @!p0 s5, $0x0  }
0x1f: {  	s9 =	smul.u32 $0xF7A, s1;
	s8 =	simm.s32 @!p0 $0x1BF5;
	p2 =	por !p2, p0  }
0x20: {  	[sflag:s8] =	ssyncset.s32 @!p0 $0xFFFFF086;
	s6 =	sadd.s32 @!p0 s3, s7;
	s7 =	simm.s32 @!p0 $0x108  }
0x21: {  	s3 =	sadd.s32 s3, s9;
	s6 =	sadd.s32 @!p0 $0x88, s6;
	s7 =	simm.s32 @p2 $0x1082  }
0x22: {  	[simem:s7], [sflag:s8] =	dma.local @!p0 [hbm:s6], $0xF7A  }
0x23: {  	s9 =	sor.u32 $0xD0000000, s2;
	s6 =	simm.s32 $0x108;
	_ =	swait.ge @!p0 [sflag:s8], $0x0  }
0x24: {  	s3 =	sadd.s32 $0x88, s3;
	s6 =	simm.s32 @!p1 $0x1082;
	[sflag:s4] =	ssyncset.s32 $0xFFFFF086  }
0x25: {  	[simem:s6], [sflag:s4] =	dma.local [hbm:s3], $0xF7A  }
0x26: {  	[smem:$0x3F98] =	sst s1;
	(tag) =	ssettag s2;
	_ =	strace s9  }
0x27: {  	s1 =	sld [smem:$0x3FA8]  }
0x28: {  	s2 =	sld [smem:$0x3FA9]  }
0x29: {  	s4 =	sld [smem:$0x3FAB]  }
0x2a: {  	p0 =	seq.s32 s5, $0x0;
	s5 =	sld [smem:$0x3FAC]  }
0x2b: {  	s6 =	sld [smem:$0x3FAD]  }
0x2c: {  	s7 =	sld [smem:$0x3FAE]  }
0x2d: {  	s3 =	simm.s32 $0x108;
	s8 =	sld [smem:$0x3FAF]  }
0x2e: {  	s3 =	simm.s32 @!p0 $0x1082;
	s9 =	sld [smem:$0x3FB0]  }
0x2f: {  	lr =	sadd.s32 s0, s3;
	s0 =	sld [smem:$0x3FA7]  }
0x30: {  	s3 =	sld [smem:$0x3FAA]  }
0x31: {  	[smem:$0x3FB3] =	sst s10  }
0x32: {  	s10 =	sld [smem:$0x3FB1];
	_ =	sdelay $0x3  }
0x33: {  	p0 =	seq.s32 s10, $0x1;
	s10 =	sld [smem:$0x3FB3];
	_ =	sdelay $0x3  }
0x34: {  	[smem:$0x3FB3] =	sst s10  }
0x35: {  	s10 =	sld [smem:$0x3FB2];
	_ =	sdelay $0x3  }
0x36: {  	p1 =	seq.s32 s10, $0x1;
	s10 =	sld [smem:$0x3FB3];
	_ =	sdelay $0x3  }
0x37: {  	[smem:$0x3FB3] =	sst s10  }
0x38: {  	s10 =	sld [smem:$0x3FB4]  }
0x39: {  	_ = 	snop;
	(pc) =	sbr.ind lr, $3  }
0x3a: {  	_ = 	snop  }
0x3b: {  	_ = 	snop  }
0x3c: {  	p2 =	seq.s32 s10, $0x1;
	s10 =	sld [smem:$0x3FB3]  }
0x3d: {  	_ =	shalt  }
0x3e: {  	_ =	shalt  }
0x3f: {  	_ =	shalt  }
0x40: {  	_ =	shalt  }
0x41: {  	_ =	shalt  }
0x42: {  	_ =	shalt  }
0x43: {  	_ =	shalt  }
0x44: {  	_ =	shalt  }
0x45: {  	_ =	shalt  }
0x46: {  	_ =	shalt  }
0x47: {  	_ =	shalt  }
0x48: {  	_ =	shalt  }
0x49: {  	_ =	shalt  }
0x4a: {  	_ =	shalt  }
0x4b: {  	_ =	shalt  }
0x4c: {  	_ =	shalt  }
0x4d: {  	_ =	shalt  }
0x4e: {  	_ =	shalt  }
0x4f: {  	_ =	shalt  }
0x50: {  	_ =	shalt  }
0x51: {  	_ =	shalt  }
0x52: {  	_ =	shalt  }
0x53: {  	_ =	shalt  }
0x54: {  	_ =	shalt  }
0x55: {  	_ =	shalt  }
0x56: {  	_ =	shalt  }
0x57: {  	_ =	shalt  }
0x58: {  	_ =	shalt  }
0x59: {  	_ =	shalt  }
0x5a: {  	_ =	shalt  }
0x5b: {  	_ =	shalt  }
0x5c: {  	_ =	shalt  }
0x5d: {  	_ =	shalt  }
0x5e: {  	_ =	shalt  }
0x5f: {  	_ =	shalt  }
0x60: {  	_ =	shalt  }
0x61: {  	_ =	shalt  }
0x62: {  	_ =	shalt  }
0x63: {  	_ =	shalt  }
0x64: {  	_ =	shalt  }
0x65: {  	_ =	shalt  }
0x66: {  	_ =	shalt  }
0x67: {  	_ =	shalt  }
0x68: {  	_ =	shalt  }
0x69: {  	_ =	shalt  }
0x6a: {  	_ =	shalt  }
0x6b: {  	_ =	shalt  }
0x6c: {  	_ =	shalt  }
0x6d: {  	_ =	shalt  }
0x6e: {  	_ =	shalt  }
0x6f: {  	_ =	shalt  }
0x70: {  	_ =	shalt  }
0x71: {  	_ =	shalt  }
0x72: {  	_ =	shalt  }
0x73: {  	_ =	shalt  }
0x74: {  	_ =	shalt  }
0x75: {  	_ =	shalt  }
0x76: {  	_ =	shalt  }
0x77: {  	_ =	shalt  }
0x78: {  	_ =	shalt  }
0x79: {  	_ =	shalt  }
0x7a: {  	_ =	shalt  }
0x7b: {  	_ =	shalt  }
0x7c: {  	_ =	shalt  }
0x7d: {  	_ =	shalt  }
0x7e: {  	_ =	shalt  }
0x7f: {  	_ =	shalt  }
0x80: {  	_ =	shalt  }
0x81: {  	_ =	shalt  }
0x82: {  	_ =	shalt  }
0x83: {  	_ =	shalt  }
0x84: {  	_ =	shalt  }
0x85: {  	_ =	shalt  }
0x86: {  	_ =	shalt  }
0x87: {  	_ =	shalt  }
.Lfunc_end0:
.L_simem_size_0:
called_computation.1_lowered:
.L_overlay_start_0:
0x88: {  	s2 =	sld [smem:$0x3FD9]  }
0x89: {  	s3 =	sld [smem:$0x3FFE];
	_ =	sdelay $0x1  }
0x8a: {  	s1 =	srdreg.scid  }
0x8b: {  	s0 =	sand.u32 $0x1, s1  }
0x8c: {  	s14 =	sshll.u32 s0, $0xA;
	s2 =	sadd.s32 s3, s2  }
0x8d: {  	s2 =	sadd.s32 s2, s14  }
0x8e: {  	[smem:$0x3FBF] =	sst s2  }
0x8f: {  	_ = 	snop  }
0x90: {  	s2 =	sld [smem:$0x3FD0];
	_ =	sdelay $0x2  }
0x91: {  	s15 =	simm.s32 $0xA;
	s4 =	simm.s32 $0x10  }
0x92: {  	[smem:s4], [sflag:s15] =	dma.local [hbm:s2], $0x1  }
0x93: {  	_ =	swait.eq [sflag:s15], $0x1  }
0x94: {  	[sflag:s15] =	ssyncset.done $0x0  }
0x95: {  	[sflag:s15] =	ssyncadd.s32 $0xFFFFFFFF  }
0x96: {  	s16 =	sld [smem:$0x11];
	(tm) =	ssettm $0x1  }
0x97: {  	s17 =	sld [smem:$0x3FFB];
	_ =	sdelay $0x3  }
0x98: {  	_ =	strace s17  }
0x99: {  	s3 =	sld [smem:$0x3FFC];
	_ =	sdelay $0x3  }
0x9a: {  	_ =	strace s3  }
0x9b: {  	s3 =	sld [smem:$0x3FFD];
	_ =	sdelay $0x3  }
0x9c: {  	_ =	strace s3  }
0x9d: {  	_ =	strace $0x8FFFFFFF  }
0x9e: {  	s18 =	sld [smem:$0x3FDB];
	_ =	sdelay $0x1  }
0x9f: {  	s19 =	simm.s32 $_scs_section_size  }
0xa0: {  	s5 =	simm.s32 $_size__tile_overlayer_lowered;
	s6 =	simm.s32 $_tile_overlayer_lowered  }
0xa1: {  	s22 =	simm.s32 $0x1BFF;
	s21 =	sshll.u32 s6, $0x1;
	s3 =	sadd.s32 s19, s18  }
0xa2: {  	s7 =	simm.s32 $0x0;
	s20 =	sshll.u32 s5, $0x1;
	s5 =	sadd.s32 s21, s3  }
0xa3: {  	[timem:s7], [sflag:s22] =	dma.local [hbm:s5], s20  }
0xa4: {  	_ =	swait.ge [sflag:s22], s20  }
0xa5: {  	s4 =	ssub.s32 $0x0, s20;
	[sflag:s22] =	ssyncset.done $0x0  }
0xa6: {  	[sflag:s22] =	ssyncadd.s32 s4;
	_ =	sdelay $0x1  }
0xa7: {  	s23 =	simm.s32 $0x1B8B  }
0xa8: {  	_ =	swait.ge [sflag:s23], $0x1  }
0xa9: {  	[sflag:s23] =	ssyncset.done $0x0  }
0xaa: {  	s25 =	simm.s32 $0x1B8E;
	s24 =	sld [smem:$0x3FFE];
	[sflag:s23] =	ssyncadd.s32 $0xFFFFFFFF  }
0xab: {  	s26 =	simm.s32 $execute0_lowered;
	[smem:$0x3FD2] =	sst s25  }
0xac: {  	s5 =	sshll.u32 s26, $0x1;
	_ =	strace $0x80000049;
	[dreg:$0x1] =	wrdreg $0xFFFFFFFF  }
0xad: {  	s28 =	simm.s32 $_size_execute0_lowered;
	s3 =	sadd.s32 s3, s5;
	[dreg:$0x0] =	wrdreg $0x0  }
0xae: {  	s5 =	sshll.u32 s28, $0x1;
	[dreg:$0x2] =	wrdreg s3  }
0xaf: {  	[dreg:$0x3] =	wrdreg s5  }
0xb0: {  	[dreg:$0x4] =	wrdreg $0xC0  }
0xb1: {  	_ =	task [dreg:s7], $0x5FFFF  }
0xb2: {  	[dreg:$0x1] =	wrdreg $0xFFFFFFFF  }
0xb3: {  	[dreg:$0x0] =	wrdreg $0x60  }
0xb4: {  	[dreg:$0x2] =	wrdreg s24  }
0xb5: {  	[dreg:$0x3] =	wrdreg s16  }
0xb6: {  	[dreg:$0x4] =	wrdreg $0xA8000  }
0xb7: {  	[dreg:$0x5] =	wrdreg $0x9  }
0xb8: {  	_ =	task.clear_ibuf [dreg:s7], $0x6FFFF;
	_ =	strace $0x90000049  }
0xb9: {  	s29 =	simm.s32 $0x9;
	_ =	strace $0x8000004B  }
0xba: {  	_ =	swait.ge [sflag:s29], $0x1  }
0xbb: {  	[sflag:s29] =	ssyncadd.s32 $0xFFFFFFFF  }
0xbc: {  	_ =	strace $0x9000004B  }
0xbd: {  	_ =	sfence  }
0xbe: {  	s30 =	sld [smem:$0x0];
	_ =	sdelay $0x2  }
0xbf: {  	s31 =	sshll.u32 s1, $0xD;
	s1 =	sshrl.u32 s1, $0x2  }
0xc0: {  	s3 =	sand.u32 $0x4000, s31;
	s1 =	sadd.s32 s1, s30  }
0xc1: {  	s0 =	sor.u32 s3, s0;
	s1 =	sshll.u32 s1, $0x11  }
0xc2: {  	s0 =	sor.u32 s1, s0  }
0xc3: {  	s0 =	sadd.s32 $0x8F2B, s0  }
0xc4: {  	[sflag:s0] =	ssyncadd.remote.s32 $0x1  }
0xc5: {  	_ =	sfence.sel $0xFFFF  }
0xc6: {  	[dreg:$0x0] =	wrdreg $0xFFFFFFFF;
	(pc) =	sbr.abs _section_cstart, $3  }
0xc7: {  	[dreg:$0x1] =	wrdreg $0xFFFFFFFF  }
0xc8: {  	_ =	task.clear_ibuf [dreg:s7], $0x2FFFF;
	_ =	strace $0x9FFFFFFF  }
0xc9: {  	(tm) =	ssettm $0x7FFFFFFF  }
tec
execute0_lowered:
.L_overlay_start_1:
0x0: {  	(tag) =	ssettag $0x1  }
0x1: {  	s6 =	rddreg [dreg:$0x0]  }
0x2: {  	s1 =	rddreg [dreg:$0x1]  }
0x3: {  	s2 =	rddreg [dreg:$0x2];
	s3 =	srdreg.scid  }
0x4: {  	s0 =	rddreg [dreg:$0x3];
	s4 =	simm.s32 $0x0;
	s15 =	simm.s32 $0x1400  }
0x5: {  	s16 =	simm.s32 $0x80;
	s17 =	simm.s32 $0x2800;
	s18 =	simm.s32 $0x6800  }
0x6: {  	s19 =	simm.s32 $0x1;
	s20 =	simm.s32 $0x2;
	s21 =	simm.s32 $0x1380  }
0x7: {  	s22 =	simm.s32 $0x2700;
	s23 =	simm.s32 $0x2780;
	s24 =	simm.s32 $0x0  }
0x8: {  	s7 =	sand.u32 $0x1, s3;
	s3 =	stileid.u32;
	[smem:$0x7FF] =	sst s4  }
0x9: {  	s5 =	sadd.s32 $0x17800, s6;
	s11 =	sadd.s32 $0x3800, s6;
	s8 =	smul.u32 $0x140000, s7  }
0xa: {  	s12 =	sadd.s32 $0xD800, s6;
	s9 =	smul.u32 $0x14000, s3;
	_ =	strace $0x8000004A  }
0xb: {  	s25 =	sshll.u32 s7, $0x4;
	s10 =	smul.u32 $0x50000, s3;
	s26 =	ssub.s32 $0x2, s7  }
0xc: {  	s30 =	sshll.u32 s3, $0x6;
	s28 =	sor.u32 s3, s25;
	s29 =	sshrl.u32 s26, $0x1  }
0xd: {  	s8 =	sadd.s32 s9, s8;
	s10 =	sshrl.u32 s10, $0x2;
	s13 =	smul.u32 $0x2800, s28  }
0xe: {  	s9 =	ssub.s32 s26, s29;
	s8 =	sshrl.u32 s8, $0x3;
	s14 =	sadd.s32 s10, s2  }
0xf: {  	s8 =	sadd.s32 s8, s6;
	s6 =	sor.u32 $0x1C03, s30;
	s31 =	sshrl.u32 s13, $0x3  }
0x10: {  	s7 =	sadd.s32 $0x3F800, s8;
	s8 =	smax.u32 s9, $0x1;
	s13 =	sadd.s32 $0x280, s31  }
0x11: {  	s9 =	sadd.s32 s11, s31;
	s10 =	sadd.s32 s12, s31;
	s11 =	sadd.s32 s11, s13  }
0x12: {  	s12 =	sadd.s32 s12, s13;
	s13 =	sshrl.u32 s14, $0x3;
	s14 =	simm.s32 $0x3  }
.LBB2_1:
0x13: {  	[spmem:s13], [sflag:s6] =	dma.local [hbm:s1], $0x2800  }
0x14: {  	_ =	swait.ge [sflag:s14], $0x2800  }
0x15: {  	[sflag:s14] =	ssyncset.done $0x0  }
0x16: {  	[sflag:s14] =	ssyncadd.s32 $0xFFFFD800  }
0x17: {  	[bflag:$0x0] =	sbarrier.arrive $0xFFFF  }
0x18: {  	[tilespmem:s4], [sflag:$0x3] =	stream.linear.gather [hbm4b:s9+s4], $0x1400, $0x38;
	[tilespmem:$0x1E800] =	vst v63  }
0x19: {  	_ =	swait.ge [sflag:s14], $0x1400  }
0x1a: {  	[sflag:s14] =	ssyncset.done $0x0  }
0x1b: {  	[sflag:s14] =	ssyncadd.s32 $0xFFFFEC00  }
0x1c: {  	[tilespmem:s15], [sflag:$0x3] =	stream.linear.gather [hbm4b:s10+s4], $0x1400, $0x38;
	[tilespmem:$0x1E800] =	vst v63  }
0x1d: {  	_ =	swait.ge [sflag:s14], $0x1400  }
0x1e: {  	[sflag:s14] =	ssyncset.done $0x0  }
0x1f: {  	[sflag:s14] =	ssyncadd.s32 $0xFFFFEC00  }
0x20: {  	[tilespmem:s17], [sflag:$0x1] =	stream.indirect.gather [hbm4b:s5+s16], $0x80, s4, s16, $0xb8;
	[tilespmem:$0x1E800] =	vst v63  }
0x21: {  	s25 =	simm.s32 $0x80  }
0x22: {  	[tilespmem:s18], [sflag:$0x2] =	stream.indirect.gather [hbm4b:s5+s16], $0x80, s25, s16, $0xb8;
	[tilespmem:$0x1E800] =	vst v63  }
0x23: {  	_ =	swait.ge [sflag:s19], $0x4000  }
0x24: {  	[sflag:s19] =	ssyncset.done $0x0  }
0x25: {  	s29 =	simm.s32 $0x1400;
	[sflag:s19] =	ssyncadd.s32 $0xFFFFC000  }
0x26: {  	[spmem:s2] =	stream.indirect.scatter.add.f32 [tilespmem:s17], [sflag:$0x3], $0x80, s29, s16, $0xb8;
	[tilespmem:$0x1E800] =	vst v63  }
0x27: {  	_ =	swait.ge [sflag:s14], $0x4000  }
0x28: {  	[sflag:s14] =	ssyncset.done $0x0  }
0x29: {  	s30 =	simm.s32 $0x100;
	[sflag:s14] =	ssyncadd.s32 $0xFFFFC000  }
0x2a: {  	[tilespmem:s17], [sflag:$0x1] =	stream.indirect.gather [hbm4b:s5+s16], $0x80, s30, s16, $0xb8;
	[tilespmem:$0x1E800] =	vst v63  }
0x2b: {  	_ =	swait.ge [sflag:s20], $0x4000  }
0x2c: {  	[sflag:s20] =	ssyncset.done $0x0  }
0x2d: {  	s31 =	simm.s32 $0x1480;
	[sflag:s20] =	ssyncadd.s32 $0xFFFFC000  }
0x2e: {  	[spmem:s2] =	stream.indirect.scatter.add.f32 [tilespmem:s18], [sflag:$0x3], $0x80, s31, s16, $0xb8;
	[tilespmem:$0x1E800] =	vst v63  }
0x2f: {  	_ =	swait.ge [sflag:s14], $0x4000  }
0x30: {  	s26 =	simm.s32 $0x800;
	s25 =	simm.s32 $0x100;
	[sflag:s14] =	ssyncset.done $0x0  }
.LBB2_2:
0x31: {  	s28 =	sadd.s32 $0x80, s25  }
0x32: {  	[sflag:s14] =	ssyncadd.s32 $0xFFFFC000;
	s29 =	smov.u32 s26;
	s30 =	sadd.s32 $0x400, s26  }
0x33: {  	[tilespmem:s18], [sflag:$0x2] =	stream.indirect.gather [hbm4b:s5+s16], $0x80, s28, s16, $0xb8;
	[tilespmem:$0x1E800] =	vst v63  }
0x34: {  	p0 =	sne.s32 s26, $0x4800;
	_ =	swait.ge [sflag:s19], $0x4000  }
0x35: {  	[sflag:s19] =	ssyncset.done $0x0  }
0x36: {  	s26 =	sadd.s32 $0x1400, s25;
	[sflag:s19] =	ssyncadd.s32 $0xFFFFC000  }
0x37: {  	[spmem:s2] =	stream.indirect.scatter.add.f32 [tilespmem:s17], [sflag:$0x3], $0x80, s26, s16, $0xb8;
	[tilespmem:$0x1E800] =	vst v63  }
0x38: {  	_ =	swait.ge [sflag:s14], $0x4000  }
0x39: {  	[sflag:s14] =	ssyncset.done $0x0  }
0x3a: {  	s26 =	sadd.s32 $0x100, s25;
	[sflag:s14] =	ssyncadd.s32 $0xFFFFC000  }
0x3b: {  	[tilespmem:s17], [sflag:$0x1] =	stream.indirect.gather [hbm4b:s5+s16], $0x80, s26, s16, $0xb8;
	[tilespmem:$0x1E800] =	vst v63  }
0x3c: {  	_ =	swait.ge [sflag:s20], $0x4000  }
.Ltmp0:
0x3d: {  	[sflag:s20] =	ssyncset.done $0x0;
	(pc) =	sbr.rel @p0 .LBB2_2-.Ltmp0, $4  }
0x3e: {  	s25 =	sadd.s32 $0x1480, s25;
	[sflag:s20] =	ssyncadd.s32 $0xFFFFC000  }
0x3f: {  	[spmem:s2] =	stream.indirect.scatter.add.f32 [tilespmem:s18], [sflag:$0x3], $0x80, s25, s16, $0xb8;
	[tilespmem:$0x1E800] =	vst v63  }
0x40: {  	_ =	swait.ge [sflag:s14], $0x4000  }
0x41: {  	s26 =	smov.u32 s30;
	s25 =	sshra.s32 s29, $0x2;
	[sflag:s14] =	ssyncset.done $0x0  }
0x42: {  	s26 =	sadd.s32 $0x80, s25;
	[sflag:s14] =	ssyncadd.s32 $0xFFFFC000  }
0x43: {  	[tilespmem:s18], [sflag:$0x2] =	stream.indirect.gather [hbm4b:s5+s16], $0x80, s26, s16, $0xb8;
	[tilespmem:$0x1E800] =	vst v63  }
0x44: {  	_ =	swait.ge [sflag:s19], $0x4000  }
0x45: {  	[sflag:s19] =	ssyncset.done $0x0  }
0x46: {  	s29 =	sadd.s32 $0x1400, s25;
	[sflag:s19] =	ssyncadd.s32 $0xFFFFC000  }
0x47: {  	[spmem:s2] =	stream.indirect.scatter.add.f32 [tilespmem:s17], [sflag:$0x3], $0x80, s29, s16, $0xb8;
	[tilespmem:$0x1E800] =	vst v63  }
0x48: {  	_ =	swait.ge [sflag:s14], $0x4000  }
0x49: {  	[sflag:s14] =	ssyncset.done $0x0  }
0x4a: {  	s30 =	sadd.s32 $0x100, s25;
	[sflag:s14] =	ssyncadd.s32 $0xFFFFC000  }
0x4b: {  	[tilespmem:s17], [sflag:$0x1] =	stream.indirect.gather [hbm4b:s5+s16], $0x80, s30, s16, $0xb8;
	[tilespmem:$0x1E800] =	vst v63  }
0x4c: {  	_ =	swait.ge [sflag:s20], $0x4000  }
0x4d: {  	[sflag:s20] =	ssyncset.done $0x0  }
0x4e: {  	s31 =	sadd.s32 $0x1480, s25;
	[sflag:s20] =	ssyncadd.s32 $0xFFFFC000  }
0x4f: {  	[spmem:s2] =	stream.indirect.scatter.add.f32 [tilespmem:s18], [sflag:$0x3], $0x80, s31, s16, $0xb8;
	[tilespmem:$0x1E800] =	vst v63  }
0x50: {  	_ =	swait.ge [sflag:s14], $0x4000  }
0x51: {  	[sflag:s14] =	ssyncset.done $0x0  }
0x52: {  	[sflag:s14] =	ssyncadd.s32 $0xFFFFC000  }
0x53: {  	[tilespmem:s18], [sflag:$0x2] =	stream.indirect.gather [hbm4b:s5+s16], $0x80, s21, s16, $0xb8;
	[tilespmem:$0x1E800] =	vst v63  }
0x54: {  	_ =	swait.ge [sflag:s19], $0x4000  }
0x55: {  	[sflag:s19] =	ssyncset.done $0x0  }
0x56: {  	[sflag:s19] =	ssyncadd.s32 $0xFFFFC000  }
0x57: {  	[spmem:s2] =	stream.indirect.scatter.add.f32 [tilespmem:s17], [sflag:$0x3], $0x80, s22, s16, $0xb8;
	[tilespmem:$0x1E800] =	vst v63  }
0x58: {  	_ =	swait.ge [sflag:s14], $0x4000  }
0x59: {  	[sflag:s14] =	ssyncset.done $0x0  }
0x5a: {  	[sflag:s14] =	ssyncadd.s32 $0xFFFFC000  }
0x5b: {  	_ =	swait.ge [sflag:s20], $0x4000  }
0x5c: {  	[sflag:s20] =	ssyncset.done $0x0  }
0x5d: {  	[sflag:s20] =	ssyncadd.s32 $0xFFFFC000  }
0x5e: {  	[spmem:s2] =	stream.indirect.scatter.add.f32 [tilespmem:s18], [sflag:$0x3], $0x80, s23, s16, $0xb8;
	[tilespmem:$0x1E800] =	vst v63  }
0x5f: {  	_ =	swait.ge [sflag:s14], $0x4000  }
0x60: {  	[sflag:s14] =	ssyncset.done $0x0  }
0x61: {  	s26 =	simm.s32 $0x0;
	[sflag:s14] =	ssyncadd.s32 $0xFFFFC000  }
0x62: {  	[tilespmem:s26], [sflag:$0x3] =	stream.linear.gather [hbm4b:s11+s26], $0x1400, $0x38;
	[tilespmem:$0x1E800] =	vst v63  }
0x63: {  	_ =	swait.ge [sflag:s14], $0x1400  }
0x64: {  	[sflag:s14] =	ssyncset.done $0x0  }
0x65: {  	[sflag:s14] =	ssyncadd.s32 $0xFFFFEC00  }
0x66: {  	[tilespmem:s15], [sflag:$0x3] =	stream.linear.gather [hbm4b:s12+s26], $0x1400, $0x38;
	[tilespmem:$0x1E800] =	vst v63  }
0x67: {  	_ =	swait.ge [sflag:s14], $0x1400  }
0x68: {  	[sflag:s14] =	ssyncset.done $0x0  }
0x69: {  	[sflag:s14] =	ssyncadd.s32 $0xFFFFEC00  }
0x6a: {  	[tilespmem:s17], [sflag:$0x1] =	stream.indirect.gather [hbm4b:s5+s16], $0x80, s26, s16, $0xb8;
	[tilespmem:$0x1E800] =	vst v63  }
0x6b: {  	s28 =	simm.s32 $0x80  }
0x6c: {  	[tilespmem:s18], [sflag:$0x2] =	stream.indirect.gather [hbm4b:s5+s16], $0x80, s28, s16, $0xb8;
	[tilespmem:$0x1E800] =	vst v63  }
0x6d: {  	_ =	swait.ge [sflag:s19], $0x4000  }
0x6e: {  	[sflag:s19] =	ssyncset.done $0x0  }
0x6f: {  	s29 =	simm.s32 $0x1400;
	[sflag:s19] =	ssyncadd.s32 $0xFFFFC000  }
0x70: {  	[spmem:s2] =	stream.indirect.scatter.add.f32 [tilespmem:s17], [sflag:$0x3], $0x80, s29, s16, $0xb8;
	[tilespmem:$0x1E800] =	vst v63  }
0x71: {  	_ =	swait.ge [sflag:s14], $0x4000  }
0x72: {  	[sflag:s14] =	ssyncset.done $0x0  }
0x73: {  	s30 =	simm.s32 $0x100;
	[sflag:s14] =	ssyncadd.s32 $0xFFFFC000  }
0x74: {  	[tilespmem:s17], [sflag:$0x1] =	stream.indirect.gather [hbm4b:s5+s16], $0x80, s30, s16, $0xb8;
	[tilespmem:$0x1E800] =	vst v63  }
0x75: {  	_ =	swait.ge [sflag:s20], $0x4000  }
0x76: {  	[sflag:s20] =	ssyncset.done $0x0  }
0x77: {  	s31 =	simm.s32 $0x1480;
	[sflag:s20] =	ssyncadd.s32 $0xFFFFC000  }
0x78: {  	[spmem:s2] =	stream.indirect.scatter.add.f32 [tilespmem:s18], [sflag:$0x3], $0x80, s31, s16, $0xb8;
	[tilespmem:$0x1E800] =	vst v63  }
0x79: {  	_ =	swait.ge [sflag:s14], $0x4000  }
0x7a: {  	s25 =	simm.s32 $0x100;
	s26 =	simm.s32 $0x800;
	[sflag:s14] =	ssyncset.done $0x0  }
.LBB2_4:
0x7b: {  	s28 =	sadd.s32 $0x80, s25  }
0x7c: {  	[sflag:s14] =	ssyncadd.s32 $0xFFFFC000;
	s29 =	smov.u32 s26;
	s30 =	sadd.s32 $0x400, s26  }
0x7d: {  	[tilespmem:s18], [sflag:$0x2] =	stream.indirect.gather [hbm4b:s5+s16], $0x80, s28, s16, $0xb8;
	[tilespmem:$0x1E800] =	vst v63  }
0x7e: {  	p0 =	sne.s32 s26, $0x4800;
	_ =	swait.ge [sflag:s19], $0x4000  }
0x7f: {  	[sflag:s19] =	ssyncset.done $0x0  }
0x80: {  	s26 =	sadd.s32 $0x1400, s25;
	[sflag:s19] =	ssyncadd.s32 $0xFFFFC000  }
0x81: {  	[spmem:s2] =	stream.indirect.scatter.add.f32 [tilespmem:s17], [sflag:$0x3], $0x80, s26, s16, $0xb8;
	[tilespmem:$0x1E800] =	vst v63  }
0x82: {  	_ =	swait.ge [sflag:s14], $0x4000  }
0x83: {  	[sflag:s14] =	ssyncset.done $0x0  }
0x84: {  	s26 =	sadd.s32 $0x100, s25;
	[sflag:s14] =	ssyncadd.s32 $0xFFFFC000  }
0x85: {  	[tilespmem:s17], [sflag:$0x1] =	stream.indirect.gather [hbm4b:s5+s16], $0x80, s26, s16, $0xb8;
	[tilespmem:$0x1E800] =	vst v63  }
0x86: {  	_ =	swait.ge [sflag:s20], $0x4000  }
.Ltmp1:
0x87: {  	[sflag:s20] =	ssyncset.done $0x0;
	(pc) =	sbr.rel @p0 .LBB2_4-.Ltmp1, $4  }
0x88: {  	s25 =	sadd.s32 $0x1480, s25;
	[sflag:s20] =	ssyncadd.s32 $0xFFFFC000  }
0x89: {  	[spmem:s2] =	stream.indirect.scatter.add.f32 [tilespmem:s18], [sflag:$0x3], $0x80, s25, s16, $0xb8;
	[tilespmem:$0x1E800] =	vst v63  }
0x8a: {  	_ =	swait.ge [sflag:s14], $0x4000  }
0x8b: {  	s26 =	smov.u32 s30;
	s25 =	sshra.s32 s29, $0x2;
	[sflag:s14] =	ssyncset.done $0x0  }
0x8c: {  	s26 =	sadd.s32 $0x80, s25;
	[sflag:s14] =	ssyncadd.s32 $0xFFFFC000  }
0x8d: {  	[tilespmem:s18], [sflag:$0x2] =	stream.indirect.gather [hbm4b:s5+s16], $0x80, s26, s16, $0xb8;
	[tilespmem:$0x1E800] =	vst v63  }
0x8e: {  	_ =	swait.ge [sflag:s19], $0x4000  }
0x8f: {  	[sflag:s19] =	ssyncset.done $0x0  }
0x90: {  	s29 =	sadd.s32 $0x1400, s25;
	[sflag:s19] =	ssyncadd.s32 $0xFFFFC000  }
0x91: {  	[spmem:s2] =	stream.indirect.scatter.add.f32 [tilespmem:s17], [sflag:$0x3], $0x80, s29, s16, $0xb8;
	[tilespmem:$0x1E800] =	vst v63  }
0x92: {  	_ =	swait.ge [sflag:s14], $0x4000  }
0x93: {  	[sflag:s14] =	ssyncset.done $0x0  }
0x94: {  	s30 =	sadd.s32 $0x100, s25;
	[sflag:s14] =	ssyncadd.s32 $0xFFFFC000  }
0x95: {  	[tilespmem:s17], [sflag:$0x1] =	stream.indirect.gather [hbm4b:s5+s16], $0x80, s30, s16, $0xb8;
	[tilespmem:$0x1E800] =	vst v63  }
0x96: {  	_ =	swait.ge [sflag:s20], $0x4000  }
0x97: {  	[sflag:s20] =	ssyncset.done $0x0  }
0x98: {  	s31 =	sadd.s32 $0x1480, s25;
	[sflag:s20] =	ssyncadd.s32 $0xFFFFC000  }
0x99: {  	[spmem:s2] =	stream.indirect.scatter.add.f32 [tilespmem:s18], [sflag:$0x3], $0x80, s31, s16, $0xb8;
	[tilespmem:$0x1E800] =	vst v63  }
0x9a: {  	_ =	swait.ge [sflag:s14], $0x4000  }
0x9b: {  	[sflag:s14] =	ssyncset.done $0x0  }
0x9c: {  	[sflag:s14] =	ssyncadd.s32 $0xFFFFC000  }
0x9d: {  	[tilespmem:s18], [sflag:$0x2] =	stream.indirect.gather [hbm4b:s5+s16], $0x80, s21, s16, $0xb8;
	[tilespmem:$0x1E800] =	vst v63  }
0x9e: {  	_ =	swait.ge [sflag:s19], $0x4000  }
0x9f: {  	[sflag:s19] =	ssyncset.done $0x0  }
0xa0: {  	[sflag:s19] =	ssyncadd.s32 $0xFFFFC000  }
0xa1: {  	[spmem:s2] =	stream.indirect.scatter.add.f32 [tilespmem:s17], [sflag:$0x3], $0x80, s22, s16, $0xb8;
	[tilespmem:$0x1E800] =	vst v63  }
0xa2: {  	_ =	swait.ge [sflag:s14], $0x4000  }
0xa3: {  	[sflag:s14] =	ssyncset.done $0x0  }
0xa4: {  	[sflag:s14] =	ssyncadd.s32 $0xFFFFC000  }
0xa5: {  	_ =	swait.ge [sflag:s20], $0x4000  }
0xa6: {  	[sflag:s20] =	ssyncset.done $0x0  }
0xa7: {  	[sflag:s20] =	ssyncadd.s32 $0xFFFFC000  }
0xa8: {  	[spmem:s2] =	stream.indirect.scatter.add.f32 [tilespmem:s18], [sflag:$0x3], $0x80, s23, s16, $0xb8;
	[tilespmem:$0x1E800] =	vst v63  }
0xa9: {  	_ =	swait.ge [sflag:s14], $0x4000  }
0xaa: {  	s24 =	sadd.s32 $0x1, s24;
	[sflag:s14] =	ssyncset.done $0x0  }
0xab: {  	p0 =	sne.s32 s24, s8;
	[sflag:s14] =	ssyncadd.s32 $0xFFFFC000  }
.Ltmp2:
0xac: {  	[bflag:$0x0] =	sbarrier.arrive $0xFFFF;
	(pc) =	sbr.rel @p0 .LBB2_1-.Ltmp2, $4  }
0xad: {  	[hbm:s7], [sflag:s6] =	dma.local [spmem:s13], $0x2800  }
0xae: {  	_ =	swait.ge [sflag:s14], $0x2800  }
0xaf: {  	[sflag:s14] =	ssyncset.done $0x0  }
0xb0: {  	[sflag:s14] =	ssyncadd.s32 $0xFFFFD800  }
0xb1: {  	_ =	sfence.sel $0x180000  }
0xb2: {  	[bflag:$0x0] =	sbarrier.arrive $0xFFFF  }
0xb3: {  	p0 =	sne.s32 s3, $0x0;
	_ =	strace $0x9000004A  }
0xb4: {  	s0 =	sadd.s32 @!p0 $0x100000, s0;
	[bflag:$0x2] =	sbarrier.arrive $0xFFFF  }
0xb5: {  	[sflag:s0] =	ssyncadd.tile.s32 @!p0 $0x1;
	_ =	shalt  }
.Lfunc_end2:
_tile_overlayer_lowered:
.L_overlay_start_2:
0xb6: {  	(tag) =	ssettag $0x2  }
0xb7: {  	s0 =	rddreg [dreg:$0x0];
	s2 =	stileid.u32  }
0xb8: {  	s1 =	rddreg [dreg:$0x1];
	p0 =	sne.s32 s2, $0x0  }
0xb9: {  	s3 =	rddreg [dreg:$0x2];
	[bflag:$0x3] =	sbarrier.arrive $0xFFFF;
	s2 =	simm.s32 @!p0 $0x1C03  }
0xba: {  	[timem:s3], [sflag:s2] =	dma.local @!p0 [hbm:s0], s1  }
0xbb: {  	s0 =	simm.s32 @!p0 $0x3  }
0xbc: {  	_ =	swait.ge @!p0 [sflag:s0], s1  }
0xbd: {  	s1 =	ssub.s32 @!p0 $0x0, s1;
	[sflag:s0] =	ssyncset.done @!p0 $0x0  }
0xbe: {  	[sflag:s0] =	ssyncadd.s32 @!p0 s1  }
0xbf: {  	[bflag:$0x3] =	sbarrier.arrive $0xFFFF  }
0xc0: {  	_ =	shalt  }

// kernel: kernel.15.cloned.1.call-start
scs
__scs_entry_jumppad:
0x0: {  	(pc) =	sbr.rel $0x88, $3  }
0x1: {  	(tag) =	ssettag $0x0;
	lr =	simm.s32 $0x1  }
0x2: {  	[smem:$0x3F98] =	sst lr;
	_ =	strace $0xD0000000  }
0x3: {  	_ = 	snop  }
0x4: {  	_ = 	snop  }
0x5: {  	_ = 	snop  }
0x6: {  	_ = 	snop  }
0x7: {  	_ = 	snop  }
__scs_overlays_trampoline_lowered:
0x8: {  	[smem:$0x3FA7] =	sst s0  }
0x9: {  	[smem:$0x3FA8] =	sst s1  }
0xa: {  	[smem:$0x3FA9] =	sst s2  }
0xb: {  	[smem:$0x3FAA] =	sst s3  }
0xc: {  	[smem:$0x3FAB] =	sst s4  }
0xd: {  	[smem:$0x3FAC] =	sst s5  }
0xe: {  	[smem:$0x3FAD] =	sst s6  }
0xf: {  	[smem:$0x3FAE] =	sst s7  }
0x10: {  	[smem:$0x3FAF] =	sst s8  }
0x11: {  	[smem:$0x3FB0] =	sst s9;
	s0 =	simm.s32 @!p0 $0x0  }
0x12: {  	s1 =	sld [smem:$0x3F96];
	s0 =	simm.s32 @p0 $0x1  }
0x13: {  	[smem:$0x3FB1] =	sst s0;
	s0 =	simm.s32 @!p1 $0x0  }
0x14: {  	s2 =	sld [smem:$0x3F95];
	s0 =	simm.s32 @p1 $0x1  }
0x15: {  	[smem:$0x3FB2] =	sst s0;
	s0 =	simm.s32 @!p2 $0x0  }
0x16: {  	s3 =	sld [smem:$0x3FDB];
	s0 =	simm.s32 @p2 $0x1  }
0x17: {  	s4 =	simm.s32 $0x1BF5;
	[smem:$0x3FB4] =	sst s0  }
0x18: {  	s0 =	sld [smem:$0x3F97];
	_ =	swait.ge [sflag:s4], $0x0  }
0x19: {  	s7 =	sld [smem:$0x3F98]  }
0x1a: {  	s8 =	sadd.s32 $0xFFFFE003, lr  }
0x1b: {  	s9 =	sadd.s32 $0xFFFFFEF7, lr;
	s5 =	simm.s32 $0xFFFFFFFF;
	p2 =	slt.u32 s8, $0xFFFFF086  }
0x1c: {  	p1 =	slt.u32 s9, $0xF7A;
	s5 =	simm.s32 @!p2 $0x0  }
0x1d: {  	s5 =	simm.s32 @p1 $0x1;
	p0 =	seq.s32 s7, s2  }
0x1e: {  	s7 =	smul.u32 @!p0 $0xF7A, s2;
	p2 =	seq.s32 @!p0 s5, $0x0  }
0x1f: {  	s9 =	smul.u32 $0xF7A, s1;
	s8 =	simm.s32 @!p0 $0x1BF5;
	p2 =	por !p2, p0  }
0x20: {  	[sflag:s8] =	ssyncset.s32 @!p0 $0xFFFFF086;
	s6 =	sadd.s32 @!p0 s3, s7;
	s7 =	simm.s32 @!p0 $0x108  }
0x21: {  	s3 =	sadd.s32 s3, s9;
	s6 =	sadd.s32 @!p0 $0x88, s6;
	s7 =	simm.s32 @p2 $0x1082  }
0x22: {  	[simem:s7], [sflag:s8] =	dma.local @!p0 [hbm:s6], $0xF7A  }
0x23: {  	s9 =	sor.u32 $0xD0000000, s2;
	s6 =	simm.s32 $0x108;
	_ =	swait.ge @!p0 [sflag:s8], $0x0  }
0x24: {  	s3 =	sadd.s32 $0x88, s3;
	s6 =	simm.s32 @!p1 $0x1082;
	[sflag:s4] =	ssyncset.s32 $0xFFFFF086  }
0x25: {  	[simem:s6], [sflag:s4] =	dma.local [hbm:s3], $0xF7A  }
0x26: {  	[smem:$0x3F98] =	sst s1;
	(tag) =	ssettag s2;
	_ =	strace s9  }
0x27: {  	s1 =	sld [smem:$0x3FA8]  }
0x28: {  	s2 =	sld [smem:$0x3FA9]  }
0x29: {  	s4 =	sld [smem:$0x3FAB]  }
0x2a: {  	p0 =	seq.s32 s5, $0x0;
	s5 =	sld [smem:$0x3FAC]  }
0x2b: {  	s6 =	sld [smem:$0x3FAD]  }
0x2c: {  	s7 =	sld [smem:$0x3FAE]  }
0x2d: {  	s3 =	simm.s32 $0x108;
	s8 =	sld [smem:$0x3FAF]  }
0x2e: {  	s3 =	simm.s32 @!p0 $0x1082;
	s9 =	sld [smem:$0x3FB0]  }
0x2f: {  	lr =	sadd.s32 s0, s3;
	s0 =	sld [smem:$0x3FA7]  }
0x30: {  	s3 =	sld [smem:$0x3FAA]  }
0x31: {  	[smem:$0x3FB3] =	sst s10  }
0x32: {  	s10 =	sld [smem:$0x3FB1];
	_ =	sdelay $0x3  }
0x33: {  	p0 =	seq.s32 s10, $0x1;
	s10 =	sld [smem:$0x3FB3];
	_ =	sdelay $0x3  }
0x34: {  	[smem:$0x3FB3] =	sst s10  }
0x35: {  	s10 =	sld [smem:$0x3FB2];
	_ =	sdelay $0x3  }
0x36: {  	p1 =	seq.s32 s10, $0x1;
	s10 =	sld [smem:$0x3FB3];
	_ =	sdelay $0x3  }
0x37: {  	[smem:$0x3FB3] =	sst s10  }
0x38: {  	s10 =	sld [smem:$0x3FB4]  }
0x39: {  	_ = 	snop;
	(pc) =	sbr.ind lr, $3  }
0x3a: {  	_ = 	snop  }
0x3b: {  	_ = 	snop  }
0x3c: {  	p2 =	seq.s32 s10, $0x1;
	s10 =	sld [smem:$0x3FB3]  }
0x3d: {  	_ =	shalt  }
0x3e: {  	_ =	shalt  }
0x3f: {  	_ =	shalt  }
0x40: {  	_ =	shalt  }
0x41: {  	_ =	shalt  }
0x42: {  	_ =	shalt  }
0x43: {  	_ =	shalt  }
0x44: {  	_ =	shalt  }
0x45: {  	_ =	shalt  }
0x46: {  	_ =	shalt  }
0x47: {  	_ =	shalt  }
0x48: {  	_ =	shalt  }
0x49: {  	_ =	shalt  }
0x4a: {  	_ =	shalt  }
0x4b: {  	_ =	shalt  }
0x4c: {  	_ =	shalt  }
0x4d: {  	_ =	shalt  }
0x4e: {  	_ =	shalt  }
0x4f: {  	_ =	shalt  }
0x50: {  	_ =	shalt  }
0x51: {  	_ =	shalt  }
0x52: {  	_ =	shalt  }
0x53: {  	_ =	shalt  }
0x54: {  	_ =	shalt  }
0x55: {  	_ =	shalt  }
0x56: {  	_ =	shalt  }
0x57: {  	_ =	shalt  }
0x58: {  	_ =	shalt  }
0x59: {  	_ =	shalt  }
0x5a: {  	_ =	shalt  }
0x5b: {  	_ =	shalt  }
0x5c: {  	_ =	shalt  }
0x5d: {  	_ =	shalt  }
0x5e: {  	_ =	shalt  }
0x5f: {  	_ =	shalt  }
0x60: {  	_ =	shalt  }
0x61: {  	_ =	shalt  }
0x62: {  	_ =	shalt  }
0x63: {  	_ =	shalt  }
0x64: {  	_ =	shalt  }
0x65: {  	_ =	shalt  }
0x66: {  	_ =	shalt  }
0x67: {  	_ =	shalt  }
0x68: {  	_ =	shalt  }
0x69: {  	_ =	shalt  }
0x6a: {  	_ =	shalt  }
0x6b: {  	_ =	shalt  }
0x6c: {  	_ =	shalt  }
0x6d: {  	_ =	shalt  }
0x6e: {  	_ =	shalt  }
0x6f: {  	_ =	shalt  }
0x70: {  	_ =	shalt  }
0x71: {  	_ =	shalt  }
0x72: {  	_ =	shalt  }
0x73: {  	_ =	shalt  }
0x74: {  	_ =	shalt  }
0x75: {  	_ =	shalt  }
0x76: {  	_ =	shalt  }
0x77: {  	_ =	shalt  }
0x78: {  	_ =	shalt  }
0x79: {  	_ =	shalt  }
0x7a: {  	_ =	shalt  }
0x7b: {  	_ =	shalt  }
0x7c: {  	_ =	shalt  }
0x7d: {  	_ =	shalt  }
0x7e: {  	_ =	shalt  }
0x7f: {  	_ =	shalt  }
0x80: {  	_ =	shalt  }
0x81: {  	_ =	shalt  }
0x82: {  	_ =	shalt  }
0x83: {  	_ =	shalt  }
0x84: {  	_ =	shalt  }
0x85: {  	_ =	shalt  }
0x86: {  	_ =	shalt  }
0x87: {  	_ =	shalt  }
.Lfunc_end0:
.L_simem_size_0:
called_computation.2_lowered:
.L_overlay_start_0:
0x88: {  	s2 =	sld [smem:$0x3FD9]  }
0x89: {  	s3 =	sld [smem:$0x3FFE];
	_ =	sdelay $0x1  }
0x8a: {  	s1 =	srdreg.scid  }
0x8b: {  	s0 =	sand.u32 $0x1, s1  }
0x8c: {  	s14 =	sshll.u32 s0, $0xA;
	s2 =	sadd.s32 s3, s2  }
0x8d: {  	s2 =	sadd.s32 s2, s14  }
0x8e: {  	[smem:$0x3FBF] =	sst s2  }
0x8f: {  	_ = 	snop  }
0x90: {  	s2 =	sld [smem:$0x3FD0];
	_ =	sdelay $0x2  }
0x91: {  	s15 =	simm.s32 $0xA;
	s4 =	simm.s32 $0x10  }
0x92: {  	[smem:s4], [sflag:s15] =	dma.local [hbm:s2], $0x1  }
0x93: {  	_ =	swait.eq [sflag:s15], $0x1  }
0x94: {  	[sflag:s15] =	ssyncset.done $0x0  }
0x95: {  	[sflag:s15] =	ssyncadd.s32 $0xFFFFFFFF  }
0x96: {  	s16 =	sld [smem:$0x11];
	(tm) =	ssettm $0x1  }
0x97: {  	s17 =	sld [smem:$0x3FFB];
	_ =	sdelay $0x3  }
0x98: {  	_ =	strace s17  }
0x99: {  	s3 =	sld [smem:$0x3FFC];
	_ =	sdelay $0x3  }
0x9a: {  	_ =	strace s3  }
0x9b: {  	s3 =	sld [smem:$0x3FFD];
	_ =	sdelay $0x3  }
0x9c: {  	_ =	strace s3  }
0x9d: {  	_ =	strace $0x8FFFFFFF  }
0x9e: {  	s18 =	sld [smem:$0x3FDB];
	_ =	sdelay $0x1  }
0x9f: {  	s19 =	simm.s32 $_scs_section_size  }
0xa0: {  	s5 =	simm.s32 $_size__tile_overlayer_lowered;
	s6 =	simm.s32 $_tile_overlayer_lowered  }
0xa1: {  	s22 =	simm.s32 $0x1BFF;
	s21 =	sshll.u32 s6, $0x1;
	s3 =	sadd.s32 s19, s18  }
0xa2: {  	s7 =	simm.s32 $0x0;
	s20 =	sshll.u32 s5, $0x1;
	s5 =	sadd.s32 s21, s3  }
0xa3: {  	[timem:s7], [sflag:s22] =	dma.local [hbm:s5], s20  }
0xa4: {  	_ =	swait.ge [sflag:s22], s20  }
0xa5: {  	s4 =	ssub.s32 $0x0, s20;
	[sflag:s22] =	ssyncset.done $0x0  }
0xa6: {  	[sflag:s22] =	ssyncadd.s32 s4;
	_ =	sdelay $0x1  }
0xa7: {  	s23 =	simm.s32 $0x1B8B  }
0xa8: {  	_ =	swait.ge [sflag:s23], $0x1  }
0xa9: {  	[sflag:s23] =	ssyncset.done $0x0  }
0xaa: {  	s25 =	simm.s32 $0x1B8E;
	s24 =	sld [smem:$0x3FFE];
	[sflag:s23] =	ssyncadd.s32 $0xFFFFFFFF  }
0xab: {  	s26 =	simm.s32 $execute0_lowered;
	[smem:$0x3FD2] =	sst s25  }
0xac: {  	s5 =	sshll.u32 s26, $0x1;
	_ =	strace $0x8000004C;
	[dreg:$0x1] =	wrdreg $0xFFFFFFFF  }
0xad: {  	s28 =	simm.s32 $_size_execute0_lowered;
	s3 =	sadd.s32 s3, s5;
	[dreg:$0x0] =	wrdreg $0x0  }
0xae: {  	s5 =	sshll.u32 s28, $0x1;
	[dreg:$0x2] =	wrdreg s3  }
0xaf: {  	[dreg:$0x3] =	wrdreg s5  }
0xb0: {  	[dreg:$0x4] =	wrdreg $0xC0  }
0xb1: {  	_ =	task [dreg:s7], $0x5FFFF  }
0xb2: {  	[dreg:$0x1] =	wrdreg $0xFFFFFFFF  }
0xb3: {  	[dreg:$0x0] =	wrdreg $0x60  }
0xb4: {  	[dreg:$0x2] =	wrdreg s24  }
0xb5: {  	[dreg:$0x3] =	wrdreg s16  }
0xb6: {  	[dreg:$0x4] =	wrdreg $0xA8000  }
0xb7: {  	[dreg:$0x5] =	wrdreg $0x9  }
0xb8: {  	_ =	task.clear_ibuf [dreg:s7], $0x6FFFF;
	_ =	strace $0x9000004C  }
0xb9: {  	s29 =	simm.s32 $0x9;
	_ =	strace $0x8000004E  }
0xba: {  	_ =	swait.ge [sflag:s29], $0x1  }
0xbb: {  	[sflag:s29] =	ssyncadd.s32 $0xFFFFFFFF  }
0xbc: {  	_ =	strace $0x9000004E  }
0xbd: {  	_ =	sfence  }
0xbe: {  	s30 =	sld [smem:$0x0];
	_ =	sdelay $0x2  }
0xbf: {  	s31 =	sshll.u32 s1, $0xD;
	s1 =	sshrl.u32 s1, $0x2  }
0xc0: {  	s3 =	sand.u32 $0x4000, s31;
	s1 =	sadd.s32 s1, s30  }
0xc1: {  	s0 =	sor.u32 s3, s0;
	s1 =	sshll.u32 s1, $0x11  }
0xc2: {  	s0 =	sor.u32 s1, s0  }
0xc3: {  	s0 =	sadd.s32 $0x8F2B, s0  }
0xc4: {  	[sflag:s0] =	ssyncadd.remote.s32 $0x1  }
0xc5: {  	_ =	sfence.sel $0xFFFF  }
0xc6: {  	[dreg:$0x0] =	wrdreg $0xFFFFFFFF;
	(pc) =	sbr.abs _section_cstart, $3  }
0xc7: {  	[dreg:$0x1] =	wrdreg $0xFFFFFFFF  }
0xc8: {  	_ =	task.clear_ibuf [dreg:s7], $0x2FFFF;
	_ =	strace $0x9FFFFFFF  }
0xc9: {  	(tm) =	ssettm $0x7FFFFFFF  }
tec
execute0_lowered:
.L_overlay_start_1:
0x0: {  	(tag) =	ssettag $0x1  }
0x1: {  	s6 =	rddreg [dreg:$0x0]  }
0x2: {  	s1 =	rddreg [dreg:$0x1]  }
0x3: {  	s2 =	rddreg [dreg:$0x2];
	s3 =	srdreg.scid  }
0x4: {  	s0 =	rddreg [dreg:$0x3];
	s4 =	simm.s32 $0x0;
	s15 =	simm.s32 $0x1400  }
0x5: {  	s16 =	simm.s32 $0x80;
	s17 =	simm.s32 $0x2800;
	s18 =	simm.s32 $0x6800  }
0x6: {  	s19 =	simm.s32 $0x1;
	s20 =	simm.s32 $0x2;
	s21 =	simm.s32 $0x1380  }
0x7: {  	s22 =	simm.s32 $0x2700;
	s23 =	simm.s32 $0x2780;
	s24 =	simm.s32 $0x0  }
0x8: {  	s7 =	sand.u32 $0x1, s3;
	s3 =	stileid.u32;
	[smem:$0x7FF] =	sst s4  }
0x9: {  	s5 =	sadd.s32 $0x17800, s6;
	s11 =	sadd.s32 $0x3800, s6;
	s8 =	smul.u32 $0x140000, s7  }
0xa: {  	s12 =	sadd.s32 $0xD800, s6;
	s9 =	smul.u32 $0x14000, s3;
	_ =	strace $0x8000004D  }
0xb: {  	s25 =	sshll.u32 s7, $0x4;
	s10 =	smul.u32 $0x50000, s3;
	s26 =	ssub.s32 $0x2, s7  }
0xc: {  	s30 =	sshll.u32 s3, $0x6;
	s28 =	sor.u32 s3, s25;
	s29 =	sshrl.u32 s26, $0x1  }
0xd: {  	s8 =	sadd.s32 s9, s8;
	s10 =	sshrl.u32 s10, $0x2;
	s13 =	smul.u32 $0x2800, s28  }
0xe: {  	s9 =	ssub.s32 s26, s29;
	s8 =	sshrl.u32 s8, $0x3;
	s14 =	sadd.s32 s10, s2  }
0xf: {  	s8 =	sadd.s32 s8, s6;
	s6 =	sor.u32 $0x1C03, s30;
	s31 =	sshrl.u32 s13, $0x3  }
0x10: {  	s7 =	sadd.s32 $0x3F800, s8;
	s8 =	smax.u32 s9, $0x1;
	s13 =	sadd.s32 $0x280, s31  }
0x11: {  	s9 =	sadd.s32 s11, s31;
	s10 =	sadd.s32 s12, s31;
	s11 =	sadd.s32 s11, s13  }
0x12: {  	s12 =	sadd.s32 s12, s13;
	s13 =	sshrl.u32 s14, $0x3;
	s14 =	simm.s32 $0x3  }
.LBB2_1:
0x13: {  	[spmem:s13], [sflag:s6] =	dma.local [hbm:s1], $0x2800  }
0x14: {  	_ =	swait.ge [sflag:s14], $0x2800  }
0x15: {  	[sflag:s14] =	ssyncset.done $0x0  }
0x16: {  	[sflag:s14] =	ssyncadd.s32 $0xFFFFD800  }
0x17: {  	[bflag:$0x0] =	sbarrier.arrive $0xFFFF  }
0x18: {  	[tilespmem:s4], [sflag:$0x3] =	stream.linear.gather [hbm4b:s9+s4], $0x1400, $0x38;
	[tilespmem:$0x1E800] =	vst v63  }
0x19: {  	_ =	swait.ge [sflag:s14], $0x1400  }
0x1a: {  	[sflag:s14] =	ssyncset.done $0x0  }
0x1b: {  	[sflag:s14] =	ssyncadd.s32 $0xFFFFEC00  }
0x1c: {  	[tilespmem:s15], [sflag:$0x3] =	stream.linear.gather [hbm4b:s10+s4], $0x1400, $0x38;
	[tilespmem:$0x1E800] =	vst v63  }
0x1d: {  	_ =	swait.ge [sflag:s14], $0x1400  }
0x1e: {  	[sflag:s14] =	ssyncset.done $0x0  }
0x1f: {  	[sflag:s14] =	ssyncadd.s32 $0xFFFFEC00  }
0x20: {  	[tilespmem:s17], [sflag:$0x1] =	stream.indirect.gather [hbm4b:s5+s16], $0x80, s4, s16, $0xb8;
	[tilespmem:$0x1E800] =	vst v63  }
0x21: {  	s25 =	simm.s32 $0x80  }
0x22: {  	[tilespmem:s18], [sflag:$0x2] =	stream.indirect.gather [hbm4b:s5+s16], $0x80, s25, s16, $0xb8;
	[tilespmem:$0x1E800] =	vst v63  }
0x23: {  	_ =	swait.ge [sflag:s19], $0x4000  }
0x24: {  	[sflag:s19] =	ssyncset.done $0x0  }
0x25: {  	s29 =	simm.s32 $0x1400;
	[sflag:s19] =	ssyncadd.s32 $0xFFFFC000  }
0x26: {  	[spmem:s2] =	stream.indirect.scatter.add.f32 [tilespmem:s17], [sflag:$0x3], $0x80, s29, s16, $0xb8;
	[tilespmem:$0x1E800] =	vst v63  }
0x27: {  	_ =	swait.ge [sflag:s14], $0x4000  }
0x28: {  	[sflag:s14] =	ssyncset.done $0x0  }
0x29: {  	s30 =	simm.s32 $0x100;
	[sflag:s14] =	ssyncadd.s32 $0xFFFFC000  }
0x2a: {  	[tilespmem:s17], [sflag:$0x1] =	stream.indirect.gather [hbm4b:s5+s16], $0x80, s30, s16, $0xb8;
	[tilespmem:$0x1E800] =	vst v63  }
0x2b: {  	_ =	swait.ge [sflag:s20], $0x4000  }
0x2c: {  	[sflag:s20] =	ssyncset.done $0x0  }
0x2d: {  	s31 =	simm.s32 $0x1480;
	[sflag:s20] =	ssyncadd.s32 $0xFFFFC000  }
0x2e: {  	[spmem:s2] =	stream.indirect.scatter.add.f32 [tilespmem:s18], [sflag:$0x3], $0x80, s31, s16, $0xb8;
	[tilespmem:$0x1E800] =	vst v63  }
0x2f: {  	_ =	swait.ge [sflag:s14], $0x4000  }
0x30: {  	s26 =	simm.s32 $0x800;
	s25 =	simm.s32 $0x100;
	[sflag:s14] =	ssyncset.done $0x0  }
.LBB2_2:
0x31: {  	s28 =	sadd.s32 $0x80, s25  }
0x32: {  	[sflag:s14] =	ssyncadd.s32 $0xFFFFC000;
	s29 =	smov.u32 s26;
	s30 =	sadd.s32 $0x400, s26  }
0x33: {  	[tilespmem:s18], [sflag:$0x2] =	stream.indirect.gather [hbm4b:s5+s16], $0x80, s28, s16, $0xb8;
	[tilespmem:$0x1E800] =	vst v63  }
0x34: {  	p0 =	sne.s32 s26, $0x4800;
	_ =	swait.ge [sflag:s19], $0x4000  }
0x35: {  	[sflag:s19] =	ssyncset.done $0x0  }
0x36: {  	s26 =	sadd.s32 $0x1400, s25;
	[sflag:s19] =	ssyncadd.s32 $0xFFFFC000  }
0x37: {  	[spmem:s2] =	stream.indirect.scatter.add.f32 [tilespmem:s17], [sflag:$0x3], $0x80, s26, s16, $0xb8;
	[tilespmem:$0x1E800] =	vst v63  }
0x38: {  	_ =	swait.ge [sflag:s14], $0x4000  }
0x39: {  	[sflag:s14] =	ssyncset.done $0x0  }
0x3a: {  	s26 =	sadd.s32 $0x100, s25;
	[sflag:s14] =	ssyncadd.s32 $0xFFFFC000  }
0x3b: {  	[tilespmem:s17], [sflag:$0x1] =	stream.indirect.gather [hbm4b:s5+s16], $0x80, s26, s16, $0xb8;
	[tilespmem:$0x1E800] =	vst v63  }
0x3c: {  	_ =	swait.ge [sflag:s20], $0x4000  }
.Ltmp0:
0x3d: {  	[sflag:s20] =	ssyncset.done $0x0;
	(pc) =	sbr.rel @p0 .LBB2_2-.Ltmp0, $4  }
0x3e: {  	s25 =	sadd.s32 $0x1480, s25;
	[sflag:s20] =	ssyncadd.s32 $0xFFFFC000  }
0x3f: {  	[spmem:s2] =	stream.indirect.scatter.add.f32 [tilespmem:s18], [sflag:$0x3], $0x80, s25, s16, $0xb8;
	[tilespmem:$0x1E800] =	vst v63  }
0x40: {  	_ =	swait.ge [sflag:s14], $0x4000  }
0x41: {  	s26 =	smov.u32 s30;
	s25 =	sshra.s32 s29, $0x2;
	[sflag:s14] =	ssyncset.done $0x0  }
0x42: {  	s26 =	sadd.s32 $0x80, s25;
	[sflag:s14] =	ssyncadd.s32 $0xFFFFC000  }
0x43: {  	[tilespmem:s18], [sflag:$0x2] =	stream.indirect.gather [hbm4b:s5+s16], $0x80, s26, s16, $0xb8;
	[tilespmem:$0x1E800] =	vst v63  }
0x44: {  	_ =	swait.ge [sflag:s19], $0x4000  }
0x45: {  	[sflag:s19] =	ssyncset.done $0x0  }
0x46: {  	s29 =	sadd.s32 $0x1400, s25;
	[sflag:s19] =	ssyncadd.s32 $0xFFFFC000  }
0x47: {  	[spmem:s2] =	stream.indirect.scatter.add.f32 [tilespmem:s17], [sflag:$0x3], $0x80, s29, s16, $0xb8;
	[tilespmem:$0x1E800] =	vst v63  }
0x48: {  	_ =	swait.ge [sflag:s14], $0x4000  }
0x49: {  	[sflag:s14] =	ssyncset.done $0x0  }
0x4a: {  	s30 =	sadd.s32 $0x100, s25;
	[sflag:s14] =	ssyncadd.s32 $0xFFFFC000  }
0x4b: {  	[tilespmem:s17], [sflag:$0x1] =	stream.indirect.gather [hbm4b:s5+s16], $0x80, s30, s16, $0xb8;
	[tilespmem:$0x1E800] =	vst v63  }
0x4c: {  	_ =	swait.ge [sflag:s20], $0x4000  }
0x4d: {  	[sflag:s20] =	ssyncset.done $0x0  }
0x4e: {  	s31 =	sadd.s32 $0x1480, s25;
	[sflag:s20] =	ssyncadd.s32 $0xFFFFC000  }
0x4f: {  	[spmem:s2] =	stream.indirect.scatter.add.f32 [tilespmem:s18], [sflag:$0x3], $0x80, s31, s16, $0xb8;
	[tilespmem:$0x1E800] =	vst v63  }
0x50: {  	_ =	swait.ge [sflag:s14], $0x4000  }
0x51: {  	[sflag:s14] =	ssyncset.done $0x0  }
0x52: {  	[sflag:s14] =	ssyncadd.s32 $0xFFFFC000  }
0x53: {  	[tilespmem:s18], [sflag:$0x2] =	stream.indirect.gather [hbm4b:s5+s16], $0x80, s21, s16, $0xb8;
	[tilespmem:$0x1E800] =	vst v63  }
0x54: {  	_ =	swait.ge [sflag:s19], $0x4000  }
0x55: {  	[sflag:s19] =	ssyncset.done $0x0  }
0x56: {  	[sflag:s19] =	ssyncadd.s32 $0xFFFFC000  }
0x57: {  	[spmem:s2] =	stream.indirect.scatter.add.f32 [tilespmem:s17], [sflag:$0x3], $0x80, s22, s16, $0xb8;
	[tilespmem:$0x1E800] =	vst v63  }
0x58: {  	_ =	swait.ge [sflag:s14], $0x4000  }
0x59: {  	[sflag:s14] =	ssyncset.done $0x0  }
0x5a: {  	[sflag:s14] =	ssyncadd.s32 $0xFFFFC000  }
0x5b: {  	_ =	swait.ge [sflag:s20], $0x4000  }
0x5c: {  	[sflag:s20] =	ssyncset.done $0x0  }
0x5d: {  	[sflag:s20] =	ssyncadd.s32 $0xFFFFC000  }
0x5e: {  	[spmem:s2] =	stream.indirect.scatter.add.f32 [tilespmem:s18], [sflag:$0x3], $0x80, s23, s16, $0xb8;
	[tilespmem:$0x1E800] =	vst v63  }
0x5f: {  	_ =	swait.ge [sflag:s14], $0x4000  }
0x60: {  	[sflag:s14] =	ssyncset.done $0x0  }
0x61: {  	s26 =	simm.s32 $0x0;
	[sflag:s14] =	ssyncadd.s32 $0xFFFFC000  }
0x62: {  	[tilespmem:s26], [sflag:$0x3] =	stream.linear.gather [hbm4b:s11+s26], $0x1400, $0x38;
	[tilespmem:$0x1E800] =	vst v63  }
0x63: {  	_ =	swait.ge [sflag:s14], $0x1400  }
0x64: {  	[sflag:s14] =	ssyncset.done $0x0  }
0x65: {  	[sflag:s14] =	ssyncadd.s32 $0xFFFFEC00  }
0x66: {  	[tilespmem:s15], [sflag:$0x3] =	stream.linear.gather [hbm4b:s12+s26], $0x1400, $0x38;
	[tilespmem:$0x1E800] =	vst v63  }
0x67: {  	_ =	swait.ge [sflag:s14], $0x1400  }
0x68: {  	[sflag:s14] =	ssyncset.done $0x0  }
0x69: {  	[sflag:s14] =	ssyncadd.s32 $0xFFFFEC00  }
0x6a: {  	[tilespmem:s17], [sflag:$0x1] =	stream.indirect.gather [hbm4b:s5+s16], $0x80, s26, s16, $0xb8;
	[tilespmem:$0x1E800] =	vst v63  }
0x6b: {  	s28 =	simm.s32 $0x80  }
0x6c: {  	[tilespmem:s18], [sflag:$0x2] =	stream.indirect.gather [hbm4b:s5+s16], $0x80, s28, s16, $0xb8;
	[tilespmem:$0x1E800] =	vst v63  }
0x6d: {  	_ =	swait.ge [sflag:s19], $0x4000  }
0x6e: {  	[sflag:s19] =	ssyncset.done $0x0  }
0x6f: {  	s29 =	simm.s32 $0x1400;
	[sflag:s19] =	ssyncadd.s32 $0xFFFFC000  }
0x70: {  	[spmem:s2] =	stream.indirect.scatter.add.f32 [tilespmem:s17], [sflag:$0x3], $0x80, s29, s16, $0xb8;
	[tilespmem:$0x1E800] =	vst v63  }
0x71: {  	_ =	swait.ge [sflag:s14], $0x4000  }
0x72: {  	[sflag:s14] =	ssyncset.done $0x0  }
0x73: {  	s30 =	simm.s32 $0x100;
	[sflag:s14] =	ssyncadd.s32 $0xFFFFC000  }
0x74: {  	[tilespmem:s17], [sflag:$0x1] =	stream.indirect.gather [hbm4b:s5+s16], $0x80, s30, s16, $0xb8;
	[tilespmem:$0x1E800] =	vst v63  }
0x75: {  	_ =	swait.ge [sflag:s20], $0x4000  }
0x76: {  	[sflag:s20] =	ssyncset.done $0x0  }
0x77: {  	s31 =	simm.s32 $0x1480;
	[sflag:s20] =	ssyncadd.s32 $0xFFFFC000  }
0x78: {  	[spmem:s2] =	stream.indirect.scatter.add.f32 [tilespmem:s18], [sflag:$0x3], $0x80, s31, s16, $0xb8;
	[tilespmem:$0x1E800] =	vst v63  }
0x79: {  	_ =	swait.ge [sflag:s14], $0x4000  }
0x7a: {  	s25 =	simm.s32 $0x100;
	s26 =	simm.s32 $0x800;
	[sflag:s14] =	ssyncset.done $0x0  }
.LBB2_4:
0x7b: {  	s28 =	sadd.s32 $0x80, s25  }
0x7c: {  	[sflag:s14] =	ssyncadd.s32 $0xFFFFC000;
	s29 =	smov.u32 s26;
	s30 =	sadd.s32 $0x400, s26  }
0x7d: {  	[tilespmem:s18], [sflag:$0x2] =	stream.indirect.gather [hbm4b:s5+s16], $0x80, s28, s16, $0xb8;
	[tilespmem:$0x1E800] =	vst v63  }
0x7e: {  	p0 =	sne.s32 s26, $0x4800;
	_ =	swait.ge [sflag:s19], $0x4000  }
0x7f: {  	[sflag:s19] =	ssyncset.done $0x0  }
0x80: {  	s26 =	sadd.s32 $0x1400, s25;
	[sflag:s19] =	ssyncadd.s32 $0xFFFFC000  }
0x81: {  	[spmem:s2] =	stream.indirect.scatter.add.f32 [tilespmem:s17], [sflag:$0x3], $0x80, s26, s16, $0xb8;
	[tilespmem:$0x1E800] =	vst v63  }
0x82: {  	_ =	swait.ge [sflag:s14], $0x4000  }
0x83: {  	[sflag:s14] =	ssyncset.done $0x0  }
0x84: {  	s26 =	sadd.s32 $0x100, s25;
	[sflag:s14] =	ssyncadd.s32 $0xFFFFC000  }
0x85: {  	[tilespmem:s17], [sflag:$0x1] =	stream.indirect.gather [hbm4b:s5+s16], $0x80, s26, s16, $0xb8;
	[tilespmem:$0x1E800] =	vst v63  }
0x86: {  	_ =	swait.ge [sflag:s20], $0x4000  }
.Ltmp1:
0x87: {  	[sflag:s20] =	ssyncset.done $0x0;
	(pc) =	sbr.rel @p0 .LBB2_4-.Ltmp1, $4  }
0x88: {  	s25 =	sadd.s32 $0x1480, s25;
	[sflag:s20] =	ssyncadd.s32 $0xFFFFC000  }
0x89: {  	[spmem:s2] =	stream.indirect.scatter.add.f32 [tilespmem:s18], [sflag:$0x3], $0x80, s25, s16, $0xb8;
	[tilespmem:$0x1E800] =	vst v63  }
0x8a: {  	_ =	swait.ge [sflag:s14], $0x4000  }
0x8b: {  	s26 =	smov.u32 s30;
	s25 =	sshra.s32 s29, $0x2;
	[sflag:s14] =	ssyncset.done $0x0  }
0x8c: {  	s26 =	sadd.s32 $0x80, s25;
	[sflag:s14] =	ssyncadd.s32 $0xFFFFC000  }
0x8d: {  	[tilespmem:s18], [sflag:$0x2] =	stream.indirect.gather [hbm4b:s5+s16], $0x80, s26, s16, $0xb8;
	[tilespmem:$0x1E800] =	vst v63  }
0x8e: {  	_ =	swait.ge [sflag:s19], $0x4000  }
0x8f: {  	[sflag:s19] =	ssyncset.done $0x0  }
0x90: {  	s29 =	sadd.s32 $0x1400, s25;
	[sflag:s19] =	ssyncadd.s32 $0xFFFFC000  }
0x91: {  	[spmem:s2] =	stream.indirect.scatter.add.f32 [tilespmem:s17], [sflag:$0x3], $0x80, s29, s16, $0xb8;
	[tilespmem:$0x1E800] =	vst v63  }
0x92: {  	_ =	swait.ge [sflag:s14], $0x4000  }
0x93: {  	[sflag:s14] =	ssyncset.done $0x0  }
0x94: {  	s30 =	sadd.s32 $0x100, s25;
	[sflag:s14] =	ssyncadd.s32 $0xFFFFC000  }
0x95: {  	[tilespmem:s17], [sflag:$0x1] =	stream.indirect.gather [hbm4b:s5+s16], $0x80, s30, s16, $0xb8;
	[tilespmem:$0x1E800] =	vst v63  }
0x96: {  	_ =	swait.ge [sflag:s20], $0x4000  }
0x97: {  	[sflag:s20] =	ssyncset.done $0x0  }
0x98: {  	s31 =	sadd.s32 $0x1480, s25;
	[sflag:s20] =	ssyncadd.s32 $0xFFFFC000  }
0x99: {  	[spmem:s2] =	stream.indirect.scatter.add.f32 [tilespmem:s18], [sflag:$0x3], $0x80, s31, s16, $0xb8;
	[tilespmem:$0x1E800] =	vst v63  }
0x9a: {  	_ =	swait.ge [sflag:s14], $0x4000  }
0x9b: {  	[sflag:s14] =	ssyncset.done $0x0  }
0x9c: {  	[sflag:s14] =	ssyncadd.s32 $0xFFFFC000  }
0x9d: {  	[tilespmem:s18], [sflag:$0x2] =	stream.indirect.gather [hbm4b:s5+s16], $0x80, s21, s16, $0xb8;
	[tilespmem:$0x1E800] =	vst v63  }
0x9e: {  	_ =	swait.ge [sflag:s19], $0x4000  }
0x9f: {  	[sflag:s19] =	ssyncset.done $0x0  }
0xa0: {  	[sflag:s19] =	ssyncadd.s32 $0xFFFFC000  }
0xa1: {  	[spmem:s2] =	stream.indirect.scatter.add.f32 [tilespmem:s17], [sflag:$0x3], $0x80, s22, s16, $0xb8;
	[tilespmem:$0x1E800] =	vst v63  }
0xa2: {  	_ =	swait.ge [sflag:s14], $0x4000  }
0xa3: {  	[sflag:s14] =	ssyncset.done $0x0  }
0xa4: {  	[sflag:s14] =	ssyncadd.s32 $0xFFFFC000  }
0xa5: {  	_ =	swait.ge [sflag:s20], $0x4000  }
0xa6: {  	[sflag:s20] =	ssyncset.done $0x0  }
0xa7: {  	[sflag:s20] =	ssyncadd.s32 $0xFFFFC000  }
0xa8: {  	[spmem:s2] =	stream.indirect.scatter.add.f32 [tilespmem:s18], [sflag:$0x3], $0x80, s23, s16, $0xb8;
	[tilespmem:$0x1E800] =	vst v63  }
0xa9: {  	_ =	swait.ge [sflag:s14], $0x4000  }
0xaa: {  	s24 =	sadd.s32 $0x1, s24;
	[sflag:s14] =	ssyncset.done $0x0  }
0xab: {  	p0 =	sne.s32 s24, s8;
	[sflag:s14] =	ssyncadd.s32 $0xFFFFC000  }
.Ltmp2:
0xac: {  	[bflag:$0x0] =	sbarrier.arrive $0xFFFF;
	(pc) =	sbr.rel @p0 .LBB2_1-.Ltmp2, $4  }
0xad: {  	[hbm:s7], [sflag:s6] =	dma.local [spmem:s13], $0x2800  }
0xae: {  	_ =	swait.ge [sflag:s14], $0x2800  }
0xaf: {  	[sflag:s14] =	ssyncset.done $0x0  }
0xb0: {  	[sflag:s14] =	ssyncadd.s32 $0xFFFFD800  }
0xb1: {  	_ =	sfence.sel $0x180000  }
0xb2: {  	[bflag:$0x0] =	sbarrier.arrive $0xFFFF  }
0xb3: {  	p0 =	sne.s32 s3, $0x0;
	_ =	strace $0x9000004D  }
0xb4: {  	s0 =	sadd.s32 @!p0 $0x100000, s0;
	[bflag:$0x2] =	sbarrier.arrive $0xFFFF  }
0xb5: {  	[sflag:s0] =	ssyncadd.tile.s32 @!p0 $0x1;
	_ =	shalt  }
.Lfunc_end2:
_tile_overlayer_lowered:
.L_overlay_start_2:
0xb6: {  	(tag) =	ssettag $0x2  }
0xb7: {  	s0 =	rddreg [dreg:$0x0];
	s2 =	stileid.u32  }
0xb8: {  	s1 =	rddreg [dreg:$0x1];
	p0 =	sne.s32 s2, $0x0  }
0xb9: {  	s3 =	rddreg [dreg:$0x2];
	[bflag:$0x3] =	sbarrier.arrive $0xFFFF;
	s2 =	simm.s32 @!p0 $0x1C03  }
0xba: {  	[timem:s3], [sflag:s2] =	dma.local @!p0 [hbm:s0], s1  }
0xbb: {  	s0 =	simm.s32 @!p0 $0x3  }
0xbc: {  	_ =	swait.ge @!p0 [sflag:s0], s1  }
0xbd: {  	s1 =	ssub.s32 @!p0 $0x0, s1;
	[sflag:s0] =	ssyncset.done @!p0 $0x0  }
0xbe: {  	[sflag:s0] =	ssyncadd.s32 @!p0 s1  }
0xbf: {  	[bflag:$0x3] =	sbarrier.arrive $0xFFFF  }
0xc0: {  	_ =	shalt  }

// kernel: kernel.18.cloned.1.call-start
scs
__scs_entry_jumppad:
0x0: {  	(pc) =	sbr.rel $0x88, $3  }
0x1: {  	(tag) =	ssettag $0x0;
	lr =	simm.s32 $0x1  }
0x2: {  	[smem:$0x3F98] =	sst lr;
	_ =	strace $0xD0000000  }
0x3: {  	_ = 	snop  }
0x4: {  	_ = 	snop  }
0x5: {  	_ = 	snop  }
0x6: {  	_ = 	snop  }
0x7: {  	_ = 	snop  }
__scs_overlays_trampoline_lowered:
0x8: {  	[smem:$0x3FA7] =	sst s0  }
0x9: {  	[smem:$0x3FA8] =	sst s1  }
0xa: {  	[smem:$0x3FA9] =	sst s2  }
0xb: {  	[smem:$0x3FAA] =	sst s3  }
0xc: {  	[smem:$0x3FAB] =	sst s4  }
0xd: {  	[smem:$0x3FAC] =	sst s5  }
0xe: {  	[smem:$0x3FAD] =	sst s6  }
0xf: {  	[smem:$0x3FAE] =	sst s7  }
0x10: {  	[smem:$0x3FAF] =	sst s8  }
0x11: {  	[smem:$0x3FB0] =	sst s9;
	s0 =	simm.s32 @!p0 $0x0  }
0x12: {  	s1 =	sld [smem:$0x3F96];
	s0 =	simm.s32 @p0 $0x1  }
0x13: {  	[smem:$0x3FB1] =	sst s0;
	s0 =	simm.s32 @!p1 $0x0  }
0x14: {  	s2 =	sld [smem:$0x3F95];
	s0 =	simm.s32 @p1 $0x1  }
0x15: {  	[smem:$0x3FB2] =	sst s0;
	s0 =	simm.s32 @!p2 $0x0  }
0x16: {  	s3 =	sld [smem:$0x3FDB];
	s0 =	simm.s32 @p2 $0x1  }
0x17: {  	s4 =	simm.s32 $0x1BF5;
	[smem:$0x3FB4] =	sst s0  }
0x18: {  	s0 =	sld [smem:$0x3F97];
	_ =	swait.ge [sflag:s4], $0x0  }
0x19: {  	s7 =	sld [smem:$0x3F98]  }
0x1a: {  	s8 =	sadd.s32 $0xFFFFE003, lr  }
0x1b: {  	s9 =	sadd.s32 $0xFFFFFEF7, lr;
	s5 =	simm.s32 $0xFFFFFFFF;
	p2 =	slt.u32 s8, $0xFFFFF086  }
0x1c: {  	p1 =	slt.u32 s9, $0xF7A;
	s5 =	simm.s32 @!p2 $0x0  }
0x1d: {  	s5 =	simm.s32 @p1 $0x1;
	p0 =	seq.s32 s7, s2  }
0x1e: {  	s7 =	smul.u32 @!p0 $0xF7A, s2;
	p2 =	seq.s32 @!p0 s5, $0x0  }
0x1f: {  	s9 =	smul.u32 $0xF7A, s1;
	s8 =	simm.s32 @!p0 $0x1BF5;
	p2 =	por !p2, p0  }
0x20: {  	[sflag:s8] =	ssyncset.s32 @!p0 $0xFFFFF086;
	s6 =	sadd.s32 @!p0 s3, s7;
	s7 =	simm.s32 @!p0 $0x108  }
0x21: {  	s3 =	sadd.s32 s3, s9;
	s6 =	sadd.s32 @!p0 $0x88, s6;
	s7 =	simm.s32 @p2 $0x1082  }
0x22: {  	[simem:s7], [sflag:s8] =	dma.local @!p0 [hbm:s6], $0xF7A  }
0x23: {  	s9 =	sor.u32 $0xD0000000, s2;
	s6 =	simm.s32 $0x108;
	_ =	swait.ge @!p0 [sflag:s8], $0x0  }
0x24: {  	s3 =	sadd.s32 $0x88, s3;
	s6 =	simm.s32 @!p1 $0x1082;
	[sflag:s4] =	ssyncset.s32 $0xFFFFF086  }
0x25: {  	[simem:s6], [sflag:s4] =	dma.local [hbm:s3], $0xF7A  }
0x26: {  	[smem:$0x3F98] =	sst s1;
	(tag) =	ssettag s2;
	_ =	strace s9  }
0x27: {  	s1 =	sld [smem:$0x3FA8]  }
0x28: {  	s2 =	sld [smem:$0x3FA9]  }
0x29: {  	s4 =	sld [smem:$0x3FAB]  }
0x2a: {  	p0 =	seq.s32 s5, $0x0;
	s5 =	sld [smem:$0x3FAC]  }
0x2b: {  	s6 =	sld [smem:$0x3FAD]  }
0x2c: {  	s7 =	sld [smem:$0x3FAE]  }
0x2d: {  	s3 =	simm.s32 $0x108;
	s8 =	sld [smem:$0x3FAF]  }
0x2e: {  	s3 =	simm.s32 @!p0 $0x1082;
	s9 =	sld [smem:$0x3FB0]  }
0x2f: {  	lr =	sadd.s32 s0, s3;
	s0 =	sld [smem:$0x3FA7]  }
0x30: {  	s3 =	sld [smem:$0x3FAA]  }
0x31: {  	[smem:$0x3FB3] =	sst s10  }
0x32: {  	s10 =	sld [smem:$0x3FB1];
	_ =	sdelay $0x3  }
0x33: {  	p0 =	seq.s32 s10, $0x1;
	s10 =	sld [smem:$0x3FB3];
	_ =	sdelay $0x3  }
0x34: {  	[smem:$0x3FB3] =	sst s10  }
0x35: {  	s10 =	sld [smem:$0x3FB2];
	_ =	sdelay $0x3  }
0x36: {  	p1 =	seq.s32 s10, $0x1;
	s10 =	sld [smem:$0x3FB3];
	_ =	sdelay $0x3  }
0x37: {  	[smem:$0x3FB3] =	sst s10  }
0x38: {  	s10 =	sld [smem:$0x3FB4]  }
0x39: {  	_ = 	snop;
	(pc) =	sbr.ind lr, $3  }
0x3a: {  	_ = 	snop  }
0x3b: {  	_ = 	snop  }
0x3c: {  	p2 =	seq.s32 s10, $0x1;
	s10 =	sld [smem:$0x3FB3]  }
0x3d: {  	_ =	shalt  }
0x3e: {  	_ =	shalt  }
0x3f: {  	_ =	shalt  }
0x40: {  	_ =	shalt  }
0x41: {  	_ =	shalt  }
0x42: {  	_ =	shalt  }
0x43: {  	_ =	shalt  }
0x44: {  	_ =	shalt  }
0x45: {  	_ =	shalt  }
0x46: {  	_ =	shalt  }
0x47: {  	_ =	shalt  }
0x48: {  	_ =	shalt  }
0x49: {  	_ =	shalt  }
0x4a: {  	_ =	shalt  }
0x4b: {  	_ =	shalt  }
0x4c: {  	_ =	shalt  }
0x4d: {  	_ =	shalt  }
0x4e: {  	_ =	shalt  }
0x4f: {  	_ =	shalt  }
0x50: {  	_ =	shalt  }
0x51: {  	_ =	shalt  }
0x52: {  	_ =	shalt  }
0x53: {  	_ =	shalt  }
0x54: {  	_ =	shalt  }
0x55: {  	_ =	shalt  }
0x56: {  	_ =	shalt  }
0x57: {  	_ =	shalt  }
0x58: {  	_ =	shalt  }
0x59: {  	_ =	shalt  }
0x5a: {  	_ =	shalt  }
0x5b: {  	_ =	shalt  }
0x5c: {  	_ =	shalt  }
0x5d: {  	_ =	shalt  }
0x5e: {  	_ =	shalt  }
0x5f: {  	_ =	shalt  }
0x60: {  	_ =	shalt  }
0x61: {  	_ =	shalt  }
0x62: {  	_ =	shalt  }
0x63: {  	_ =	shalt  }
0x64: {  	_ =	shalt  }
0x65: {  	_ =	shalt  }
0x66: {  	_ =	shalt  }
0x67: {  	_ =	shalt  }
0x68: {  	_ =	shalt  }
0x69: {  	_ =	shalt  }
0x6a: {  	_ =	shalt  }
0x6b: {  	_ =	shalt  }
0x6c: {  	_ =	shalt  }
0x6d: {  	_ =	shalt  }
0x6e: {  	_ =	shalt  }
0x6f: {  	_ =	shalt  }
0x70: {  	_ =	shalt  }
0x71: {  	_ =	shalt  }
0x72: {  	_ =	shalt  }
0x73: {  	_ =	shalt  }
0x74: {  	_ =	shalt  }
0x75: {  	_ =	shalt  }
0x76: {  	_ =	shalt  }
0x77: {  	_ =	shalt  }
0x78: {  	_ =	shalt  }
0x79: {  	_ =	shalt  }
0x7a: {  	_ =	shalt  }
0x7b: {  	_ =	shalt  }
0x7c: {  	_ =	shalt  }
0x7d: {  	_ =	shalt  }
0x7e: {  	_ =	shalt  }
0x7f: {  	_ =	shalt  }
0x80: {  	_ =	shalt  }
0x81: {  	_ =	shalt  }
0x82: {  	_ =	shalt  }
0x83: {  	_ =	shalt  }
0x84: {  	_ =	shalt  }
0x85: {  	_ =	shalt  }
0x86: {  	_ =	shalt  }
0x87: {  	_ =	shalt  }
.Lfunc_end0:
.L_simem_size_0:
called_computation.3_lowered:
.L_overlay_start_0:
0x88: {  	s2 =	sld [smem:$0x3FD9]  }
0x89: {  	s3 =	sld [smem:$0x3FFE];
	_ =	sdelay $0x1  }
0x8a: {  	s1 =	srdreg.scid  }
0x8b: {  	s0 =	sand.u32 $0x1, s1  }
0x8c: {  	s14 =	sshll.u32 s0, $0xA;
	s2 =	sadd.s32 s3, s2  }
0x8d: {  	s2 =	sadd.s32 s2, s14  }
0x8e: {  	[smem:$0x3FBF] =	sst s2  }
0x8f: {  	_ = 	snop  }
0x90: {  	s2 =	sld [smem:$0x3FD0];
	_ =	sdelay $0x2  }
0x91: {  	s15 =	simm.s32 $0xA;
	s4 =	simm.s32 $0x10  }
0x92: {  	[smem:s4], [sflag:s15] =	dma.local [hbm:s2], $0x1  }
0x93: {  	_ =	swait.eq [sflag:s15], $0x1  }
0x94: {  	[sflag:s15] =	ssyncset.done $0x0  }
0x95: {  	[sflag:s15] =	ssyncadd.s32 $0xFFFFFFFF  }
0x96: {  	s16 =	sld [smem:$0x11];
	(tm) =	ssettm $0x1  }
0x97: {  	s17 =	sld [smem:$0x3FFB];
	_ =	sdelay $0x3  }
0x98: {  	_ =	strace s17  }
0x99: {  	s3 =	sld [smem:$0x3FFC];
	_ =	sdelay $0x3  }
0x9a: {  	_ =	strace s3  }
0x9b: {  	s3 =	sld [smem:$0x3FFD];
	_ =	sdelay $0x3  }
0x9c: {  	_ =	strace s3  }
0x9d: {  	_ =	strace $0x8FFFFFFF  }
0x9e: {  	s18 =	sld [smem:$0x3FDB];
	_ =	sdelay $0x1  }
0x9f: {  	s19 =	simm.s32 $_scs_section_size  }
0xa0: {  	s5 =	simm.s32 $_size__tile_overlayer_lowered;
	s6 =	simm.s32 $_tile_overlayer_lowered  }
0xa1: {  	s22 =	simm.s32 $0x1BFF;
	s21 =	sshll.u32 s6, $0x1;
	s3 =	sadd.s32 s19, s18  }
0xa2: {  	s7 =	simm.s32 $0x0;
	s20 =	sshll.u32 s5, $0x1;
	s5 =	sadd.s32 s21, s3  }
0xa3: {  	[timem:s7], [sflag:s22] =	dma.local [hbm:s5], s20  }
0xa4: {  	_ =	swait.ge [sflag:s22], s20  }
0xa5: {  	s4 =	ssub.s32 $0x0, s20;
	[sflag:s22] =	ssyncset.done $0x0  }
0xa6: {  	[sflag:s22] =	ssyncadd.s32 s4;
	_ =	sdelay $0x1  }
0xa7: {  	s23 =	simm.s32 $0x1B8B  }
0xa8: {  	_ =	swait.ge [sflag:s23], $0x1  }
0xa9: {  	[sflag:s23] =	ssyncset.done $0x0  }
0xaa: {  	s25 =	simm.s32 $0x1B8E;
	s24 =	sld [smem:$0x3FFE];
	[sflag:s23] =	ssyncadd.s32 $0xFFFFFFFF  }
0xab: {  	s26 =	simm.s32 $execute0_lowered;
	[smem:$0x3FD2] =	sst s25  }
0xac: {  	s5 =	sshll.u32 s26, $0x1;
	_ =	strace $0x8000004F;
	[dreg:$0x1] =	wrdreg $0xFFFFFFFF  }
0xad: {  	s28 =	simm.s32 $_size_execute0_lowered;
	s3 =	sadd.s32 s3, s5;
	[dreg:$0x0] =	wrdreg $0x0  }
0xae: {  	s5 =	sshll.u32 s28, $0x1;
	[dreg:$0x2] =	wrdreg s3  }
0xaf: {  	[dreg:$0x3] =	wrdreg s5  }
0xb0: {  	[dreg:$0x4] =	wrdreg $0xC0  }
0xb1: {  	_ =	task [dreg:s7], $0x5FFFF  }
0xb2: {  	[dreg:$0x1] =	wrdreg $0xFFFFFFFF  }
0xb3: {  	[dreg:$0x0] =	wrdreg $0x60  }
0xb4: {  	[dreg:$0x2] =	wrdreg s16  }
0xb5: {  	[dreg:$0x3] =	wrdreg s24  }
0xb6: {  	[dreg:$0x4] =	wrdreg $0x9  }
0xb7: {  	_ =	task.clear_ibuf [dreg:s7], $0x5FFFF;
	_ =	strace $0x9000004F  }
0xb8: {  	s29 =	simm.s32 $0x9;
	_ =	strace $0x80000051  }
0xb9: {  	_ =	swait.ge [sflag:s29], $0x1  }
0xba: {  	[sflag:s29] =	ssyncadd.s32 $0xFFFFFFFF  }
0xbb: {  	_ =	strace $0x90000051  }
0xbc: {  	_ =	sfence  }
0xbd: {  	s30 =	sld [smem:$0x0];
	_ =	sdelay $0x2  }
0xbe: {  	s31 =	sshll.u32 s1, $0xD;
	s1 =	sshrl.u32 s1, $0x2  }
0xbf: {  	s3 =	sand.u32 $0x4000, s31;
	s1 =	sadd.s32 s1, s30  }
0xc0: {  	s0 =	sor.u32 s3, s0;
	s1 =	sshll.u32 s1, $0x11  }
0xc1: {  	s0 =	sor.u32 s1, s0  }
0xc2: {  	s0 =	sadd.s32 $0x8F2B, s0  }
0xc3: {  	[sflag:s0] =	ssyncadd.remote.s32 $0x1  }
0xc4: {  	_ =	sfence.sel $0xFFFF  }
0xc5: {  	[dreg:$0x0] =	wrdreg $0xFFFFFFFF;
	(pc) =	sbr.abs _section_cstart, $3  }
0xc6: {  	[dreg:$0x1] =	wrdreg $0xFFFFFFFF  }
0xc7: {  	_ =	task.clear_ibuf [dreg:s7], $0x2FFFF;
	_ =	strace $0x9FFFFFFF  }
0xc8: {  	(tm) =	ssettm $0x7FFFFFFF  }
0xc9: {  	_ =	shalt  }
tec
execute0_lowered:
.L_overlay_start_1:
0x0: {  	(tag) =	ssettag $0x1  }
0x1: {  	s0 =	srdreg.scid;
	s2 =	rddreg [dreg:$0x0]  }
0x2: {  	s6 =	rddreg [dreg:$0x1];
	s1 =	stileid.u32  }
0x3: {  	s3 =	simm.s32 $0x0;
	s11 =	simm.s32 $0x5;
	s12 =	simm.s32 $0xD00  }
0x4: {  	s13 =	simm.s32 $0x80;
	s14 =	simm.s32 $0x1A00;
	s15 =	simm.s32 $0x2200  }
0x5: {  	s16 =	simm.s32 $0x3200;
	s17 =	simm.s32 $0xD80;
	s18 =	simm.s32 $0x3A00  }
0x6: {  	s19 =	simm.s32 $0x1;
	s20 =	simm.s32 $0x2;
	s21 =	simm.s32 $0x2A00  }
0x7: {  	s22 =	simm.s32 $0x3;
	s23 =	simm.s32 $0x4;
	s5 =	sand.u32 $0x1, s0  }
0x8: {  	s24 =	simm.s32 $0x4200;
	s25 =	simm.s32 $0x0;
	s4 =	sshll.u32 s5, $0x4  }
0x9: {  	[smem:$0x7FF] =	sst s3;
	s9 =	ssub.s32 $0x2, s5;
	s7 =	sor.u32 s1, s4  }
0xa: {  	_ =	strace $0x80000050;
	s10 =	sshrl.u32 s9, $0x1;
	s8 =	smul.u32 $0x1A0, s7  }
0xb: {  	s4 =	sadd.s32 $0x3400, s6;
	s5 =	smul.u32 $0xD000, s7;
	s10 =	ssub.s32 s9, s10  }
0xc: {  	s10 =	smax.u32 s10, $0x1;
	s8 =	sadd.s32 s8, s6;
	s6 =	sadd.s32 $0x8400, s6  }
0xd: {  	s9 =	sor.u32 $0x800, s5;
	s7 =	sadd.s32 $0x8F800, s8;
	s8 =	sadd.s32 $0x92C00, s8  }
.LBB2_1:
0xe: {  	[tilespmem:s3], [sflag:$0x5] =	stream.linear.gather [hbm4b:s7+s3], $0xD00, $0x38;
	[tilespmem:$0x4A00] =	vst v63  }
0xf: {  	_ =	swait.ge [sflag:s11], $0xD00  }
0x10: {  	[sflag:s11] =	ssyncset.done $0x0  }
0x11: {  	[sflag:s11] =	ssyncadd.s32 $0xFFFFF300  }
0x12: {  	[tilespmem:s12], [sflag:$0x5] =	stream.linear.gather [hbm4b:s8+s3], $0xD00, $0x38;
	[tilespmem:$0x4A00] =	vst v63  }
0x13: {  	_ =	swait.ge [sflag:s11], $0xD00  }
0x14: {  	[sflag:s11] =	ssyncset.done $0x0  }
0x15: {  	[sflag:s11] =	ssyncadd.s32 $0xFFFFF300  }
0x16: {  	[tilespmem:s14], [sflag:$0x1] =	stream.indirect.gather [hbm4b:s2+s13], $0x10, s3, s13, $0xb8;
	[tilespmem:$0x4A00] =	vst v63  }
0x17: {  	_ = 	snop  }
0x18: {  	[tilespmem:s15], [sflag:$0x2] =	stream.indirect.gather [hbm4b:s4+s13], $0x10, s12, s13, $0xb8;
	[tilespmem:$0x4A00] =	vst v63  }
0x19: {  	_ = 	snop  }
0x1a: {  	[tilespmem:s16], [sflag:$0x3] =	stream.indirect.gather [hbm4b:s2+s13], $0x10, s13, s13, $0xb8;
	[tilespmem:$0x4A00] =	vst v63  }
0x1b: {  	s26 =	simm.s32 $0x0  }
0x1c: {  	[tilespmem:s18], [sflag:$0x4] =	stream.indirect.gather [hbm4b:s4+s13], $0x10, s17, s13, $0xb8;
	[tilespmem:$0x4A00] =	vst v63  }
.LBB2_2:
0x1d: {  	_ =	swait.ge [sflag:s19], $0x800  }
0x1e: {  	[sflag:s19] =	ssyncset.done $0x0  }
0x1f: {  	[sflag:s19] =	ssyncadd.s32 $0xFFFFF800  }
0x20: {  	_ =	swait.ge [sflag:s20], $0x800  }
0x21: {  	[sflag:s20] =	ssyncset.done $0x0  }
0x22: {  	s29 =	simm.s32 $0x0;
	[sflag:s20] =	ssyncadd.s32 $0xFFFFF800  }
0x23: {  	v0 =	vld [tilespmem:s29+$0x1A00]  }
0x24: {  	s28 =	simm.s32 $0x40;
	v1 =	vld [tilespmem:s29+$0x2200]  }
.LBB2_3:
0x25: {  	_ = 	snop  }
0x26: {  	p0 =	sne.s32 s28, $0x1FC0  }
.Ltmp0:
0x27: {  	_ = 	snop;
	(pc) =	sbr.rel @p0 .LBB2_3-.Ltmp0, $4  }
0x28: {  	_ = 	snop  }
0x29: {  	s30 =	sshra.s32 s28, $0x2;
	v2 =	vadd.f32 v1, v0  }
0x2a: {  	v0 =	vld [tilespmem:s30+$0x1A00]  }
0x2b: {  	s28 =	sadd.s32 $0x40, s28;
	v1 =	vld [tilespmem:s30+$0x2200];
	[tilespmem:s29+$0x2A00] =	vst v2;
	s29 =	smov.u32 s30  }
0x2c: {  	_ =	sdelay $0x3  }
0x2d: {  	v0 =	vadd.f32 v1, v0  }
0x2e: {  	s28 =	sshll.u32 s26, $0x8;
	p0 =	seq.s32 s26, $0xC  }
0x2f: {  	s30 =	simm.s32 @!p0 $0x80;
	s31 =	simm.s32 @!p0 $0x1A00;
	[tilespmem:s29+$0x2A00] =	vst v0;
	s29 =	sadd.s32 @!p0 $0x100, s28  }
0x30: {  	[tilespmem:s31], [sflag:$0x1] =	stream.indirect.gather @!p0 [hbm4b:s2+s30], $0x10, s29, s30, $0xb8;
	[tilespmem:$0x4A00] =	vst v63  }
0x31: {  	s29 =	sadd.s32 @!p0 $0xE00, s28;
	s31 =	simm.s32 @!p0 $0x2200  }
0x32: {  	[tilespmem:s31], [sflag:$0x2] =	stream.indirect.gather @!p0 [hbm4b:s4+s30], $0x10, s29, s30, $0xb8;
	[tilespmem:$0x4A00] =	vst v63  }
0x33: {  	s29 =	sshll.u32 s26, $0xC  }
0x34: {  	s30 =	sadd.s32 s5, s29  }
0x35: {  	s30 =	sshrl.u32 s30, $0x3  }
0x36: {  	s31 =	simm.s32 $0x0;
	s30 =	sadd.s32 s6, s30  }
0x37: {  	[hbm4b:s30+s31] =	stream.linear.scatter [tilespmem:s21], [sflag:$0x5], $0x800, $0x38;
	[tilespmem:$0x4A00] =	vst v63  }
0x38: {  	_ =	swait.ge [sflag:s11], $0x800  }
0x39: {  	[sflag:s11] =	ssyncset.done $0x0  }
0x3a: {  	[sflag:s11] =	ssyncadd.s32 $0xFFFFF800  }
0x3b: {  	_ =	swait.ge [sflag:s22], $0x800  }
0x3c: {  	[sflag:s22] =	ssyncset.done $0x0  }
0x3d: {  	[sflag:s22] =	ssyncadd.s32 $0xFFFFF800  }
0x3e: {  	_ =	swait.ge [sflag:s23], $0x800  }
0x3f: {  	[sflag:s23] =	ssyncset.done $0x0  }
0x40: {  	s30 =	simm.s32 $0x0;
	[sflag:s23] =	ssyncadd.s32 $0xFFFFF800  }
0x41: {  	v0 =	vld [tilespmem:s30+$0x3200]  }
0x42: {  	s31 =	simm.s32 $0x40;
	v1 =	vld [tilespmem:s30+$0x3A00]  }
.LBB2_5:
0x43: {  	_ = 	snop  }
0x44: {  	p1 =	sne.s32 s31, $0x1FC0  }
.Ltmp1:
0x45: {  	_ = 	snop;
	(pc) =	sbr.rel @p1 .LBB2_5-.Ltmp1, $4  }
0x46: {  	_ = 	snop  }
0x47: {  	s0 =	sshra.s32 s31, $0x2;
	v2 =	vadd.f32 v1, v0  }
0x48: {  	v0 =	vld [tilespmem:s0+$0x3200]  }
0x49: {  	s31 =	sadd.s32 $0x40, s31;
	v1 =	vld [tilespmem:s0+$0x3A00];
	[tilespmem:s30+$0x4200] =	vst v2;
	s30 =	smov.u32 s0  }
0x4a: {  	_ =	sdelay $0x3  }
0x4b: {  	v0 =	vadd.f32 v1, v0  }
0x4c: {  	s0 =	sadd.s32 @!p0 $0x180, s28  }
0x4d: {  	s31 =	simm.s32 @!p0 $0x3200;
	s26 =	sadd.s32 $0x1, s26;
	[tilespmem:s30+$0x4200] =	vst v0;
	s30 =	simm.s32 @!p0 $0x80  }
0x4e: {  	[tilespmem:s31], [sflag:$0x3] =	stream.indirect.gather @!p0 [hbm4b:s2+s30], $0x10, s0, s30, $0xb8;
	[tilespmem:$0x4A00] =	vst v63  }
0x4f: {  	s0 =	sadd.s32 @!p0 $0xE80, s28;
	s28 =	simm.s32 @!p0 $0x3A00;
	s31 =	sadd.s32 s29, s9  }
0x50: {  	[tilespmem:s28], [sflag:$0x4] =	stream.indirect.gather @!p0 [hbm4b:s4+s30], $0x10, s0, s30, $0xb8;
	[tilespmem:$0x4A00] =	vst v63  }
0x51: {  	s0 =	sshrl.u32 s31, $0x3;
	p0 =	sne.s32 s26, $0xD  }
.Ltmp2:
0x52: {  	s0 =	sadd.s32 s6, s0;
	(pc) =	sbr.rel @p0 .LBB2_2-.Ltmp2, $4  }
0x53: {  	[hbm4b:s0+s3] =	stream.linear.scatter [tilespmem:s24], [sflag:$0x5], $0x800, $0x38;
	[tilespmem:$0x4A00] =	vst v63  }
0x54: {  	_ =	swait.ge [sflag:s11], $0x800  }
0x55: {  	[sflag:s11] =	ssyncset.done $0x0  }
0x56: {  	[sflag:s11] =	ssyncadd.s32 $0xFFFFF800  }
0x57: {  	s25 =	sadd.s32 $0x1, s25  }
0x58: {  	p0 =	sne.s32 s25, s10  }
.Ltmp3:
0x59: {  	_ = 	snop;
	(pc) =	sbr.rel @p0 .LBB2_1-.Ltmp3, $1  }
0x5a: {  	_ =	sdelay $0x3  }
0x5b: {  	_ =	sfence.sel $0x180000  }
0x5c: {  	[bflag:$0x0] =	sbarrier.arrive $0xFFFF  }
0x5d: {  	_ =	strace $0x90000050  }
0x5e: {  	[bflag:$0x2] =	sbarrier.arrive $0xFFFF  }
0x5f: {  	p0 =	sne.s32 s1, $0x0;
	s0 =	rddreg [dreg:$0x2]  }
0x60: {  	s0 =	sadd.s32 @!p0 $0x100000, s0  }
0x61: {  	[sflag:s0] =	ssyncadd.tile.s32 @!p0 $0x1;
	_ =	shalt  }
.Lfunc_end2:
_tile_overlayer_lowered:
.L_overlay_start_2:
0x62: {  	(tag) =	ssettag $0x2  }
0x63: {  	s0 =	rddreg [dreg:$0x0];
	s2 =	stileid.u32  }
0x64: {  	s1 =	rddreg [dreg:$0x1];
	p0 =	sne.s32 s2, $0x0  }
0x65: {  	s3 =	rddreg [dreg:$0x2];
	[bflag:$0x3] =	sbarrier.arrive $0xFFFF;
	s2 =	simm.s32 @!p0 $0x1C05  }
0x66: {  	[timem:s3], [sflag:s2] =	dma.local @!p0 [hbm:s0], s1  }
0x67: {  	s0 =	simm.s32 @!p0 $0x5  }
0x68: {  	_ =	swait.ge @!p0 [sflag:s0], s1  }
0x69: {  	s1 =	ssub.s32 @!p0 $0x0, s1;
	[sflag:s0] =	ssyncset.done @!p0 $0x0  }
0x6a: {  	[sflag:s0] =	ssyncadd.s32 @!p0 s1  }
0x6b: {  	[bflag:$0x3] =	sbarrier.arrive $0xFFFF  }
0x6c: {  	_ =	shalt  }

// kernel: kernel.9.cloned.1.call-start
scs
__scs_entry_jumppad:
0x0: {  	(pc) =	sbr.rel $0x88, $3  }
0x1: {  	(tag) =	ssettag $0x0;
	lr =	simm.s32 $0x1  }
0x2: {  	[smem:$0x3F98] =	sst lr;
	_ =	strace $0xD0000000  }
0x3: {  	_ = 	snop  }
0x4: {  	_ = 	snop  }
0x5: {  	_ = 	snop  }
0x6: {  	_ = 	snop  }
0x7: {  	_ = 	snop  }
__scs_overlays_trampoline_lowered:
0x8: {  	[smem:$0x3FA7] =	sst s0  }
0x9: {  	[smem:$0x3FA8] =	sst s1  }
0xa: {  	[smem:$0x3FA9] =	sst s2  }
0xb: {  	[smem:$0x3FAA] =	sst s3  }
0xc: {  	[smem:$0x3FAB] =	sst s4  }
0xd: {  	[smem:$0x3FAC] =	sst s5  }
0xe: {  	[smem:$0x3FAD] =	sst s6  }
0xf: {  	[smem:$0x3FAE] =	sst s7  }
0x10: {  	[smem:$0x3FAF] =	sst s8  }
0x11: {  	[smem:$0x3FB0] =	sst s9;
	s0 =	simm.s32 @!p0 $0x0  }
0x12: {  	s1 =	sld [smem:$0x3F96];
	s0 =	simm.s32 @p0 $0x1  }
0x13: {  	[smem:$0x3FB1] =	sst s0;
	s0 =	simm.s32 @!p1 $0x0  }
0x14: {  	s2 =	sld [smem:$0x3F95];
	s0 =	simm.s32 @p1 $0x1  }
0x15: {  	[smem:$0x3FB2] =	sst s0;
	s0 =	simm.s32 @!p2 $0x0  }
0x16: {  	s3 =	sld [smem:$0x3FDB];
	s0 =	simm.s32 @p2 $0x1  }
0x17: {  	s4 =	simm.s32 $0x1BF5;
	[smem:$0x3FB4] =	sst s0  }
0x18: {  	s0 =	sld [smem:$0x3F97];
	_ =	swait.ge [sflag:s4], $0x0  }
0x19: {  	s7 =	sld [smem:$0x3F98]  }
0x1a: {  	s8 =	sadd.s32 $0xFFFFE003, lr  }
0x1b: {  	s9 =	sadd.s32 $0xFFFFFEF7, lr;
	s5 =	simm.s32 $0xFFFFFFFF;
	p2 =	slt.u32 s8, $0xFFFFF086  }
0x1c: {  	p1 =	slt.u32 s9, $0xF7A;
	s5 =	simm.s32 @!p2 $0x0  }
0x1d: {  	s5 =	simm.s32 @p1 $0x1;
	p0 =	seq.s32 s7, s2  }
0x1e: {  	s7 =	smul.u32 @!p0 $0xF7A, s2;
	p2 =	seq.s32 @!p0 s5, $0x0  }
0x1f: {  	s9 =	smul.u32 $0xF7A, s1;
	s8 =	simm.s32 @!p0 $0x1BF5;
	p2 =	por !p2, p0  }
0x20: {  	[sflag:s8] =	ssyncset.s32 @!p0 $0xFFFFF086;
	s6 =	sadd.s32 @!p0 s3, s7;
	s7 =	simm.s32 @!p0 $0x108  }
0x21: {  	s3 =	sadd.s32 s3, s9;
	s6 =	sadd.s32 @!p0 $0x88, s6;
	s7 =	simm.s32 @p2 $0x1082  }
0x22: {  	[simem:s7], [sflag:s8] =	dma.local @!p0 [hbm:s6], $0xF7A  }
0x23: {  	s9 =	sor.u32 $0xD0000000, s2;
	s6 =	simm.s32 $0x108;
	_ =	swait.ge @!p0 [sflag:s8], $0x0  }
0x24: {  	s3 =	sadd.s32 $0x88, s3;
	s6 =	simm.s32 @!p1 $0x1082;
	[sflag:s4] =	ssyncset.s32 $0xFFFFF086  }
0x25: {  	[simem:s6], [sflag:s4] =	dma.local [hbm:s3], $0xF7A  }
0x26: {  	[smem:$0x3F98] =	sst s1;
	(tag) =	ssettag s2;
	_ =	strace s9  }
0x27: {  	s1 =	sld [smem:$0x3FA8]  }
0x28: {  	s2 =	sld [smem:$0x3FA9]  }
0x29: {  	s4 =	sld [smem:$0x3FAB]  }
0x2a: {  	p0 =	seq.s32 s5, $0x0;
	s5 =	sld [smem:$0x3FAC]  }
0x2b: {  	s6 =	sld [smem:$0x3FAD]  }
0x2c: {  	s7 =	sld [smem:$0x3FAE]  }
0x2d: {  	s3 =	simm.s32 $0x108;
	s8 =	sld [smem:$0x3FAF]  }
0x2e: {  	s3 =	simm.s32 @!p0 $0x1082;
	s9 =	sld [smem:$0x3FB0]  }
0x2f: {  	lr =	sadd.s32 s0, s3;
	s0 =	sld [smem:$0x3FA7]  }
0x30: {  	s3 =	sld [smem:$0x3FAA]  }
0x31: {  	[smem:$0x3FB3] =	sst s10  }
0x32: {  	s10 =	sld [smem:$0x3FB1];
	_ =	sdelay $0x3  }
0x33: {  	p0 =	seq.s32 s10, $0x1;
	s10 =	sld [smem:$0x3FB3];
	_ =	sdelay $0x3  }
0x34: {  	[smem:$0x3FB3] =	sst s10  }
0x35: {  	s10 =	sld [smem:$0x3FB2];
	_ =	sdelay $0x3  }
0x36: {  	p1 =	seq.s32 s10, $0x1;
	s10 =	sld [smem:$0x3FB3];
	_ =	sdelay $0x3  }
0x37: {  	[smem:$0x3FB3] =	sst s10  }
0x38: {  	s10 =	sld [smem:$0x3FB4]  }
0x39: {  	_ = 	snop;
	(pc) =	sbr.ind lr, $3  }
0x3a: {  	_ = 	snop  }
0x3b: {  	_ = 	snop  }
0x3c: {  	p2 =	seq.s32 s10, $0x1;
	s10 =	sld [smem:$0x3FB3]  }
0x3d: {  	_ =	shalt  }
0x3e: {  	_ =	shalt  }
0x3f: {  	_ =	shalt  }
0x40: {  	_ =	shalt  }
0x41: {  	_ =	shalt  }
0x42: {  	_ =	shalt  }
0x43: {  	_ =	shalt  }
0x44: {  	_ =	shalt  }
0x45: {  	_ =	shalt  }
0x46: {  	_ =	shalt  }
0x47: {  	_ =	shalt  }
0x48: {  	_ =	shalt  }
0x49: {  	_ =	shalt  }
0x4a: {  	_ =	shalt  }
0x4b: {  	_ =	shalt  }
0x4c: {  	_ =	shalt  }
0x4d: {  	_ =	shalt  }
0x4e: {  	_ =	shalt  }
0x4f: {  	_ =	shalt  }
0x50: {  	_ =	shalt  }
0x51: {  	_ =	shalt  }
0x52: {  	_ =	shalt  }
0x53: {  	_ =	shalt  }
0x54: {  	_ =	shalt  }
0x55: {  	_ =	shalt  }
0x56: {  	_ =	shalt  }
0x57: {  	_ =	shalt  }
0x58: {  	_ =	shalt  }
0x59: {  	_ =	shalt  }
0x5a: {  	_ =	shalt  }
0x5b: {  	_ =	shalt  }
0x5c: {  	_ =	shalt  }
0x5d: {  	_ =	shalt  }
0x5e: {  	_ =	shalt  }
0x5f: {  	_ =	shalt  }
0x60: {  	_ =	shalt  }
0x61: {  	_ =	shalt  }
0x62: {  	_ =	shalt  }
0x63: {  	_ =	shalt  }
0x64: {  	_ =	shalt  }
0x65: {  	_ =	shalt  }
0x66: {  	_ =	shalt  }
0x67: {  	_ =	shalt  }
0x68: {  	_ =	shalt  }
0x69: {  	_ =	shalt  }
0x6a: {  	_ =	shalt  }
0x6b: {  	_ =	shalt  }
0x6c: {  	_ =	shalt  }
0x6d: {  	_ =	shalt  }
0x6e: {  	_ =	shalt  }
0x6f: {  	_ =	shalt  }
0x70: {  	_ =	shalt  }
0x71: {  	_ =	shalt  }
0x72: {  	_ =	shalt  }
0x73: {  	_ =	shalt  }
0x74: {  	_ =	shalt  }
0x75: {  	_ =	shalt  }
0x76: {  	_ =	shalt  }
0x77: {  	_ =	shalt  }
0x78: {  	_ =	shalt  }
0x79: {  	_ =	shalt  }
0x7a: {  	_ =	shalt  }
0x7b: {  	_ =	shalt  }
0x7c: {  	_ =	shalt  }
0x7d: {  	_ =	shalt  }
0x7e: {  	_ =	shalt  }
0x7f: {  	_ =	shalt  }
0x80: {  	_ =	shalt  }
0x81: {  	_ =	shalt  }
0x82: {  	_ =	shalt  }
0x83: {  	_ =	shalt  }
0x84: {  	_ =	shalt  }
0x85: {  	_ =	shalt  }
0x86: {  	_ =	shalt  }
0x87: {  	_ =	shalt  }
.Lfunc_end0:
.L_simem_size_0:
called_computation_lowered:
.L_overlay_start_0:
0x88: {  	s2 =	sld [smem:$0x3FD9]  }
0x89: {  	s3 =	sld [smem:$0x3FFE];
	_ =	sdelay $0x1  }
0x8a: {  	s1 =	srdreg.scid  }
0x8b: {  	s0 =	sand.u32 $0x1, s1  }
0x8c: {  	s14 =	sshll.u32 s0, $0xA;
	s2 =	sadd.s32 s3, s2  }
0x8d: {  	s2 =	sadd.s32 s2, s14  }
0x8e: {  	[smem:$0x3FBF] =	sst s2  }
0x8f: {  	_ = 	snop  }
0x90: {  	s2 =	sld [smem:$0x3FD0];
	_ =	sdelay $0x2  }
0x91: {  	s15 =	simm.s32 $0xA;
	s4 =	simm.s32 $0x10  }
0x92: {  	[smem:s4], [sflag:s15] =	dma.local [hbm:s2], $0x1  }
0x93: {  	_ =	swait.eq [sflag:s15], $0x1  }
0x94: {  	[sflag:s15] =	ssyncset.done $0x0  }
0x95: {  	s16 =	sld [smem:$0x10];
	[sflag:s15] =	ssyncadd.s32 $0xFFFFFFFF  }
0x96: {  	s17 =	sld [smem:$0x11];
	(tm) =	ssettm $0x1  }
0x97: {  	s18 =	sld [smem:$0x3FFB];
	_ =	sdelay $0x3  }
0x98: {  	_ =	strace s18  }
0x99: {  	s4 =	sld [smem:$0x3FFC];
	_ =	sdelay $0x3  }
0x9a: {  	_ =	strace s4  }
0x9b: {  	s4 =	sld [smem:$0x3FFD];
	_ =	sdelay $0x3  }
0x9c: {  	_ =	strace s4  }
0x9d: {  	_ =	strace $0x8FFFFFFF  }
0x9e: {  	s19 =	sld [smem:$0x3FDB];
	_ =	sdelay $0x1  }
0x9f: {  	s5 =	simm.s32 $_scs_section_size  }
0xa0: {  	s6 =	simm.s32 $_size__tile_overlayer_lowered;
	s7 =	simm.s32 $_tile_overlayer_lowered  }
0xa1: {  	s22 =	simm.s32 $0x1BFF;
	s21 =	sshll.u32 s7, $0x1;
	s4 =	sadd.s32 s5, s19  }
0xa2: {  	s8 =	simm.s32 $0x0;
	s20 =	sshll.u32 s6, $0x1;
	s6 =	sadd.s32 s21, s4  }
0xa3: {  	[timem:s8], [sflag:s22] =	dma.local [hbm:s6], s20  }
0xa4: {  	_ =	swait.ge [sflag:s22], s20  }
0xa5: {  	s5 =	ssub.s32 $0x0, s20;
	[sflag:s22] =	ssyncset.done $0x0  }
0xa6: {  	[sflag:s22] =	ssyncadd.s32 s5;
	_ =	sdelay $0x1  }
0xa7: {  	s23 =	simm.s32 $0x1B8B  }
0xa8: {  	_ =	swait.ge [sflag:s23], $0x1  }
0xa9: {  	[sflag:s23] =	ssyncset.done $0x0  }
0xaa: {  	s25 =	simm.s32 $0x1B8E;
	s24 =	sld [smem:$0x3FFE];
	[sflag:s23] =	ssyncadd.s32 $0xFFFFFFFF  }
0xab: {  	s26 =	simm.s32 $execute0_lowered;
	[smem:$0x3FD2] =	sst s25  }
0xac: {  	s6 =	sshll.u32 s26, $0x1;
	_ =	strace $0x80000046;
	[dreg:$0x1] =	wrdreg $0xFFFFFFFF  }
0xad: {  	s28 =	simm.s32 $_size_execute0_lowered;
	s4 =	sadd.s32 s4, s6;
	[dreg:$0x0] =	wrdreg $0x0  }
0xae: {  	s6 =	sshll.u32 s28, $0x1;
	[dreg:$0x2] =	wrdreg s4  }
0xaf: {  	[dreg:$0x3] =	wrdreg s6  }
0xb0: {  	[dreg:$0x4] =	wrdreg $0xC0  }
0xb1: {  	_ =	task [dreg:s8], $0x5FFFF  }
0xb2: {  	[dreg:$0x1] =	wrdreg $0xFFFFFFFF  }
0xb3: {  	[dreg:$0x0] =	wrdreg $0x60  }
0xb4: {  	[dreg:$0x2] =	wrdreg s16  }
0xb5: {  	[dreg:$0x3] =	wrdreg s24  }
0xb6: {  	[dreg:$0x4] =	wrdreg s17  }
0xb7: {  	[dreg:$0x5] =	wrdreg $0x50800  }
0xb8: {  	[dreg:$0x6] =	wrdreg $0x9  }
0xb9: {  	_ =	task.clear_ibuf [dreg:s8], $0x7FFFF;
	_ =	strace $0x90000046  }
0xba: {  	s29 =	simm.s32 $0x9;
	_ =	strace $0x80000048  }
0xbb: {  	_ =	swait.ge [sflag:s29], $0x1  }
0xbc: {  	[sflag:s29] =	ssyncadd.s32 $0xFFFFFFFF  }
0xbd: {  	_ =	strace $0x90000048  }
0xbe: {  	_ =	sfence  }
0xbf: {  	s30 =	sld [smem:$0x0];
	_ =	sdelay $0x2  }
0xc0: {  	s31 =	sshll.u32 s1, $0xD;
	s1 =	sshrl.u32 s1, $0x2  }
0xc1: {  	s3 =	sand.u32 $0x4000, s31;
	s1 =	sadd.s32 s1, s30  }
0xc2: {  	s0 =	sor.u32 s3, s0;
	s1 =	sshll.u32 s1, $0x11  }
0xc3: {  	s0 =	sor.u32 s1, s0  }
0xc4: {  	s0 =	sadd.s32 $0x8F2B, s0  }
0xc5: {  	[sflag:s0] =	ssyncadd.remote.s32 $0x1  }
0xc6: {  	_ =	sfence.sel $0xFFFF  }
0xc7: {  	[dreg:$0x0] =	wrdreg $0xFFFFFFFF;
	(pc) =	sbr.abs _section_cstart, $3  }
0xc8: {  	[dreg:$0x1] =	wrdreg $0xFFFFFFFF  }
0xc9: {  	_ =	task.clear_ibuf [dreg:s8], $0x2FFFF;
	_ =	strace $0x9FFFFFFF  }
0xca: {  	(tm) =	ssettm $0x7FFFFFFF  }
0xcb: {  	_ =	shalt  }
tec
execute0_lowered:
.L_overlay_start_1:
0x0: {  	(tag) =	ssettag $0x1  }
0x1: {  	s6 =	rddreg [dreg:$0x0]  }
0x2: {  	s5 =	rddreg [dreg:$0x1]  }
0x3: {  	s8 =	rddreg [dreg:$0x2]  }
0x4: {  	s1 =	rddreg [dreg:$0x3]  }
0x5: {  	s0 =	rddreg [dreg:$0x4];
	s2 =	simm.s32 $0x0  }
0x6: {  	s3 =	srdreg.scid;
	s15 =	simm.s32 $0x80;
	s16 =	simm.s32 $0x1  }
0x7: {  	s17 =	simm.s32 $0x20;
	s18 =	simm.s32 $0x10;
	s7 =	sand.u32 $0x1, s3  }
0x8: {  	s19 =	simm.s32 $0x0;
	s3 =	stileid.u32;
	s9 =	smul.u32 $0x50000, s7  }
0x9: {  	[smem:$0x7FF] =	sst s2;
	s4 =	sadd.s32 $0x3400, s5;
	s11 =	smul.u32 $0x5000, s3  }
0xa: {  	s5 =	sadd.s32 $0x3600, s5;
	_ =	strace $0x80000047;
	s13 =	smul.u32 $0x500, s3  }
0xb: {  	s10 =	ssub.s32 $0x2, s7;
	s14 =	smul.u32 $0xA00, s3;
	s7 =	sshll.u32 s7, $0x7  }
0xc: {  	s31 =	sshll.u32 s3, $0x6;
	s12 =	sshrl.u32 s10, $0x1;
	s9 =	sadd.s32 s11, s9  }
0xd: {  	s10 =	ssub.s32 s10, s12;
	s7 =	sor.u32 s7, s13;
	s28 =	sshrl.u32 s14, $0x2  }
0xe: {  	s11 =	simm.s32 $0x2;
	s12 =	sor.u32 $0x1C02, s31;
	s14 =	simm.s32 $0x2800  }
0xf: {  	s9 =	sshrl.u32 s9, $0x3;
	s29 =	sshrl.u32 s7, $0x3;
	s30 =	sadd.s32 s28, s1  }
0x10: {  	s6 =	sadd.s32 s6, s9;
	s8 =	sadd.s32 s8, s29;
	s9 =	smax.u32 s10, $0x1  }
0x11: {  	s10 =	simm.s32 $0x5000;
	s13 =	sshrl.u32 s30, $0x3;
	s7 =	sadd.s32 $0x500, s6  }
.LBB2_1:
0x12: {  	[tilespmem:s10], [sflag:$0x2] =	stream.linear.gather [hbm4b:s4+s2], $0x80, $0x38;
	[tilespmem:$0x5300] =	vst v63  }
0x13: {  	_ =	swait.ge [sflag:s11], $0x80  }
0x14: {  	[sflag:s11] =	ssyncset.done $0x0  }
0x15: {  	[sflag:s11] =	ssyncadd.s32 $0xFFFFFF80  }
0x16: {  	[spmem:s13], [sflag:s12] =	dma.local [hbm:s5], $0x50  }
0x17: {  	_ =	swait.ge [sflag:s11], $0x50  }
0x18: {  	[sflag:s11] =	ssyncset.done $0x0  }
0x19: {  	[sflag:s11] =	ssyncadd.s32 $0xFFFFFFB0  }
0x1a: {  	[tilespmem:s2], [sflag:$0x2] =	stream.linear.gather [hbm4b:s6+s2], $0x2800, $0x38;
	[tilespmem:$0x5300] =	vst v63  }
0x1b: {  	_ =	swait.ge [sflag:s11], $0x2800  }
0x1c: {  	[sflag:s11] =	ssyncset.done $0x0  }
0x1d: {  	[sflag:s11] =	ssyncadd.s32 $0xFFFFD800  }
0x1e: {  	[tilespmem:s14], [sflag:$0x2] =	stream.linear.gather [hbm4b:s7+s2], $0x2800, $0x38;
	[tilespmem:$0x5300] =	vst v63  }
0x1f: {  	_ =	swait.ge [sflag:s11], $0x2800  }
0x20: {  	[sflag:s11] =	ssyncset.done $0x0  }
0x21: {  	[sflag:s11] =	ssyncadd.s32 $0xFFFFD800  }
0x22: {  	s20 =	simm.s32 $0x0;
	[bflag:$0x0] =	sbarrier.arrive $0xFFFF  }
0x23: {  	[spmem:s1] =	stream.indirect.scatter.add.f32 [tilespmem:s10], [sflag:$0x1], $0x1, s20, s15, $0xb8;
	[tilespmem:$0x5300] =	vst v63  }
0x24: {  	s26 =	simm.s32 $0x80  }
0x25: {  	[spmem:s1] =	stream.indirect.scatter.add.f32 [tilespmem:s10], [sflag:$0x1], $0x1, s26, s15, $0xb8;
	[tilespmem:$0x5300] =	vst v63  }
0x26: {  	s28 =	simm.s32 $0x100  }
0x27: {  	[spmem:s1] =	stream.indirect.scatter.add.f32 [tilespmem:s10], [sflag:$0x1], $0x1, s28, s15, $0xb8;
	[tilespmem:$0x5300] =	vst v63  }
0x28: {  	s29 =	simm.s32 $0x180  }
0x29: {  	[spmem:s1] =	stream.indirect.scatter.add.f32 [tilespmem:s10], [sflag:$0x1], $0x1, s29, s15, $0xb8;
	[tilespmem:$0x5300] =	vst v63  }
0x2a: {  	s30 =	simm.s32 $0x200  }
0x2b: {  	[spmem:s1] =	stream.indirect.scatter.add.f32 [tilespmem:s10], [sflag:$0x1], $0x1, s30, s15, $0xb8;
	[tilespmem:$0x5300] =	vst v63  }
0x2c: {  	s31 =	simm.s32 $0x280  }
0x2d: {  	[spmem:s1] =	stream.indirect.scatter.add.f32 [tilespmem:s10], [sflag:$0x1], $0x1, s31, s15, $0xb8;
	[tilespmem:$0x5300] =	vst v63  }
0x2e: {  	s21 =	simm.s32 $0x300  }
0x2f: {  	[spmem:s1] =	stream.indirect.scatter.add.f32 [tilespmem:s10], [sflag:$0x1], $0x1, s21, s15, $0xb8;
	[tilespmem:$0x5300] =	vst v63  }
0x30: {  	s22 =	simm.s32 $0x380  }
0x31: {  	[spmem:s1] =	stream.indirect.scatter.add.f32 [tilespmem:s10], [sflag:$0x1], $0x1, s22, s15, $0xb8;
	[tilespmem:$0x5300] =	vst v63  }
0x32: {  	s23 =	simm.s32 $0x400  }
0x33: {  	[spmem:s1] =	stream.indirect.scatter.add.f32 [tilespmem:s10], [sflag:$0x1], $0x1, s23, s15, $0xb8;
	[tilespmem:$0x5300] =	vst v63  }
0x34: {  	s24 =	simm.s32 $0x480  }
0x35: {  	[spmem:s1] =	stream.indirect.scatter.add.f32 [tilespmem:s10], [sflag:$0x1], $0x1, s24, s15, $0xb8;
	[tilespmem:$0x5300] =	vst v63  }
0x36: {  	s25 =	simm.s32 $0x500  }
0x37: {  	[spmem:s1] =	stream.indirect.scatter.add.f32 [tilespmem:s10], [sflag:$0x1], $0x1, s25, s15, $0xb8;
	[tilespmem:$0x5300] =	vst v63  }
0x38: {  	s26 =	simm.s32 $0x580  }
0x39: {  	[spmem:s1] =	stream.indirect.scatter.add.f32 [tilespmem:s10], [sflag:$0x1], $0x1, s26, s15, $0xb8;
	[tilespmem:$0x5300] =	vst v63  }
0x3a: {  	s28 =	simm.s32 $0x600  }
0x3b: {  	[spmem:s1] =	stream.indirect.scatter.add.f32 [tilespmem:s10], [sflag:$0x1], $0x1, s28, s15, $0xb8;
	[tilespmem:$0x5300] =	vst v63  }
0x3c: {  	s29 =	simm.s32 $0x680  }
0x3d: {  	[spmem:s1] =	stream.indirect.scatter.add.f32 [tilespmem:s10], [sflag:$0x1], $0x1, s29, s15, $0xb8;
	[tilespmem:$0x5300] =	vst v63  }
0x3e: {  	s30 =	simm.s32 $0x700  }
0x3f: {  	[spmem:s1] =	stream.indirect.scatter.add.f32 [tilespmem:s10], [sflag:$0x1], $0x1, s30, s15, $0xb8;
	[tilespmem:$0x5300] =	vst v63  }
0x40: {  	s31 =	simm.s32 $0x780  }
0x41: {  	[spmem:s1] =	stream.indirect.scatter.add.f32 [tilespmem:s10], [sflag:$0x1], $0x1, s31, s15, $0xb8;
	[tilespmem:$0x5300] =	vst v63  }
0x42: {  	_ =	swait.ge [sflag:s16], $0x80  }
0x43: {  	[sflag:s16] =	ssyncset.done $0x0  }
0x44: {  	[sflag:s16] =	ssyncadd.s32 $0xFFFFFF80  }
0x45: {  	_ =	swait.ge [sflag:s16], $0x80  }
0x46: {  	[sflag:s16] =	ssyncset.done $0x0  }
0x47: {  	[sflag:s16] =	ssyncadd.s32 $0xFFFFFF80  }
0x48: {  	_ =	swait.ge [sflag:s16], $0x80  }
0x49: {  	[sflag:s16] =	ssyncset.done $0x0  }
0x4a: {  	[sflag:s16] =	ssyncadd.s32 $0xFFFFFF80  }
0x4b: {  	_ =	swait.ge [sflag:s16], $0x80  }
0x4c: {  	[sflag:s16] =	ssyncset.done $0x0  }
0x4d: {  	[sflag:s16] =	ssyncadd.s32 $0xFFFFFF80  }
0x4e: {  	_ =	swait.ge [sflag:s16], $0x80  }
0x4f: {  	[sflag:s16] =	ssyncset.done $0x0  }
0x50: {  	[sflag:s16] =	ssyncadd.s32 $0xFFFFFF80  }
0x51: {  	_ =	swait.ge [sflag:s16], $0x80  }
0x52: {  	[sflag:s16] =	ssyncset.done $0x0  }
0x53: {  	[sflag:s16] =	ssyncadd.s32 $0xFFFFFF80  }
0x54: {  	_ =	swait.ge [sflag:s16], $0x80  }
0x55: {  	[sflag:s16] =	ssyncset.done $0x0  }
0x56: {  	[sflag:s16] =	ssyncadd.s32 $0xFFFFFF80  }
0x57: {  	_ =	swait.ge [sflag:s16], $0x80  }
0x58: {  	[sflag:s16] =	ssyncset.done $0x0  }
0x59: {  	[sflag:s16] =	ssyncadd.s32 $0xFFFFFF80  }
0x5a: {  	_ =	swait.ge [sflag:s16], $0x80  }
0x5b: {  	[sflag:s16] =	ssyncset.done $0x0  }
0x5c: {  	[sflag:s16] =	ssyncadd.s32 $0xFFFFFF80  }
0x5d: {  	_ =	swait.ge [sflag:s16], $0x80  }
0x5e: {  	[sflag:s16] =	ssyncset.done $0x0  }
0x5f: {  	[sflag:s16] =	ssyncadd.s32 $0xFFFFFF80  }
0x60: {  	_ =	swait.ge [sflag:s16], $0x80  }
0x61: {  	[sflag:s16] =	ssyncset.done $0x0  }
0x62: {  	[sflag:s16] =	ssyncadd.s32 $0xFFFFFF80  }
0x63: {  	_ =	swait.ge [sflag:s16], $0x80  }
0x64: {  	[sflag:s16] =	ssyncset.done $0x0  }
0x65: {  	[sflag:s16] =	ssyncadd.s32 $0xFFFFFF80  }
0x66: {  	_ =	swait.ge [sflag:s16], $0x80  }
0x67: {  	[sflag:s16] =	ssyncset.done $0x0  }
0x68: {  	[sflag:s16] =	ssyncadd.s32 $0xFFFFFF80  }
0x69: {  	_ =	swait.ge [sflag:s16], $0x80  }
0x6a: {  	[sflag:s16] =	ssyncset.done $0x0  }
0x6b: {  	[sflag:s16] =	ssyncadd.s32 $0xFFFFFF80  }
0x6c: {  	_ =	swait.ge [sflag:s16], $0x80  }
0x6d: {  	[sflag:s16] =	ssyncset.done $0x0  }
0x6e: {  	[sflag:s16] =	ssyncadd.s32 $0xFFFFFF80  }
0x6f: {  	_ =	swait.ge [sflag:s16], $0x80  }
0x70: {  	s20 =	simm.s32 $0x2000;
	s23 =	simm.s32 $0x4000;
	[sflag:s16] =	ssyncset.done $0x0  }
.LBB2_2:
0x71: {  	s22 =	sshra.s32 s20, $0x2  }
0x72: {  	[sflag:s16] =	ssyncadd.s32 $0xFFFFFF80;
	s20 =	smov.u32 s23;
	s21 =	sadd.s32 $0x2000, s23  }
0x73: {  	[spmem:s1] =	stream.indirect.scatter.add.f32 [tilespmem:s10], [sflag:$0x1], $0x1, s22, s15, $0xb8;
	[tilespmem:$0x5300] =	vst v63  }
0x74: {  	p0 =	sne.s32 s23, $0x12000;
	s23 =	sadd.s32 $0x80, s22  }
0x75: {  	[spmem:s1] =	stream.indirect.scatter.add.f32 [tilespmem:s10], [sflag:$0x1], $0x1, s23, s15, $0xb8;
	[tilespmem:$0x5300] =	vst v63  }
0x76: {  	s23 =	sadd.s32 $0x100, s22  }
0x77: {  	[spmem:s1] =	stream.indirect.scatter.add.f32 [tilespmem:s10], [sflag:$0x1], $0x1, s23, s15, $0xb8;
	[tilespmem:$0x5300] =	vst v63  }
0x78: {  	s23 =	sadd.s32 $0x180, s22  }
0x79: {  	[spmem:s1] =	stream.indirect.scatter.add.f32 [tilespmem:s10], [sflag:$0x1], $0x1, s23, s15, $0xb8;
	[tilespmem:$0x5300] =	vst v63  }
0x7a: {  	s23 =	sadd.s32 $0x200, s22  }
0x7b: {  	[spmem:s1] =	stream.indirect.scatter.add.f32 [tilespmem:s10], [sflag:$0x1], $0x1, s23, s15, $0xb8;
	[tilespmem:$0x5300] =	vst v63  }
0x7c: {  	s23 =	sadd.s32 $0x280, s22  }
0x7d: {  	[spmem:s1] =	stream.indirect.scatter.add.f32 [tilespmem:s10], [sflag:$0x1], $0x1, s23, s15, $0xb8;
	[tilespmem:$0x5300] =	vst v63  }
0x7e: {  	s23 =	sadd.s32 $0x300, s22  }
0x7f: {  	[spmem:s1] =	stream.indirect.scatter.add.f32 [tilespmem:s10], [sflag:$0x1], $0x1, s23, s15, $0xb8;
	[tilespmem:$0x5300] =	vst v63  }
0x80: {  	s23 =	sadd.s32 $0x380, s22  }
0x81: {  	[spmem:s1] =	stream.indirect.scatter.add.f32 [tilespmem:s10], [sflag:$0x1], $0x1, s23, s15, $0xb8;
	[tilespmem:$0x5300] =	vst v63  }
0x82: {  	s23 =	sadd.s32 $0x400, s22  }
0x83: {  	[spmem:s1] =	stream.indirect.scatter.add.f32 [tilespmem:s10], [sflag:$0x1], $0x1, s23, s15, $0xb8;
	[tilespmem:$0x5300] =	vst v63  }
0x84: {  	s23 =	sadd.s32 $0x480, s22  }
0x85: {  	[spmem:s1] =	stream.indirect.scatter.add.f32 [tilespmem:s10], [sflag:$0x1], $0x1, s23, s15, $0xb8;
	[tilespmem:$0x5300] =	vst v63  }
0x86: {  	s23 =	sadd.s32 $0x500, s22  }
0x87: {  	[spmem:s1] =	stream.indirect.scatter.add.f32 [tilespmem:s10], [sflag:$0x1], $0x1, s23, s15, $0xb8;
	[tilespmem:$0x5300] =	vst v63  }
0x88: {  	s23 =	sadd.s32 $0x580, s22  }
0x89: {  	[spmem:s1] =	stream.indirect.scatter.add.f32 [tilespmem:s10], [sflag:$0x1], $0x1, s23, s15, $0xb8;
	[tilespmem:$0x5300] =	vst v63  }
0x8a: {  	s23 =	sadd.s32 $0x600, s22  }
0x8b: {  	[spmem:s1] =	stream.indirect.scatter.add.f32 [tilespmem:s10], [sflag:$0x1], $0x1, s23, s15, $0xb8;
	[tilespmem:$0x5300] =	vst v63  }
0x8c: {  	s23 =	sadd.s32 $0x680, s22  }
0x8d: {  	[spmem:s1] =	stream.indirect.scatter.add.f32 [tilespmem:s10], [sflag:$0x1], $0x1, s23, s15, $0xb8;
	[tilespmem:$0x5300] =	vst v63  }
0x8e: {  	s23 =	sadd.s32 $0x700, s22  }
0x8f: {  	[spmem:s1] =	stream.indirect.scatter.add.f32 [tilespmem:s10], [sflag:$0x1], $0x1, s23, s15, $0xb8;
	[tilespmem:$0x5300] =	vst v63  }
0x90: {  	s22 =	sadd.s32 $0x780, s22  }
0x91: {  	[spmem:s1] =	stream.indirect.scatter.add.f32 [tilespmem:s10], [sflag:$0x1], $0x1, s22, s15, $0xb8;
	[tilespmem:$0x5300] =	vst v63  }
0x92: {  	_ =	swait.ge [sflag:s16], $0x80  }
0x93: {  	[sflag:s16] =	ssyncset.done $0x0  }
0x94: {  	[sflag:s16] =	ssyncadd.s32 $0xFFFFFF80  }
0x95: {  	_ =	swait.ge [sflag:s16], $0x80  }
0x96: {  	[sflag:s16] =	ssyncset.done $0x0  }
0x97: {  	[sflag:s16] =	ssyncadd.s32 $0xFFFFFF80  }
0x98: {  	_ =	swait.ge [sflag:s16], $0x80  }
0x99: {  	[sflag:s16] =	ssyncset.done $0x0  }
0x9a: {  	[sflag:s16] =	ssyncadd.s32 $0xFFFFFF80  }
0x9b: {  	_ =	swait.ge [sflag:s16], $0x80  }
0x9c: {  	[sflag:s16] =	ssyncset.done $0x0  }
0x9d: {  	[sflag:s16] =	ssyncadd.s32 $0xFFFFFF80  }
0x9e: {  	_ =	swait.ge [sflag:s16], $0x80  }
0x9f: {  	[sflag:s16] =	ssyncset.done $0x0  }
0xa0: {  	[sflag:s16] =	ssyncadd.s32 $0xFFFFFF80  }
0xa1: {  	_ =	swait.ge [sflag:s16], $0x80  }
0xa2: {  	[sflag:s16] =	ssyncset.done $0x0  }
0xa3: {  	[sflag:s16] =	ssyncadd.s32 $0xFFFFFF80  }
0xa4: {  	_ =	swait.ge [sflag:s16], $0x80  }
0xa5: {  	[sflag:s16] =	ssyncset.done $0x0  }
0xa6: {  	[sflag:s16] =	ssyncadd.s32 $0xFFFFFF80  }
0xa7: {  	_ =	swait.ge [sflag:s16], $0x80  }
0xa8: {  	[sflag:s16] =	ssyncset.done $0x0  }
0xa9: {  	[sflag:s16] =	ssyncadd.s32 $0xFFFFFF80  }
0xaa: {  	_ =	swait.ge [sflag:s16], $0x80  }
0xab: {  	[sflag:s16] =	ssyncset.done $0x0  }
0xac: {  	[sflag:s16] =	ssyncadd.s32 $0xFFFFFF80  }
0xad: {  	_ =	swait.ge [sflag:s16], $0x80  }
0xae: {  	[sflag:s16] =	ssyncset.done $0x0  }
0xaf: {  	[sflag:s16] =	ssyncadd.s32 $0xFFFFFF80  }
0xb0: {  	_ =	swait.ge [sflag:s16], $0x80  }
0xb1: {  	[sflag:s16] =	ssyncset.done $0x0  }
0xb2: {  	[sflag:s16] =	ssyncadd.s32 $0xFFFFFF80  }
0xb3: {  	_ =	swait.ge [sflag:s16], $0x80  }
0xb4: {  	[sflag:s16] =	ssyncset.done $0x0  }
0xb5: {  	[sflag:s16] =	ssyncadd.s32 $0xFFFFFF80  }
0xb6: {  	_ =	swait.ge [sflag:s16], $0x80  }
0xb7: {  	[sflag:s16] =	ssyncset.done $0x0  }
0xb8: {  	[sflag:s16] =	ssyncadd.s32 $0xFFFFFF80  }
0xb9: {  	_ =	swait.ge [sflag:s16], $0x80  }
0xba: {  	[sflag:s16] =	ssyncset.done $0x0  }
0xbb: {  	[sflag:s16] =	ssyncadd.s32 $0xFFFFFF80  }
.Ltmp0:
0xbc: {  	_ =	swait.ge [sflag:s16], $0x80;
	(pc) =	sbr.rel @p0 .LBB2_2-.Ltmp0, $4  }
0xbd: {  	[sflag:s16] =	ssyncset.done $0x0  }
0xbe: {  	[sflag:s16] =	ssyncadd.s32 $0xFFFFFF80  }
0xbf: {  	_ =	swait.ge [sflag:s16], $0x80  }
0xc0: {  	s23 =	smov.u32 s21;
	[sflag:s16] =	ssyncset.done $0x0  }
0xc1: {  	s20 =	sshra.s32 s20, $0x2;
	[sflag:s16] =	ssyncadd.s32 $0xFFFFFF80  }
0xc2: {  	[spmem:s1] =	stream.indirect.scatter.add.f32 [tilespmem:s10], [sflag:$0x1], $0x1, s20, s15, $0xb8;
	[tilespmem:$0x5300] =	vst v63  }
0xc3: {  	s21 =	sadd.s32 $0x80, s20  }
0xc4: {  	[spmem:s1] =	stream.indirect.scatter.add.f32 [tilespmem:s10], [sflag:$0x1], $0x1, s21, s15, $0xb8;
	[tilespmem:$0x5300] =	vst v63  }
0xc5: {  	s28 =	sadd.s32 $0x100, s20  }
0xc6: {  	[spmem:s1] =	stream.indirect.scatter.add.f32 [tilespmem:s10], [sflag:$0x1], $0x1, s28, s15, $0xb8;
	[tilespmem:$0x5300] =	vst v63  }
0xc7: {  	s29 =	sadd.s32 $0x180, s20  }
0xc8: {  	[spmem:s1] =	stream.indirect.scatter.add.f32 [tilespmem:s10], [sflag:$0x1], $0x1, s29, s15, $0xb8;
	[tilespmem:$0x5300] =	vst v63  }
0xc9: {  	s30 =	sadd.s32 $0x200, s20  }
0xca: {  	[spmem:s1] =	stream.indirect.scatter.add.f32 [tilespmem:s10], [sflag:$0x1], $0x1, s30, s15, $0xb8;
	[tilespmem:$0x5300] =	vst v63  }
0xcb: {  	s31 =	sadd.s32 $0x280, s20  }
0xcc: {  	[spmem:s1] =	stream.indirect.scatter.add.f32 [tilespmem:s10], [sflag:$0x1], $0x1, s31, s15, $0xb8;
	[tilespmem:$0x5300] =	vst v63  }
0xcd: {  	s22 =	sadd.s32 $0x300, s20  }
0xce: {  	[spmem:s1] =	stream.indirect.scatter.add.f32 [tilespmem:s10], [sflag:$0x1], $0x1, s22, s15, $0xb8;
	[tilespmem:$0x5300] =	vst v63  }
0xcf: {  	s23 =	sadd.s32 $0x380, s20  }
0xd0: {  	[spmem:s1] =	stream.indirect.scatter.add.f32 [tilespmem:s10], [sflag:$0x1], $0x1, s23, s15, $0xb8;
	[tilespmem:$0x5300] =	vst v63  }
0xd1: {  	s24 =	sadd.s32 $0x400, s20  }
0xd2: {  	[spmem:s1] =	stream.indirect.scatter.add.f32 [tilespmem:s10], [sflag:$0x1], $0x1, s24, s15, $0xb8;
	[tilespmem:$0x5300] =	vst v63  }
0xd3: {  	s25 =	sadd.s32 $0x480, s20  }
0xd4: {  	[spmem:s1] =	stream.indirect.scatter.add.f32 [tilespmem:s10], [sflag:$0x1], $0x1, s25, s15, $0xb8;
	[tilespmem:$0x5300] =	vst v63  }
0xd5: {  	s26 =	sadd.s32 $0x500, s20  }
0xd6: {  	[spmem:s1] =	stream.indirect.scatter.add.f32 [tilespmem:s10], [sflag:$0x1], $0x1, s26, s15, $0xb8;
	[tilespmem:$0x5300] =	vst v63  }
0xd7: {  	s28 =	sadd.s32 $0x580, s20  }
0xd8: {  	[spmem:s1] =	stream.indirect.scatter.add.f32 [tilespmem:s10], [sflag:$0x1], $0x1, s28, s15, $0xb8;
	[tilespmem:$0x5300] =	vst v63  }
0xd9: {  	s29 =	sadd.s32 $0x600, s20  }
0xda: {  	[spmem:s1] =	stream.indirect.scatter.add.f32 [tilespmem:s10], [sflag:$0x1], $0x1, s29, s15, $0xb8;
	[tilespmem:$0x5300] =	vst v63  }
0xdb: {  	s30 =	sadd.s32 $0x680, s20  }
0xdc: {  	[spmem:s1] =	stream.indirect.scatter.add.f32 [tilespmem:s10], [sflag:$0x1], $0x1, s30, s15, $0xb8;
	[tilespmem:$0x5300] =	vst v63  }
0xdd: {  	s31 =	sadd.s32 $0x700, s20  }
0xde: {  	[spmem:s1] =	stream.indirect.scatter.add.f32 [tilespmem:s10], [sflag:$0x1], $0x1, s31, s15, $0xb8;
	[tilespmem:$0x5300] =	vst v63  }
0xdf: {  	s20 =	sadd.s32 $0x780, s20  }
0xe0: {  	[spmem:s1] =	stream.indirect.scatter.add.f32 [tilespmem:s10], [sflag:$0x1], $0x1, s20, s15, $0xb8;
	[tilespmem:$0x5300] =	vst v63  }
0xe1: {  	_ =	swait.ge [sflag:s16], $0x80  }
0xe2: {  	[sflag:s16] =	ssyncset.done $0x0  }
0xe3: {  	[sflag:s16] =	ssyncadd.s32 $0xFFFFFF80  }
0xe4: {  	_ =	swait.ge [sflag:s16], $0x80  }
0xe5: {  	[sflag:s16] =	ssyncset.done $0x0  }
0xe6: {  	[sflag:s16] =	ssyncadd.s32 $0xFFFFFF80  }
0xe7: {  	_ =	swait.ge [sflag:s16], $0x80  }
0xe8: {  	[sflag:s16] =	ssyncset.done $0x0  }
0xe9: {  	[sflag:s16] =	ssyncadd.s32 $0xFFFFFF80  }
0xea: {  	_ =	swait.ge [sflag:s16], $0x80  }
0xeb: {  	[sflag:s16] =	ssyncset.done $0x0  }
0xec: {  	[sflag:s16] =	ssyncadd.s32 $0xFFFFFF80  }
0xed: {  	_ =	swait.ge [sflag:s16], $0x80  }
0xee: {  	[sflag:s16] =	ssyncset.done $0x0  }
0xef: {  	[sflag:s16] =	ssyncadd.s32 $0xFFFFFF80  }
0xf0: {  	_ =	swait.ge [sflag:s16], $0x80  }
0xf1: {  	[sflag:s16] =	ssyncset.done $0x0  }
0xf2: {  	[sflag:s16] =	ssyncadd.s32 $0xFFFFFF80  }
0xf3: {  	_ =	swait.ge [sflag:s16], $0x80  }
0xf4: {  	[sflag:s16] =	ssyncset.done $0x0  }
0xf5: {  	[sflag:s16] =	ssyncadd.s32 $0xFFFFFF80  }
0xf6: {  	_ =	swait.ge [sflag:s16], $0x80  }
0xf7: {  	[sflag:s16] =	ssyncset.done $0x0  }
0xf8: {  	[sflag:s16] =	ssyncadd.s32 $0xFFFFFF80  }
0xf9: {  	_ =	swait.ge [sflag:s16], $0x80  }
0xfa: {  	[sflag:s16] =	ssyncset.done $0x0  }
0xfb: {  	[sflag:s16] =	ssyncadd.s32 $0xFFFFFF80  }
0xfc: {  	_ =	swait.ge [sflag:s16], $0x80  }
0xfd: {  	[sflag:s16] =	ssyncset.done $0x0  }
0xfe: {  	[sflag:s16] =	ssyncadd.s32 $0xFFFFFF80  }
0xff: {  	_ =	swait.ge [sflag:s16], $0x80  }
0x100: {  	[sflag:s16] =	ssyncset.done $0x0  }
0x101: {  	[sflag:s16] =	ssyncadd.s32 $0xFFFFFF80  }
0x102: {  	_ =	swait.ge [sflag:s16], $0x80  }
0x103: {  	[sflag:s16] =	ssyncset.done $0x0  }
0x104: {  	[sflag:s16] =	ssyncadd.s32 $0xFFFFFF80  }
0x105: {  	_ =	swait.ge [sflag:s16], $0x80  }
0x106: {  	[sflag:s16] =	ssyncset.done $0x0  }
0x107: {  	[sflag:s16] =	ssyncadd.s32 $0xFFFFFF80  }
0x108: {  	_ =	swait.ge [sflag:s16], $0x80  }
0x109: {  	[sflag:s16] =	ssyncset.done $0x0  }
0x10a: {  	[sflag:s16] =	ssyncadd.s32 $0xFFFFFF80  }
0x10b: {  	_ =	swait.ge [sflag:s16], $0x80  }
0x10c: {  	[sflag:s16] =	ssyncset.done $0x0  }
0x10d: {  	[sflag:s16] =	ssyncadd.s32 $0xFFFFFF80  }
0x10e: {  	_ =	swait.ge [sflag:s16], $0x80  }
0x10f: {  	s19 =	sadd.s32 $0x1, s19;
	[sflag:s16] =	ssyncset.done $0x0  }
0x110: {  	p0 =	sne.s32 s19, s9;
	[sflag:s16] =	ssyncadd.s32 $0xFFFFFF80  }
.Ltmp1:
0x111: {  	[bflag:$0x0] =	sbarrier.arrive $0xFFFF;
	(pc) =	sbr.rel @p0 .LBB2_1-.Ltmp1, $4  }
0x112: {  	[hbm:s8@s17], [sflag:s12] =	dma.strided [spmem:s13@s18], $0x50, s16, $0x10   }
0x113: {  	_ =	swait.ge [sflag:s11], $0x50  }
0x114: {  	[sflag:s11] =	ssyncset.done $0x0  }
0x115: {  	[sflag:s11] =	ssyncadd.s32 $0xFFFFFFB0  }
0x116: {  	_ =	sfence.sel $0x180000  }
0x117: {  	[bflag:$0x0] =	sbarrier.arrive $0xFFFF  }
0x118: {  	p0 =	sne.s32 s3, $0x0;
	_ =	strace $0x90000047  }
0x119: {  	s0 =	sadd.s32 @!p0 $0x100000, s0;
	[bflag:$0x2] =	sbarrier.arrive $0xFFFF  }
0x11a: {  	[sflag:s0] =	ssyncadd.tile.s32 @!p0 $0x1;
	_ =	shalt  }
.Lfunc_end2:
_tile_overlayer_lowered:
.L_overlay_start_2:
0x11b: {  	(tag) =	ssettag $0x2  }
0x11c: {  	s0 =	rddreg [dreg:$0x0];
	s2 =	stileid.u32  }
0x11d: {  	s1 =	rddreg [dreg:$0x1];
	p0 =	sne.s32 s2, $0x0  }
0x11e: {  	s3 =	rddreg [dreg:$0x2];
	[bflag:$0x3] =	sbarrier.arrive $0xFFFF;
	s2 =	simm.s32 @!p0 $0x1C02  }
0x11f: {  	[timem:s3], [sflag:s2] =	dma.local @!p0 [hbm:s0], s1  }
0x120: {  	s0 =	simm.s32 @!p0 $0x2  }
0x121: {  	_ =	swait.ge @!p0 [sflag:s0], s1  }
0x122: {  	s1 =	ssub.s32 @!p0 $0x0, s1;
	[sflag:s0] =	ssyncset.done @!p0 $0x0  }
0x123: {  	[sflag:s0] =	ssyncadd.s32 @!p0 s1  }
0x124: {  	[bflag:$0x3] =	sbarrier.arrive $0xFFFF  }
0x125: {  	_ =	shalt  }

</sc_bundles>
